<compile_context>
chip_gen: v7x
topology: tpu7x:2x2x1
jax: 0.10.2.dev20260603
libtpu: 0.0.44.dev20260713+nightly
codegen_flags: <defaults>
</compile_context>

<pallas_src>
import jax
import jax.numpy as jnp
from jax import lax
from jax.experimental import pallas as pl
from jax.experimental.pallas import tpu as pltpu
from jax.experimental.pallas import tpu_sc as plsc

N = 10000
NP = 10240
E = 320000
H = 128
G = 256
T = 10

NC = 2
NS = 16
EPT = E // (NC * NS)
CH = 125
NCH = EPT // CH
GRP = 40
NG = NCH // GRP
RPT = NP // NS



def _make_agg(nh: int):
    mesh = plsc.VectorSubcoreMesh(core_axis_name="c", subcore_axis_name="s")
    out_type = jax.ShapeDtypeStruct((NC, NP, H), jnp.float32)
    scratch = [
        pltpu.VMEM_SHARED((NP, H), jnp.float32),
        pltpu.VMEM((GRP, CH), jnp.int32),
        pltpu.VMEM((GRP, CH), jnp.int32),
        pltpu.VMEM((CH, H), jnp.float32),
        pltpu.VMEM((CH, H), jnp.float32),
        pltpu.SemaphoreType.DMA,
        pltpu.SemaphoreType.DMA,
        pltpu.SemaphoreType.DMA,
        pltpu.SemaphoreType.DMA,
    ]

    def body(h_hbm, src_hbm, dst_hbm, z2_hbm, agg_hbm,
             agg_sh, srcv, dstv, rows0, rows1, sem0, sem1, ses0, ses1):
        c = lax.axis_index("c")
        s = lax.axis_index("s")
        w = c * NS + s
        pltpu.sync_copy(z2_hbm, agg_sh.at[pl.ds(s * RPT, RPT)])
        plsc.subcore_barrier()

        def sl(i):
            return srcv.at[i]

        def group(g, carry):
            r0 = w * NCH + g * GRP
            pltpu.sync_copy(src_hbm.at[pl.ds(r0, GRP)], srcv)
            pltpu.sync_copy(dst_hbm.at[pl.ds(r0, GRP)], dstv)
            pltpu.async_copy(h_hbm.at[sl(0)], rows0, sem0)
            pltpu.async_copy(h_hbm.at[sl(1)], rows1, sem1)

            def it(p, carry2):
                i = 2 * p
                pltpu.make_async_copy(h_hbm.at[sl(i)], rows0, sem0).wait()
                pltpu.sync_copy(rows0, agg_sh.at[dstv.at[i]], add=True)
                pltpu.async_copy(h_hbm.at[sl(i + 2)], rows0, sem0)
                pltpu.make_async_copy(h_hbm.at[sl(i + 1)], rows1,
                                      sem1).wait()
                pltpu.sync_copy(rows1, agg_sh.at[dstv.at[i + 1]], add=True)
                pltpu.async_copy(h_hbm.at[sl(i + 3)], rows1, sem1)
                return carry2

            lax.fori_loop(0, GRP // 2 - 1, it, 0)
            pltpu.make_async_copy(h_hbm.at[sl(GRP - 2)], rows0,
                                  sem0).wait()
            pltpu.sync_copy(rows0, agg_sh.at[dstv.at[GRP - 2]], add=True)
            pltpu.make_async_copy(h_hbm.at[sl(GRP - 1)], rows1,
                                  sem1).wait()
            pltpu.sync_copy(rows1, agg_sh.at[dstv.at[GRP - 1]], add=True)
            return carry

        lax.fori_loop(0, NG, group, 0)
        plsc.subcore_barrier()
        pltpu.sync_copy(agg_sh.at[pl.ds(s * RPT, RPT)],
                        agg_hbm.at[c, pl.ds(s * RPT, RPT)])

    return pl.kernel(body, mesh=mesh, out_type=out_type, scratch_types=scratch)


def _scatter_agg(h, src2d, dst2d):
    z2 = jnp.zeros((RPT, H), jnp.float32)
    return _make_agg(h.shape[0])(h, src2d, dst2d, z2)


def _make_count():
    mesh = plsc.VectorSubcoreMesh(core_axis_name="c", subcore_axis_name="s")
    out_type = jax.ShapeDtypeStruct((NC, NP, H), jnp.float32)
    KD = 16
    scratch = [
        pltpu.VMEM_SHARED((NP, H), jnp.float32),
        pltpu.VMEM((NCH, CH), jnp.int32),
        pltpu.VMEM((CH, H), jnp.float32),
        pltpu.SemaphoreType.DMA,
    ]

    def body(dst_hbm, z2_hbm, o2_hbm, cnt_hbm, cnt_sh, dstv, onesv, sem):
        c = lax.axis_index("c")
        s = lax.axis_index("s")
        w = c * NS + s
        pltpu.sync_copy(dst_hbm.at[pl.ds(w * NCH, NCH)], dstv)
        pltpu.sync_copy(z2_hbm, cnt_sh.at[pl.ds(s * RPT, RPT)])
        pltpu.sync_copy(o2_hbm, onesv)
        plsc.subcore_barrier()

        def it(q, carry2):
            for k in range(KD):
                pltpu.async_copy(onesv, cnt_sh.at[dstv.at[q * KD + k]],
                                 sem, add=True)
            for k in range(KD):
                pltpu.make_async_copy(onesv,
                                      cnt_sh.at[dstv.at[q * KD + k]],
                                      sem).wait()
            return carry2

        lax.fori_loop(0, NCH // KD, it, 0)
        plsc.subcore_barrier()
        pltpu.sync_copy(cnt_sh.at[pl.ds(s * RPT, RPT)],
                        cnt_hbm.at[c, pl.ds(s * RPT, RPT)])

    return pl.kernel(body, mesh=mesh, out_type=out_type, scratch_types=scratch)


def _count(dst2d):
    z2 = jnp.zeros((RPT, H), jnp.float32)
    o2 = jnp.ones((CH, H), jnp.float32)
    return _make_count()(dst2d, z2, o2)



def _mlp0_body(x_ref, wa_ref, wb_ref, o_ref):
    h = jnp.maximum(
        jnp.dot(x_ref[...], wa_ref[...], preferred_element_type=jnp.float32), 0.0)
    o_ref[...] = jnp.maximum(
        jnp.dot(h, wb_ref[...], preferred_element_type=jnp.float32), 0.0)


def _mlp0(x, wa, wb):
    n = x.shape[0]
    blk = 2000
    return pl.pallas_call(
        _mlp0_body,
        grid=(n // blk,),
        in_specs=[pl.BlockSpec((blk, H), lambda i: (i, 0)),
                  pl.BlockSpec((H, H), lambda i: (0, 0)),
                  pl.BlockSpec((H, H), lambda i: (0, 0))],
        out_specs=pl.BlockSpec((blk, H), lambda i: (i, 0)),
        out_shape=jax.ShapeDtypeStruct((n, H), jnp.float32),
    )(x, wa, wb)


def _mlp1_body(a_ref, c_ref, wa_ref, wb_ref, o_ref, inv_ref):
    cnt = c_ref[0, :, 0] + c_ref[1, :, 0]
    inv = 1.0 / jnp.maximum(cnt, 1.0)
    inv_ref[...] = inv[:, None]
    mean = (a_ref[0] + a_ref[1]) * inv[:, None]
    h = jnp.maximum(
        jnp.dot(mean, wa_ref[...], preferred_element_type=jnp.float32), 0.0)
    o_ref[...] = jnp.maximum(
        jnp.dot(h, wb_ref[...], preferred_element_type=jnp.float32), 0.0)


def _mlp1(a, c, wa, wb):
    blk = 1280
    return pl.pallas_call(
        _mlp1_body,
        grid=(NP // blk,),
        in_specs=[pl.BlockSpec((NC, blk, H), lambda i: (0, i, 0)),
                  pl.BlockSpec((NC, blk, H), lambda i: (0, i, 0)),
                  pl.BlockSpec((H, H), lambda i: (0, 0)),
                  pl.BlockSpec((H, H), lambda i: (0, 0))],
        out_specs=[pl.BlockSpec((blk, H), lambda i: (i, 0)),
                   pl.BlockSpec((blk, 1), lambda i: (i, 0))],
        out_shape=[jax.ShapeDtypeStruct((NP, H), jnp.float32),
                   jax.ShapeDtypeStruct((NP, 1), jnp.float32)],
    )(a, c, wa, wb)



def _mlp2_head_body(a_ref, inv_ref, wa_ref, wb_ref, b_ref,
                    wout_ref, bout_ref, o_ref, p_ref, psum, pcnt):
    i = pl.program_id(0)
    nb = pl.num_programs(0)

    @pl.when(i == 0)
    def _():
        psum[...] = jnp.zeros_like(psum)
        pcnt[...] = jnp.zeros_like(pcnt)

    mean = (a_ref[0] + a_ref[1]) * inv_ref[...]
    h = jnp.maximum(
        jnp.dot(mean, wa_ref[...], preferred_element_type=jnp.float32), 0.0)
    x3 = jnp.maximum(
        jnp.dot(h, wb_ref[...], preferred_element_type=jnp.float32), 0.0)
    o_ref[...] = x3

    b = b_ref[0, 0, :]
    blk = b.shape[0]
    gids = lax.broadcasted_iota(jnp.int32, (blk, G), 1)
    mask = (b[:, None] == gids).astype(jnp.float32)
    psum[...] += lax.dot_general(mask, x3,
                                 (((0,), (0,)), ((), ())),
                                 preferred_element_type=jnp.float32)
    pcnt[...] += lax.dot_general(mask, jnp.ones((blk, H), jnp.float32),
                                 (((0,), (0,)), ((), ())),
                                 preferred_element_type=jnp.float32)

    @pl.when(i == nb - 1)
    def _():
        pooled = psum[...] / jnp.maximum(pcnt[...], 1.0)
        logits = jnp.dot(pooled, wout_ref[...],
                         preferred_element_type=jnp.float32) + bout_ref[...]
        m = jnp.max(logits, axis=-1, keepdims=True)
        e = jnp.exp(logits - m)
        p = e / jnp.sum(e, axis=-1, keepdims=True)
        p_ref[...] = jnp.clip(p, 1e-8, 1.0)


def _mlp2_head(a, inv, wa, wb, batch3d, wout, bout2d):
    blk = 1280
    return pl.pallas_call(
        _mlp2_head_body,
        grid=(NP // blk,),
        in_specs=[pl.BlockSpec((NC, blk, H), lambda i: (0, i, 0)),
                  pl.BlockSpec((blk, 1), lambda i: (i, 0)),
                  pl.BlockSpec((H, H), lambda i: (0, 0)),
                  pl.BlockSpec((H, H), lambda i: (0, 0)),
                  pl.BlockSpec((1, 1, blk), lambda i: (i, 0, 0)),
                  pl.BlockSpec((H, T), lambda i: (0, 0)),
                  pl.BlockSpec((1, T), lambda i: (0, 0))],
        out_specs=[pl.BlockSpec((blk, H), lambda i: (i, 0)),
                   pl.BlockSpec((G, T), lambda i: (0, 0))],
        out_shape=[jax.ShapeDtypeStruct((NP, H), jnp.float32),
                   jax.ShapeDtypeStruct((G, T), jnp.float32)],
        scratch_shapes=[pltpu.VMEM((G, H), jnp.float32),
                        pltpu.VMEM((G, H), jnp.float32)],
    )(a, inv, wa, wb, batch3d, wout, bout2d)



def kernel(x, edge_index, edge_attr, batch, W0a, W0b, W1a, W1b, W2a, W2b,
           Wout, bout):
    src2d = edge_index[0].reshape(E // CH, CH)
    dst2d = edge_index[1].reshape(E // CH, CH)

    cnt = _count(dst2d)
    x1 = _mlp0(x, W0a, W0b)
    dst2d_g, _ = lax.optimization_barrier((dst2d, cnt[0, 0, 0]))
    agg1 = _scatter_agg(x1, src2d, dst2d_g)
    x2p, inv = _mlp1(agg1, cnt, W1a, W1b)
    agg2 = _scatter_agg(x2p, src2d, dst2d)

    batch_pad = jnp.concatenate(
        [batch, jnp.full((NP - N,), G, jnp.int32)]).reshape(NP // 1280, 1, 1280)
    x3p, p = _mlp2_head(agg2, inv, W2a, W2b, batch_pad,
                        Wout, bout.reshape(1, T))

    node_embeddings = jnp.concatenate([x1, x2p[:N], x3p[:N]], axis=1)
    return (p, node_embeddings)

# --- scband reference (transcript-rebuilt; emitter-appended) ---
"""Pipeline reference for scband-gmdntransition-10161892622638 (READ-ONLY COPY).

The authoritative reference and input builder live on the scoring server;
editing this copy changes nothing except your own understanding.
"""

import jax, jax.numpy as jnp
import numpy as np

N = 10000
E = 320000
D = 128
H = 128
T = 10
G = 256
DE = 4


def setup_inputs(seed: int = 0):
    key = jax.random.key(seed)
    ks = jax.random.split(key, 12)
    x = jax.random.normal(ks[0], (N, D), dtype=jnp.float32)
    edge_index = jax.random.randint(ks[1], (2, E), 0, N, dtype=jnp.int32)
    edge_attr = jax.random.normal(ks[2], (E, DE), dtype=jnp.float32)
    batch = jnp.sort(jax.random.randint(ks[3], (N,), 0, G, dtype=jnp.int32))
    s = 1.0 / np.sqrt(H)
    W0a = jax.random.normal(ks[4], (D, H), dtype=jnp.float32) * s
    W0b = jax.random.normal(ks[5], (H, H), dtype=jnp.float32) * s
    W1a = jax.random.normal(ks[6], (H, H), dtype=jnp.float32) * s
    W1b = jax.random.normal(ks[7], (H, H), dtype=jnp.float32) * s
    W2a = jax.random.normal(ks[8], (H, H), dtype=jnp.float32) * s
    W2b = jax.random.normal(ks[9], (H, H), dtype=jnp.float32) * s
    Wout = jax.random.normal(ks[10], (H, T), dtype=jnp.float32) * s
    bout = jnp.zeros((T,), dtype=jnp.float32)
    return {"x": x, "edge_index": edge_index, "edge_attr": edge_attr, "batch": batch,
            "W0a": W0a, "W0b": W0b, "W1a": W1a, "W1b": W1b, "W2a": W2a, "W2b": W2b,
            "Wout": Wout, "bout": bout}


def _mlp(h, Wa, Wb):
    return jax.nn.relu(jax.nn.relu(h @ Wa) @ Wb)


def reference(x, edge_index, edge_attr, batch, W0a, W0b, W1a, W1b, W2a, W2b, Wout, bout):
    # use_edge_attr=False in config: edge_attr is accepted but unused, matching the torch module
    src = edge_index[0]
    dst = edge_index[1]
    n = x.shape[0]

    def conv(h, Wa, Wb):
        # GMDNConv with mean neighborhood aggregation: gather x_j at src, scatter-mean into dst, then MLP
        msgs = h[src]
        agg = jnp.zeros((n, h.shape[1]), h.dtype).at[dst].add(msgs)
        cnt = jnp.zeros((n,), h.dtype).at[dst].add(1.0)
        mean = agg / jnp.clip(cnt, 1.0, None)[:, None]
        return _mlp(mean, Wa, Wb)

    x1 = _mlp(x, W0a, W0b)
    x2 = conv(x1, W1a, W1b)
    x3 = conv(x2, W2a, W2b)
    node_embeddings = jnp.concatenate([x1, x2, x3], axis=1)
    # global mean pool over graphs in the batch
    psum = jax.ops.segment_sum(x3, batch, num_segments=G)
    pcnt = jax.ops.segment_sum(jnp.ones((n,), x.dtype), batch, num_segments=G)
    pooled = psum / jnp.clip(pcnt, 1.0, None)[:, None]
    out = pooled @ Wout + bout
    out = out - jnp.max(out, axis=-1, keepdims=True)
    p_Q_given_x = jnp.clip(jax.nn.softmax(out, axis=-1), 1e-08, 1.0)
    return (p_Q_given_x, node_embeddings)

if __name__ == "__main__":
    import jax
    _d = setup_inputs()
    print(jax.jit(kernel)(*tuple(_d.values())))

</pallas_src>

<mosaic_0001>
#map = affine_map<(d0, d1) -> (0, 0)>
#map1 = affine_map<(d0, d1) -> (0, 0, 0)>
module attributes {stable_mosaic.version = 14 : i64} {
  func.func @body(%arg0: i32, %arg1: i32, %arg2: memref<10000x128xf32, #tpu.memory_space<hbm>>, %arg3: memref<2560x125xi32, #tpu.memory_space<hbm>>, %arg4: memref<2560x125xi32, #tpu.memory_space<hbm>>, %arg5: memref<640x128xf32, #tpu.memory_space<hbm>>, %arg6: memref<2x10240x128xf32, #tpu.memory_space<hbm>>, %arg7: memref<10240x128xf32, #tpu.memory_space<vmem_shared>>, %arg8: memref<40x125xi32, #tpu.memory_space<vmem>>, %arg9: memref<40x125xi32, #tpu.memory_space<vmem>>, %arg10: memref<125x128xf32, #tpu.memory_space<vmem>>, %arg11: memref<125x128xf32, #tpu.memory_space<vmem>>, %arg12: memref<!tpu.dma_semaphore, #tpu.memory_space<semaphore_mem>>, %arg13: memref<!tpu.dma_semaphore, #tpu.memory_space<semaphore_mem>>, %arg14: memref<!tpu.dma_semaphore, #tpu.memory_space<semaphore_mem>>, %arg15: memref<!tpu.dma_semaphore, #tpu.memory_space<semaphore_mem>>) attributes {dimension_semantics = [#tpu.dimension_semantics<core_parallel>, #tpu.dimension_semantics<subcore_parallel>], iteration_bounds = array<i64: 2, 16>, scalar_prefetch = 0 : i64, scratch_operands = 9 : i64, tpu.core_type = #tpu.core_type<sc_vector_subcore>, window_params = [{transform_indices = #map}, {transform_indices = #map}, {transform_indices = #map}, {transform_indices = #map}, {transform_indices = #map1}]} {
    %mul3A = arith.constant 16 : i32
    %mul3A_0 = arith.muli %arg0, %mul3A : i32
    %add3A = arith.addi %mul3A_0, %arg1 : i32
    %mul3A_1 = arith.constant 640 : i32
    %mul3A_2 = arith.muli %arg1, %mul3A_1 : i32
    "tpu.region"() ({
      %run_scoped3A = tpu.sem_alloc : memref<!tpu.dma_semaphore, #tpu.memory_space<semaphore_mem>>
      %dma_start3A = arith.constant 0 : i32
      %dma_start3A_13 = tpu.memref_slice %arg7[%mul3A_2, %dma_start3A] : memref<10240x128xf32, #tpu.memory_space<vmem_shared>> -> memref<640x128xf32, #tpu.memory_space<vmem_shared>>
      tpu.enqueue_dma source(%arg5 : memref<640x128xf32, #tpu.memory_space<hbm>>) target(%dma_start3A_13 : memref<640x128xf32, #tpu.memory_space<vmem_shared>>) target_semaphore(%run_scoped3A : memref<!tpu.dma_semaphore, #tpu.memory_space<semaphore_mem>>)
      %dma_wait3A = arith.constant 0 : i32
      %dma_wait3A_14 = tpu.memref_slice %arg7[%mul3A_2, %dma_wait3A] : memref<10240x128xf32, #tpu.memory_space<vmem_shared>> -> memref<640x128xf32, #tpu.memory_space<vmem_shared>>
      tpu.wait_dma2 semaphore(%run_scoped3A : memref<!tpu.dma_semaphore, #tpu.memory_space<semaphore_mem>>) src(%arg5 : memref<640x128xf32, #tpu.memory_space<hbm>>) dst(%dma_wait3A_14 : memref<640x128xf32, #tpu.memory_space<vmem_shared>>)
      tpu.yield
    }) : () -> ()
    %barrier3A = arith.constant 0 : index
    tpu.barrier barrier_id(%barrier3A)
    %scan3A = arith.constant 0 : i32
    %scan3A_3 = arith.constant 0 : i32
    %scan3A_4 = arith.constant 2 : i32
    %scan3A_5 = arith.addi %scan3A_3, %scan3A_4 : i32
    %scan3A_6 = arith.constant 1 : i32
    scf.for %scan3A_13 = %scan3A_3 to %scan3A_5 step %scan3A_6  : i32 {
      %mul3A_14 = arith.constant 80 : i32
      %mul3A_15 = arith.muli %add3A, %mul3A_14 : i32
      %mul3A_16 = arith.constant 40 : i32
      %mul3A_17 = arith.muli %scan3A_13, %mul3A_16 : i32
      %add3A_18 = arith.addi %mul3A_15, %mul3A_17 : i32
      "tpu.region"() ({
        %run_scoped3A_52 = tpu.sem_alloc : memref<!tpu.dma_semaphore, #tpu.memory_space<semaphore_mem>>
        %dma_start3A_53 = arith.constant 0 : i32
        %dma_start3A_54 = tpu.memref_slice %arg3[%add3A_18, %dma_start3A_53] : memref<2560x125xi32, #tpu.memory_space<hbm>> -> memref<40x125xi32, #tpu.memory_space<hbm>>
        %dma_start3A_55 = arith.constant 0 : i32
        %dma_start3A_56 = tpu.memref_slice %arg3[%add3A_18, %dma_start3A_55] : memref<2560x125xi32, #tpu.memory_space<hbm>> -> memref<40x125xi32, #tpu.memory_space<hbm>>
        tpu.enqueue_dma source(%dma_start3A_56 : memref<40x125xi32, #tpu.memory_space<hbm>>) target(%arg8 : memref<40x125xi32, #tpu.memory_space<vmem>>) target_semaphore(%run_scoped3A_52 : memref<!tpu.dma_semaphore, #tpu.memory_space<semaphore_mem>>)
        %dma_wait3A_57 = arith.constant 0 : i32
        %dma_wait3A_58 = tpu.memref_slice %arg3[%add3A_18, %dma_wait3A_57] : memref<2560x125xi32, #tpu.memory_space<hbm>> -> memref<40x125xi32, #tpu.memory_space<hbm>>
        %dma_wait3A_59 = arith.constant 0 : i32
        %dma_wait3A_60 = tpu.memref_slice %arg3[%add3A_18, %dma_wait3A_59] : memref<2560x125xi32, #tpu.memory_space<hbm>> -> memref<40x125xi32, #tpu.memory_space<hbm>>
        tpu.wait_dma2 semaphore(%run_scoped3A_52 : memref<!tpu.dma_semaphore, #tpu.memory_space<semaphore_mem>>) src(%dma_wait3A_60 : memref<40x125xi32, #tpu.memory_space<hbm>>) dst(%arg8 : memref<40x125xi32, #tpu.memory_space<vmem>>)
        tpu.yield
      }) : () -> ()
      "tpu.region"() ({
        %run_scoped3A_52 = tpu.sem_alloc : memref<!tpu.dma_semaphore, #tpu.memory_space<semaphore_mem>>
        %dma_start3A_53 = arith.constant 0 : i32
        %dma_start3A_54 = tpu.memref_slice %arg4[%add3A_18, %dma_start3A_53] : memref<2560x125xi32, #tpu.memory_space<hbm>> -> memref<40x125xi32, #tpu.memory_space<hbm>>
        %dma_start3A_55 = arith.constant 0 : i32
        %dma_start3A_56 = tpu.memref_slice %arg4[%add3A_18, %dma_start3A_55] : memref<2560x125xi32, #tpu.memory_space<hbm>> -> memref<40x125xi32, #tpu.memory_space<hbm>>
        tpu.enqueue_dma source(%dma_start3A_56 : memref<40x125xi32, #tpu.memory_space<hbm>>) target(%arg9 : memref<40x125xi32, #tpu.memory_space<vmem>>) target_semaphore(%run_scoped3A_52 : memref<!tpu.dma_semaphore, #tpu.memory_space<semaphore_mem>>)
        %dma_wait3A_57 = arith.constant 0 : i32
        %dma_wait3A_58 = tpu.memref_slice %arg4[%add3A_18, %dma_wait3A_57] : memref<2560x125xi32, #tpu.memory_space<hbm>> -> memref<40x125xi32, #tpu.memory_space<hbm>>
        %dma_wait3A_59 = arith.constant 0 : i32
        %dma_wait3A_60 = tpu.memref_slice %arg4[%add3A_18, %dma_wait3A_59] : memref<2560x125xi32, #tpu.memory_space<hbm>> -> memref<40x125xi32, #tpu.memory_space<hbm>>
        tpu.wait_dma2 semaphore(%run_scoped3A_52 : memref<!tpu.dma_semaphore, #tpu.memory_space<semaphore_mem>>) src(%dma_wait3A_60 : memref<40x125xi32, #tpu.memory_space<hbm>>) dst(%arg9 : memref<40x125xi32, #tpu.memory_space<vmem>>)
        tpu.yield
      }) : () -> ()
      %dma_start3A = arith.constant 0 : i32
      %dma_start3A_19 = arith.constant 0 : i32
      %dma_start3A_20 = tpu.memref_slice %arg8[%dma_start3A, %dma_start3A_19] : memref<40x125xi32, #tpu.memory_space<vmem>> -> memref<1x125xi32, #tpu.memory_space<vmem>>
      %dma_start3A_21 = tpu.memref_squeeze %dma_start3A_20 : memref<1x125xi32, #tpu.memory_space<vmem>> -> memref<125xi32, #tpu.memory_space<vmem>>
      %dma_start3A_22 = arith.constant 0 : i32
      %dma_start3A_23 = arith.constant 0 : i32
      %dma_start3A_24 = tpu.memref_slice %arg2[%dma_start3A_22, %dma_start3A_23] : memref<10000x128xf32, #tpu.memory_space<hbm>> -> memref<10000x128xf32, #tpu.memory_space<hbm>>
      tpu.enqueue_indirect_dma source(%dma_start3A_24 : memref<10000x128xf32, #tpu.memory_space<hbm>>) target(%arg10 : memref<125x128xf32, #tpu.memory_space<vmem>>) offsets(%dma_start3A_21 : memref<125xi32, #tpu.memory_space<vmem>>) semaphore(%arg12 : memref<!tpu.dma_semaphore, #tpu.memory_space<semaphore_mem>>)
      %dma_start3A_25 = arith.constant 1 : i32
      %dma_start3A_26 = arith.constant 0 : i32
      %dma_start3A_27 = tpu.memref_slice %arg8[%dma_start3A_25, %dma_start3A_26] : memref<40x125xi32, #tpu.memory_space<vmem>> -> memref<1x125xi32, #tpu.memory_space<vmem>>
      %dma_start3A_28 = tpu.memref_squeeze %dma_start3A_27 : memref<1x125xi32, #tpu.memory_space<vmem>> -> memref<125xi32, #tpu.memory_space<vmem>>
      %dma_start3A_29 = arith.constant 0 : i32
      %dma_start3A_30 = arith.constant 0 : i32
      %dma_start3A_31 = tpu.memref_slice %arg2[%dma_start3A_29, %dma_start3A_30] : memref<10000x128xf32, #tpu.memory_space<hbm>> -> memref<10000x128xf32, #tpu.memory_space<hbm>>
      tpu.enqueue_indirect_dma source(%dma_start3A_31 : memref<10000x128xf32, #tpu.memory_space<hbm>>) target(%arg11 : memref<125x128xf32, #tpu.memory_space<vmem>>) offsets(%dma_start3A_28 : memref<125xi32, #tpu.memory_space<vmem>>) semaphore(%arg13 : memref<!tpu.dma_semaphore, #tpu.memory_space<semaphore_mem>>)
      %scan3A_32 = arith.constant 0 : i32
      %scan3A_33 = arith.constant 0 : i32
      %scan3A_34 = arith.constant 19 : i32
      %scan3A_35 = arith.addi %scan3A_33, %scan3A_34 : i32
      %scan3A_36 = arith.constant 1 : i32
      scf.for %scan3A_52 = %scan3A_33 to %scan3A_35 step %scan3A_36  : i32 {
        %mul3A_53 = arith.constant 2 : i32
        %mul3A_54 = arith.muli %mul3A_53, %scan3A_52 : i32
        %dma_wait3A_55 = arith.constant 0 : i32
        %dma_wait3A_56 = tpu.memref_slice %arg8[%mul3A_54, %dma_wait3A_55] : memref<40x125xi32, #tpu.memory_space<vmem>> -> memref<1x125xi32, #tpu.memory_space<vmem>>
        %dma_wait3A_57 = tpu.memref_squeeze %dma_wait3A_56 : memref<1x125xi32, #tpu.memory_space<vmem>> -> memref<125xi32, #tpu.memory_space<vmem>>
        %dma_wait3A_58 = arith.constant 0 : i32
        %dma_wait3A_59 = arith.constant 0 : i32
        %dma_wait3A_60 = tpu.memref_slice %arg2[%dma_wait3A_58, %dma_wait3A_59] : memref<10000x128xf32, #tpu.memory_space<hbm>> -> memref<10000x128xf32, #tpu.memory_space<hbm>>
        tpu.wait_indirect_dma semaphore(%arg12 : memref<!tpu.dma_semaphore, #tpu.memory_space<semaphore_mem>>) src(%dma_wait3A_60 : memref<10000x128xf32, #tpu.memory_space<hbm>>) dst(%arg10 : memref<125x128xf32, #tpu.memory_space<vmem>>)
        "tpu.region"() ({
          %run_scoped3A_87 = tpu.sem_alloc : memref<!tpu.dma_semaphore, #tpu.memory_space<semaphore_mem>>
          %dma_start3A_88 = arith.constant 0 : i32
          %dma_start3A_89 = tpu.memref_slice %arg9[%mul3A_54, %dma_start3A_88] : memref<40x125xi32, #tpu.memory_space<vmem>> -> memref<1x125xi32, #tpu.memory_space<vmem>>
          %dma_start3A_90 = tpu.memref_squeeze %dma_start3A_89 : memref<1x125xi32, #tpu.memory_space<vmem>> -> memref<125xi32, #tpu.memory_space<vmem>>
          %dma_start3A_91 = arith.constant 0 : i32
          %dma_start3A_92 = arith.constant 0 : i32
          %dma_start3A_93 = tpu.memref_slice %arg7[%dma_start3A_91, %dma_start3A_92] : memref<10240x128xf32, #tpu.memory_space<vmem_shared>> -> memref<10240x128xf32, #tpu.memory_space<vmem_shared>>
          tpu.enqueue_indirect_dma source(%arg10 : memref<125x128xf32, #tpu.memory_space<vmem>>) target(%dma_start3A_93 : memref<10240x128xf32, #tpu.memory_space<vmem_shared>>) offsets(%dma_start3A_90 : memref<125xi32, #tpu.memory_space<vmem>>) semaphore(%run_scoped3A_87 : memref<!tpu.dma_semaphore, #tpu.memory_space<semaphore_mem>>) {add = true}
          %dma_wait3A_94 = arith.constant 0 : i32
          %dma_wait3A_95 = tpu.memref_slice %arg9[%mul3A_54, %dma_wait3A_94] : memref<40x125xi32, #tpu.memory_space<vmem>> -> memref<1x125xi32, #tpu.memory_space<vmem>>
          %dma_wait3A_96 = tpu.memref_squeeze %dma_wait3A_95 : memref<1x125xi32, #tpu.memory_space<vmem>> -> memref<125xi32, #tpu.memory_space<vmem>>
          %dma_wait3A_97 = arith.constant 0 : i32
          %dma_wait3A_98 = arith.constant 0 : i32
          %dma_wait3A_99 = tpu.memref_slice %arg7[%dma_wait3A_97, %dma_wait3A_98] : memref<10240x128xf32, #tpu.memory_space<vmem_shared>> -> memref<10240x128xf32, #tpu.memory_space<vmem_shared>>
          tpu.wait_indirect_dma semaphore(%run_scoped3A_87 : memref<!tpu.dma_semaphore, #tpu.memory_space<semaphore_mem>>) src(%arg10 : memref<125x128xf32, #tpu.memory_space<vmem>>) dst(%dma_wait3A_99 : memref<10240x128xf32, #tpu.memory_space<vmem_shared>>)
          tpu.yield
        }) : () -> ()
        %add3A_61 = arith.constant 2 : i32
        %add3A_62 = arith.addi %mul3A_54, %add3A_61 : i32
        %dma_start3A_63 = arith.constant 0 : i32
        %dma_start3A_64 = tpu.memref_slice %arg8[%add3A_62, %dma_start3A_63] : memref<40x125xi32, #tpu.memory_space<vmem>> -> memref<1x125xi32, #tpu.memory_space<vmem>>
        %dma_start3A_65 = tpu.memref_squeeze %dma_start3A_64 : memref<1x125xi32, #tpu.memory_space<vmem>> -> memref<125xi32, #tpu.memory_space<vmem>>
        %dma_start3A_66 = arith.constant 0 : i32
        %dma_start3A_67 = arith.constant 0 : i32
        %dma_start3A_68 = tpu.memref_slice %arg2[%dma_start3A_66, %dma_start3A_67] : memref<10000x128xf32, #tpu.memory_space<hbm>> -> memref<10000x128xf32, #tpu.memory_space<hbm>>
        tpu.enqueue_indirect_dma source(%dma_start3A_68 : memref<10000x128xf32, #tpu.memory_space<hbm>>) target(%arg10 : memref<125x128xf32, #tpu.memory_space<vmem>>) offsets(%dma_start3A_65 : memref<125xi32, #tpu.memory_space<vmem>>) semaphore(%arg12 : memref<!tpu.dma_semaphore, #tpu.memory_space<semaphore_mem>>)
        %add3A_69 = arith.constant 1 : i32
        %add3A_70 = arith.addi %mul3A_54, %add3A_69 : i32
        %dma_wait3A_71 = arith.constant 0 : i32
        %dma_wait3A_72 = tpu.memref_slice %arg8[%add3A_70, %dma_wait3A_71] : memref<40x125xi32, #tpu.memory_space<vmem>> -> memref<1x125xi32, #tpu.memory_space<vmem>>
        %dma_wait3A_73 = tpu.memref_squeeze %dma_wait3A_72 : memref<1x125xi32, #tpu.memory_space<vmem>> -> memref<125xi32, #tpu.memory_space<vmem>>
        %dma_wait3A_74 = arith.constant 0 : i32
        %dma_wait3A_75 = arith.constant 0 : i32
        %dma_wait3A_76 = tpu.memref_slice %arg2[%dma_wait3A_74, %dma_wait3A_75] : memref<10000x128xf32, #tpu.memory_space<hbm>> -> memref<10000x128xf32, #tpu.memory_space<hbm>>
        tpu.wait_indirect_dma semaphore(%arg13 : memref<!tpu.dma_semaphore, #tpu.memory_space<semaphore_mem>>) src(%dma_wait3A_76 : memref<10000x128xf32, #tpu.memory_space<hbm>>) dst(%arg11 : memref<125x128xf32, #tpu.memory_space<vmem>>)
        %add3A_77 = arith.constant 1 : i32
        %add3A_78 = arith.addi %mul3A_54, %add3A_77 : i32
        "tpu.region"() ({
          %run_scoped3A_87 = tpu.sem_alloc : memref<!tpu.dma_semaphore, #tpu.memory_space<semaphore_mem>>
          %dma_start3A_88 = arith.constant 0 : i32
          %dma_start3A_89 = tpu.memref_slice %arg9[%add3A_78, %dma_start3A_88] : memref<40x125xi32, #tpu.memory_space<vmem>> -> memref<1x125xi32, #tpu.memory_space<vmem>>
          %dma_start3A_90 = tpu.memref_squeeze %dma_start3A_89 : memref<1x125xi32, #tpu.memory_space<vmem>> -> memref<125xi32, #tpu.memory_space<vmem>>
          %dma_start3A_91 = arith.constant 0 : i32
          %dma_start3A_92 = arith.constant 0 : i32
          %dma_start3A_93 = tpu.memref_slice %arg7[%dma_start3A_91, %dma_start3A_92] : memref<10240x128xf32, #tpu.memory_space<vmem_shared>> -> memref<10240x128xf32, #tpu.memory_space<vmem_shared>>
          tpu.enqueue_indirect_dma source(%arg11 : memref<125x128xf32, #tpu.memory_space<vmem>>) target(%dma_start3A_93 : memref<10240x128xf32, #tpu.memory_space<vmem_shared>>) offsets(%dma_start3A_90 : memref<125xi32, #tpu.memory_space<vmem>>) semaphore(%run_scoped3A_87 : memref<!tpu.dma_semaphore, #tpu.memory_space<semaphore_mem>>) {add = true}
          %dma_wait3A_94 = arith.constant 0 : i32
          %dma_wait3A_95 = tpu.memref_slice %arg9[%add3A_78, %dma_wait3A_94] : memref<40x125xi32, #tpu.memory_space<vmem>> -> memref<1x125xi32, #tpu.memory_space<vmem>>
          %dma_wait3A_96 = tpu.memref_squeeze %dma_wait3A_95 : memref<1x125xi32, #tpu.memory_space<vmem>> -> memref<125xi32, #tpu.memory_space<vmem>>
          %dma_wait3A_97 = arith.constant 0 : i32
          %dma_wait3A_98 = arith.constant 0 : i32
          %dma_wait3A_99 = tpu.memref_slice %arg7[%dma_wait3A_97, %dma_wait3A_98] : memref<10240x128xf32, #tpu.memory_space<vmem_shared>> -> memref<10240x128xf32, #tpu.memory_space<vmem_shared>>
          tpu.wait_indirect_dma semaphore(%run_scoped3A_87 : memref<!tpu.dma_semaphore, #tpu.memory_space<semaphore_mem>>) src(%arg11 : memref<125x128xf32, #tpu.memory_space<vmem>>) dst(%dma_wait3A_99 : memref<10240x128xf32, #tpu.memory_space<vmem_shared>>)
          tpu.yield
        }) : () -> ()
        %add3A_79 = arith.constant 3 : i32
        %add3A_80 = arith.addi %mul3A_54, %add3A_79 : i32
        %dma_start3A_81 = arith.constant 0 : i32
        %dma_start3A_82 = tpu.memref_slice %arg8[%add3A_80, %dma_start3A_81] : memref<40x125xi32, #tpu.memory_space<vmem>> -> memref<1x125xi32, #tpu.memory_space<vmem>>
        %dma_start3A_83 = tpu.memref_squeeze %dma_start3A_82 : memref<1x125xi32, #tpu.memory_space<vmem>> -> memref<125xi32, #tpu.memory_space<vmem>>
        %dma_start3A_84 = arith.constant 0 : i32
        %dma_start3A_85 = arith.constant 0 : i32
        %dma_start3A_86 = tpu.memref_slice %arg2[%dma_start3A_84, %dma_start3A_85] : memref<10000x128xf32, #tpu.memory_space<hbm>> -> memref<10000x128xf32, #tpu.memory_space<hbm>>
        tpu.enqueue_indirect_dma source(%dma_start3A_86 : memref<10000x128xf32, #tpu.memory_space<hbm>>) target(%arg11 : memref<125x128xf32, #tpu.memory_space<vmem>>) offsets(%dma_start3A_83 : memref<125xi32, #tpu.memory_space<vmem>>) semaphore(%arg13 : memref<!tpu.dma_semaphore, #tpu.memory_space<semaphore_mem>>)
      }
      %scan3A_37 = arith.constant 19 : i32
      %dma_wait3A = arith.constant 38 : i32
      %dma_wait3A_38 = arith.constant 0 : i32
      %dma_wait3A_39 = tpu.memref_slice %arg8[%dma_wait3A, %dma_wait3A_38] : memref<40x125xi32, #tpu.memory_space<vmem>> -> memref<1x125xi32, #tpu.memory_space<vmem>>
      %dma_wait3A_40 = tpu.memref_squeeze %dma_wait3A_39 : memref<1x125xi32, #tpu.memory_space<vmem>> -> memref<125xi32, #tpu.memory_space<vmem>>
      %dma_wait3A_41 = arith.constant 0 : i32
      %dma_wait3A_42 = arith.constant 0 : i32
      %dma_wait3A_43 = tpu.memref_slice %arg2[%dma_wait3A_41, %dma_wait3A_42] : memref<10000x128xf32, #tpu.memory_space<hbm>> -> memref<10000x128xf32, #tpu.memory_space<hbm>>
      tpu.wait_indirect_dma semaphore(%arg12 : memref<!tpu.dma_semaphore, #tpu.memory_space<semaphore_mem>>) src(%dma_wait3A_43 : memref<10000x128xf32, #tpu.memory_space<hbm>>) dst(%arg10 : memref<125x128xf32, #tpu.memory_space<vmem>>)
      %run_scoped3A = arith.constant 38 : i32
      "tpu.region"() ({
        %run_scoped3A_52 = tpu.sem_alloc : memref<!tpu.dma_semaphore, #tpu.memory_space<semaphore_mem>>
        %dma_start3A_53 = arith.constant 0 : i32
        %dma_start3A_54 = tpu.memref_slice %arg9[%run_scoped3A, %dma_start3A_53] : memref<40x125xi32, #tpu.memory_space<vmem>> -> memref<1x125xi32, #tpu.memory_space<vmem>>
        %dma_start3A_55 = tpu.memref_squeeze %dma_start3A_54 : memref<1x125xi32, #tpu.memory_space<vmem>> -> memref<125xi32, #tpu.memory_space<vmem>>
        %dma_start3A_56 = arith.constant 0 : i32
        %dma_start3A_57 = arith.constant 0 : i32
        %dma_start3A_58 = tpu.memref_slice %arg7[%dma_start3A_56, %dma_start3A_57] : memref<10240x128xf32, #tpu.memory_space<vmem_shared>> -> memref<10240x128xf32, #tpu.memory_space<vmem_shared>>
        tpu.enqueue_indirect_dma source(%arg10 : memref<125x128xf32, #tpu.memory_space<vmem>>) target(%dma_start3A_58 : memref<10240x128xf32, #tpu.memory_space<vmem_shared>>) offsets(%dma_start3A_55 : memref<125xi32, #tpu.memory_space<vmem>>) semaphore(%run_scoped3A_52 : memref<!tpu.dma_semaphore, #tpu.memory_space<semaphore_mem>>) {add = true}
        %dma_wait3A_59 = arith.constant 0 : i32
        %dma_wait3A_60 = tpu.memref_slice %arg9[%run_scoped3A, %dma_wait3A_59] : memref<40x125xi32, #tpu.memory_space<vmem>> -> memref<1x125xi32, #tpu.memory_space<vmem>>
        %dma_wait3A_61 = tpu.memref_squeeze %dma_wait3A_60 : memref<1x125xi32, #tpu.memory_space<vmem>> -> memref<125xi32, #tpu.memory_space<vmem>>
        %dma_wait3A_62 = arith.constant 0 : i32
        %dma_wait3A_63 = arith.constant 0 : i32
        %dma_wait3A_64 = tpu.memref_slice %arg7[%dma_wait3A_62, %dma_wait3A_63] : memref<10240x128xf32, #tpu.memory_space<vmem_shared>> -> memref<10240x128xf32, #tpu.memory_space<vmem_shared>>
        tpu.wait_indirect_dma semaphore(%run_scoped3A_52 : memref<!tpu.dma_semaphore, #tpu.memory_space<semaphore_mem>>) src(%arg10 : memref<125x128xf32, #tpu.memory_space<vmem>>) dst(%dma_wait3A_64 : memref<10240x128xf32, #tpu.memory_space<vmem_shared>>)
        tpu.yield
      }) : () -> ()
      %dma_wait3A_44 = arith.constant 39 : i32
      %dma_wait3A_45 = arith.constant 0 : i32
      %dma_wait3A_46 = tpu.memref_slice %arg8[%dma_wait3A_44, %dma_wait3A_45] : memref<40x125xi32, #tpu.memory_space<vmem>> -> memref<1x125xi32, #tpu.memory_space<vmem>>
      %dma_wait3A_47 = tpu.memref_squeeze %dma_wait3A_46 : memref<1x125xi32, #tpu.memory_space<vmem>> -> memref<125xi32, #tpu.memory_space<vmem>>
      %dma_wait3A_48 = arith.constant 0 : i32
      %dma_wait3A_49 = arith.constant 0 : i32
      %dma_wait3A_50 = tpu.memref_slice %arg2[%dma_wait3A_48, %dma_wait3A_49] : memref<10000x128xf32, #tpu.memory_space<hbm>> -> memref<10000x128xf32, #tpu.memory_space<hbm>>
      tpu.wait_indirect_dma semaphore(%arg13 : memref<!tpu.dma_semaphore, #tpu.memory_space<semaphore_mem>>) src(%dma_wait3A_50 : memref<10000x128xf32, #tpu.memory_space<hbm>>) dst(%arg11 : memref<125x128xf32, #tpu.memory_space<vmem>>)
      %run_scoped3A_51 = arith.constant 39 : i32
      "tpu.region"() ({
        %run_scoped3A_52 = tpu.sem_alloc : memref<!tpu.dma_semaphore, #tpu.memory_space<semaphore_mem>>
        %dma_start3A_53 = arith.constant 0 : i32
        %dma_start3A_54 = tpu.memref_slice %arg9[%run_scoped3A_51, %dma_start3A_53] : memref<40x125xi32, #tpu.memory_space<vmem>> -> memref<1x125xi32, #tpu.memory_space<vmem>>
        %dma_start3A_55 = tpu.memref_squeeze %dma_start3A_54 : memref<1x125xi32, #tpu.memory_space<vmem>> -> memref<125xi32, #tpu.memory_space<vmem>>
        %dma_start3A_56 = arith.constant 0 : i32
        %dma_start3A_57 = arith.constant 0 : i32
        %dma_start3A_58 = tpu.memref_slice %arg7[%dma_start3A_56, %dma_start3A_57] : memref<10240x128xf32, #tpu.memory_space<vmem_shared>> -> memref<10240x128xf32, #tpu.memory_space<vmem_shared>>
        tpu.enqueue_indirect_dma source(%arg11 : memref<125x128xf32, #tpu.memory_space<vmem>>) target(%dma_start3A_58 : memref<10240x128xf32, #tpu.memory_space<vmem_shared>>) offsets(%dma_start3A_55 : memref<125xi32, #tpu.memory_space<vmem>>) semaphore(%run_scoped3A_52 : memref<!tpu.dma_semaphore, #tpu.memory_space<semaphore_mem>>) {add = true}
        %dma_wait3A_59 = arith.constant 0 : i32
        %dma_wait3A_60 = tpu.memref_slice %arg9[%run_scoped3A_51, %dma_wait3A_59] : memref<40x125xi32, #tpu.memory_space<vmem>> -> memref<1x125xi32, #tpu.memory_space<vmem>>
        %dma_wait3A_61 = tpu.memref_squeeze %dma_wait3A_60 : memref<1x125xi32, #tpu.memory_space<vmem>> -> memref<125xi32, #tpu.memory_space<vmem>>
        %dma_wait3A_62 = arith.constant 0 : i32
        %dma_wait3A_63 = arith.constant 0 : i32
        %dma_wait3A_64 = tpu.memref_slice %arg7[%dma_wait3A_62, %dma_wait3A_63] : memref<10240x128xf32, #tpu.memory_space<vmem_shared>> -> memref<10240x128xf32, #tpu.memory_space<vmem_shared>>
        tpu.wait_indirect_dma semaphore(%run_scoped3A_52 : memref<!tpu.dma_semaphore, #tpu.memory_space<semaphore_mem>>) src(%arg11 : memref<125x128xf32, #tpu.memory_space<vmem>>) dst(%dma_wait3A_64 : memref<10240x128xf32, #tpu.memory_space<vmem_shared>>)
        tpu.yield
      }) : () -> ()
    }
    %scan3A_7 = arith.constant 2 : i32
    %barrier3A_8 = arith.constant 0 : index
    tpu.barrier barrier_id(%barrier3A_8)
    %mul3A_9 = arith.constant 640 : i32
    %mul3A_10 = arith.muli %arg1, %mul3A_9 : i32
    %mul3A_11 = arith.constant 640 : i32
    %mul3A_12 = arith.muli %arg1, %mul3A_11 : i32
    "tpu.region"() ({
      %run_scoped3A = tpu.sem_alloc : memref<!tpu.dma_semaphore, #tpu.memory_space<semaphore_mem>>
      %dma_start3A = arith.constant 0 : i32
      %dma_start3A_13 = tpu.memref_slice %arg6[%arg0, %mul3A_12, %dma_start3A] : memref<2x10240x128xf32, #tpu.memory_space<hbm>> -> memref<1x640x128xf32, #tpu.memory_space<hbm>>
      %dma_start3A_14 = tpu.memref_squeeze %dma_start3A_13 : memref<1x640x128xf32, #tpu.memory_space<hbm>> -> memref<640x128xf32, #tpu.memory_space<hbm>>
      %dma_start3A_15 = arith.constant 0 : i32
      %dma_start3A_16 = tpu.memref_slice %arg7[%mul3A_10, %dma_start3A_15] : memref<10240x128xf32, #tpu.memory_space<vmem_shared>> -> memref<640x128xf32, #tpu.memory_space<vmem_shared>>
      tpu.enqueue_dma source(%dma_start3A_16 : memref<640x128xf32, #tpu.memory_space<vmem_shared>>) target(%dma_start3A_14 : memref<640x128xf32, #tpu.memory_space<hbm>>) target_semaphore(%run_scoped3A : memref<!tpu.dma_semaphore, #tpu.memory_space<semaphore_mem>>)
      %dma_wait3A = arith.constant 0 : i32
      %dma_wait3A_17 = tpu.memref_slice %arg6[%arg0, %mul3A_12, %dma_wait3A] : memref<2x10240x128xf32, #tpu.memory_space<hbm>> -> memref<1x640x128xf32, #tpu.memory_space<hbm>>
      %dma_wait3A_18 = tpu.memref_squeeze %dma_wait3A_17 : memref<1x640x128xf32, #tpu.memory_space<hbm>> -> memref<640x128xf32, #tpu.memory_space<hbm>>
      %dma_wait3A_19 = arith.constant 0 : i32
      %dma_wait3A_20 = tpu.memref_slice %arg7[%mul3A_10, %dma_wait3A_19] : memref<10240x128xf32, #tpu.memory_space<vmem_shared>> -> memref<640x128xf32, #tpu.memory_space<vmem_shared>>
      tpu.wait_dma2 semaphore(%run_scoped3A : memref<!tpu.dma_semaphore, #tpu.memory_space<semaphore_mem>>) src(%dma_wait3A_20 : memref<640x128xf32, #tpu.memory_space<vmem_shared>>) dst(%dma_wait3A_18 : memref<640x128xf32, #tpu.memory_space<hbm>>)
      tpu.yield
    }) : () -> ()
    return
  }
}

#map = affine_map<(d0, d1) -> (0, 0)>
#map1 = affine_map<(d0, d1) -> (0, 0, 0)>
module attributes {stable_mosaic.version = 14 : i64} {
  func.func @body(%arg0: i32, %arg1: i32, %arg2: memref<10240x128xf32, #tpu.memory_space<hbm>>, %arg3: memref<2560x125xi32, #tpu.memory_space<hbm>>, %arg4: memref<2560x125xi32, #tpu.memory_space<hbm>>, %arg5: memref<640x128xf32, #tpu.memory_space<hbm>>, %arg6: memref<2x10240x128xf32, #tpu.memory_space<hbm>>, %arg7: memref<10240x128xf32, #tpu.memory_space<vmem_shared>>, %arg8: memref<40x125xi32, #tpu.memory_space<vmem>>, %arg9: memref<40x125xi32, #tpu.memory_space<vmem>>, %arg10: memref<125x128xf32, #tpu.memory_space<vmem>>, %arg11: memref<125x128xf32, #tpu.memory_space<vmem>>, %arg12: memref<!tpu.dma_semaphore, #tpu.memory_space<semaphore_mem>>, %arg13: memref<!tpu.dma_semaphore, #tpu.memory_space<semaphore_mem>>, %arg14: memref<!tpu.dma_semaphore, #tpu.memory_space<semaphore_mem>>, %arg15: memref<!tpu.dma_semaphore, #tpu.memory_space<semaphore_mem>>) attributes {dimension_semantics = [#tpu.dimension_semantics<core_parallel>, #tpu.dimension_semantics<subcore_parallel>], iteration_bounds = array<i64: 2, 16>, scalar_prefetch = 0 : i64, scratch_operands = 9 : i64, tpu.core_type = #tpu.core_type<sc_vector_subcore>, window_params = [{transform_indices = #map}, {transform_indices = #map}, {transform_indices = #map}, {transform_indices = #map}, {transform_indices = #map1}]} {
    %mul3A = arith.constant 16 : i32
    %mul3A_0 = arith.muli %arg0, %mul3A : i32
    %add3A = arith.addi %mul3A_0, %arg1 : i32
    %mul3A_1 = arith.constant 640 : i32
    %mul3A_2 = arith.muli %arg1, %mul3A_1 : i32
    "tpu.region"() ({
      %run_scoped3A = tpu.sem_alloc : memref<!tpu.dma_semaphore, #tpu.memory_space<semaphore_mem>>
      %dma_start3A = arith.constant 0 : i32
      %dma_start3A_13 = tpu.memref_slice %arg7[%mul3A_2, %dma_start3A] : memref<10240x128xf32, #tpu.memory_space<vmem_shared>> -> memref<640x128xf32, #tpu.memory_space<vmem_shared>>
      tpu.enqueue_dma source(%arg5 : memref<640x128xf32, #tpu.memory_space<hbm>>) target(%dma_start3A_13 : memref<640x128xf32, #tpu.memory_space<vmem_shared>>) target_semaphore(%run_scoped3A : memref<!tpu.dma_semaphore, #tpu.memory_space<semaphore_mem>>)
      %dma_wait3A = arith.constant 0 : i32
      %dma_wait3A_14 = tpu.memref_slice %arg7[%mul3A_2, %dma_wait3A] : memref<10240x128xf32, #tpu.memory_space<vmem_shared>> -> memref<640x128xf32, #tpu.memory_space<vmem_shared>>
      tpu.wait_dma2 semaphore(%run_scoped3A : memref<!tpu.dma_semaphore, #tpu.memory_space<semaphore_mem>>) src(%arg5 : memref<640x128xf32, #tpu.memory_space<hbm>>) dst(%dma_wait3A_14 : memref<640x128xf32, #tpu.memory_space<vmem_shared>>)
      tpu.yield
    }) : () -> ()
    %barrier3A = arith.constant 0 : index
    tpu.barrier barrier_id(%barrier3A)
    %scan3A = arith.constant 0 : i32
    %scan3A_3 = arith.constant 0 : i32
    %scan3A_4 = arith.constant 2 : i32
    %scan3A_5 = arith.addi %scan3A_3, %scan3A_4 : i32
    %scan3A_6 = arith.constant 1 : i32
    scf.for %scan3A_13 = %scan3A_3 to %scan3A_5 step %scan3A_6  : i32 {
      %mul3A_14 = arith.constant 80 : i32
      %mul3A_15 = arith.muli %add3A, %mul3A_14 : i32
      %mul3A_16 = arith.constant 40 : i32
      %mul3A_17 = arith.muli %scan3A_13, %mul3A_16 : i32
      %add3A_18 = arith.addi %mul3A_15, %mul3A_17 : i32
      "tpu.region"() ({
        %run_scoped3A_52 = tpu.sem_alloc : memref<!tpu.dma_semaphore, #tpu.memory_space<semaphore_mem>>
        %dma_start3A_53 = arith.constant 0 : i32
        %dma_start3A_54 = tpu.memref_slice %arg3[%add3A_18, %dma_start3A_53] : memref<2560x125xi32, #tpu.memory_space<hbm>> -> memref<40x125xi32, #tpu.memory_space<hbm>>
        %dma_start3A_55 = arith.constant 0 : i32
        %dma_start3A_56 = tpu.memref_slice %arg3[%add3A_18, %dma_start3A_55] : memref<2560x125xi32, #tpu.memory_space<hbm>> -> memref<40x125xi32, #tpu.memory_space<hbm>>
        tpu.enqueue_dma source(%dma_start3A_56 : memref<40x125xi32, #tpu.memory_space<hbm>>) target(%arg8 : memref<40x125xi32, #tpu.memory_space<vmem>>) target_semaphore(%run_scoped3A_52 : memref<!tpu.dma_semaphore, #tpu.memory_space<semaphore_mem>>)
        %dma_wait3A_57 = arith.constant 0 : i32
        %dma_wait3A_58 = tpu.memref_slice %arg3[%add3A_18, %dma_wait3A_57] : memref<2560x125xi32, #tpu.memory_space<hbm>> -> memref<40x125xi32, #tpu.memory_space<hbm>>
        %dma_wait3A_59 = arith.constant 0 : i32
        %dma_wait3A_60 = tpu.memref_slice %arg3[%add3A_18, %dma_wait3A_59] : memref<2560x125xi32, #tpu.memory_space<hbm>> -> memref<40x125xi32, #tpu.memory_space<hbm>>
        tpu.wait_dma2 semaphore(%run_scoped3A_52 : memref<!tpu.dma_semaphore, #tpu.memory_space<semaphore_mem>>) src(%dma_wait3A_60 : memref<40x125xi32, #tpu.memory_space<hbm>>) dst(%arg8 : memref<40x125xi32, #tpu.memory_space<vmem>>)
        tpu.yield
      }) : () -> ()
      "tpu.region"() ({
        %run_scoped3A_52 = tpu.sem_alloc : memref<!tpu.dma_semaphore, #tpu.memory_space<semaphore_mem>>
        %dma_start3A_53 = arith.constant 0 : i32
        %dma_start3A_54 = tpu.memref_slice %arg4[%add3A_18, %dma_start3A_53] : memref<2560x125xi32, #tpu.memory_space<hbm>> -> memref<40x125xi32, #tpu.memory_space<hbm>>
        %dma_start3A_55 = arith.constant 0 : i32
        %dma_start3A_56 = tpu.memref_slice %arg4[%add3A_18, %dma_start3A_55] : memref<2560x125xi32, #tpu.memory_space<hbm>> -> memref<40x125xi32, #tpu.memory_space<hbm>>
        tpu.enqueue_dma source(%dma_start3A_56 : memref<40x125xi32, #tpu.memory_space<hbm>>) target(%arg9 : memref<40x125xi32, #tpu.memory_space<vmem>>) target_semaphore(%run_scoped3A_52 : memref<!tpu.dma_semaphore, #tpu.memory_space<semaphore_mem>>)
        %dma_wait3A_57 = arith.constant 0 : i32
        %dma_wait3A_58 = tpu.memref_slice %arg4[%add3A_18, %dma_wait3A_57] : memref<2560x125xi32, #tpu.memory_space<hbm>> -> memref<40x125xi32, #tpu.memory_space<hbm>>
        %dma_wait3A_59 = arith.constant 0 : i32
        %dma_wait3A_60 = tpu.memref_slice %arg4[%add3A_18, %dma_wait3A_59] : memref<2560x125xi32, #tpu.memory_space<hbm>> -> memref<40x125xi32, #tpu.memory_space<hbm>>
        tpu.wait_dma2 semaphore(%run_scoped3A_52 : memref<!tpu.dma_semaphore, #tpu.memory_space<semaphore_mem>>) src(%dma_wait3A_60 : memref<40x125xi32, #tpu.memory_space<hbm>>) dst(%arg9 : memref<40x125xi32, #tpu.memory_space<vmem>>)
        tpu.yield
      }) : () -> ()
      %dma_start3A = arith.constant 0 : i32
      %dma_start3A_19 = arith.constant 0 : i32
      %dma_start3A_20 = tpu.memref_slice %arg8[%dma_start3A, %dma_start3A_19] : memref<40x125xi32, #tpu.memory_space<vmem>> -> memref<1x125xi32, #tpu.memory_space<vmem>>
      %dma_start3A_21 = tpu.memref_squeeze %dma_start3A_20 : memref<1x125xi32, #tpu.memory_space<vmem>> -> memref<125xi32, #tpu.memory_space<vmem>>
      %dma_start3A_22 = arith.constant 0 : i32
      %dma_start3A_23 = arith.constant 0 : i32
      %dma_start3A_24 = tpu.memref_slice %arg2[%dma_start3A_22, %dma_start3A_23] : memref<10240x128xf32, #tpu.memory_space<hbm>> -> memref<10240x128xf32, #tpu.memory_space<hbm>>
      tpu.enqueue_indirect_dma source(%dma_start3A_24 : memref<10240x128xf32, #tpu.memory_space<hbm>>) target(%arg10 : memref<125x128xf32, #tpu.memory_space<vmem>>) offsets(%dma_start3A_21 : memref<125xi32, #tpu.memory_space<vmem>>) semaphore(%arg12 : memref<!tpu.dma_semaphore, #tpu.memory_space<semaphore_mem>>)
      %dma_start3A_25 = arith.constant 1 : i32
      %dma_start3A_26 = arith.constant 0 : i32
      %dma_start3A_27 = tpu.memref_slice %arg8[%dma_start3A_25, %dma_start3A_26] : memref<40x125xi32, #tpu.memory_space<vmem>> -> memref<1x125xi32, #tpu.memory_space<vmem>>
      %dma_start3A_28 = tpu.memref_squeeze %dma_start3A_27 : memref<1x125xi32, #tpu.memory_space<vmem>> -> memref<125xi32, #tpu.memory_space<vmem>>
      %dma_start3A_29 = arith.constant 0 : i32
      %dma_start3A_30 = arith.constant 0 : i32
      %dma_start3A_31 = tpu.memref_slice %arg2[%dma_start3A_29, %dma_start3A_30] : memref<10240x128xf32, #tpu.memory_space<hbm>> -> memref<10240x128xf32, #tpu.memory_space<hbm>>
      tpu.enqueue_indirect_dma source(%dma_start3A_31 : memref<10240x128xf32, #tpu.memory_space<hbm>>) target(%arg11 : memref<125x128xf32, #tpu.memory_space<vmem>>) offsets(%dma_start3A_28 : memref<125xi32, #tpu.memory_space<vmem>>) semaphore(%arg13 : memref<!tpu.dma_semaphore, #tpu.memory_space<semaphore_mem>>)
      %scan3A_32 = arith.constant 0 : i32
      %scan3A_33 = arith.constant 0 : i32
      %scan3A_34 = arith.constant 19 : i32
      %scan3A_35 = arith.addi %scan3A_33, %scan3A_34 : i32
      %scan3A_36 = arith.constant 1 : i32
      scf.for %scan3A_52 = %scan3A_33 to %scan3A_35 step %scan3A_36  : i32 {
        %mul3A_53 = arith.constant 2 : i32
        %mul3A_54 = arith.muli %mul3A_53, %scan3A_52 : i32
        %dma_wait3A_55 = arith.constant 0 : i32
        %dma_wait3A_56 = tpu.memref_slice %arg8[%mul3A_54, %dma_wait3A_55] : memref<40x125xi32, #tpu.memory_space<vmem>> -> memref<1x125xi32, #tpu.memory_space<vmem>>
        %dma_wait3A_57 = tpu.memref_squeeze %dma_wait3A_56 : memref<1x125xi32, #tpu.memory_space<vmem>> -> memref<125xi32, #tpu.memory_space<vmem>>
        %dma_wait3A_58 = arith.constant 0 : i32
        %dma_wait3A_59 = arith.constant 0 : i32
        %dma_wait3A_60 = tpu.memref_slice %arg2[%dma_wait3A_58, %dma_wait3A_59] : memref<10240x128xf32, #tpu.memory_space<hbm>> -> memref<10240x128xf32, #tpu.memory_space<hbm>>
        tpu.wait_indirect_dma semaphore(%arg12 : memref<!tpu.dma_semaphore, #tpu.memory_space<semaphore_mem>>) src(%dma_wait3A_60 : memref<10240x128xf32, #tpu.memory_space<hbm>>) dst(%arg10 : memref<125x128xf32, #tpu.memory_space<vmem>>)
        "tpu.region"() ({
          %run_scoped3A_87 = tpu.sem_alloc : memref<!tpu.dma_semaphore, #tpu.memory_space<semaphore_mem>>
          %dma_start3A_88 = arith.constant 0 : i32
          %dma_start3A_89 = tpu.memref_slice %arg9[%mul3A_54, %dma_start3A_88] : memref<40x125xi32, #tpu.memory_space<vmem>> -> memref<1x125xi32, #tpu.memory_space<vmem>>
          %dma_start3A_90 = tpu.memref_squeeze %dma_start3A_89 : memref<1x125xi32, #tpu.memory_space<vmem>> -> memref<125xi32, #tpu.memory_space<vmem>>
          %dma_start3A_91 = arith.constant 0 : i32
          %dma_start3A_92 = arith.constant 0 : i32
          %dma_start3A_93 = tpu.memref_slice %arg7[%dma_start3A_91, %dma_start3A_92] : memref<10240x128xf32, #tpu.memory_space<vmem_shared>> -> memref<10240x128xf32, #tpu.memory_space<vmem_shared>>
          tpu.enqueue_indirect_dma source(%arg10 : memref<125x128xf32, #tpu.memory_space<vmem>>) target(%dma_start3A_93 : memref<10240x128xf32, #tpu.memory_space<vmem_shared>>) offsets(%dma_start3A_90 : memref<125xi32, #tpu.memory_space<vmem>>) semaphore(%run_scoped3A_87 : memref<!tpu.dma_semaphore, #tpu.memory_space<semaphore_mem>>) {add = true}
          %dma_wait3A_94 = arith.constant 0 : i32
          %dma_wait3A_95 = tpu.memref_slice %arg9[%mul3A_54, %dma_wait3A_94] : memref<40x125xi32, #tpu.memory_space<vmem>> -> memref<1x125xi32, #tpu.memory_space<vmem>>
          %dma_wait3A_96 = tpu.memref_squeeze %dma_wait3A_95 : memref<1x125xi32, #tpu.memory_space<vmem>> -> memref<125xi32, #tpu.memory_space<vmem>>
          %dma_wait3A_97 = arith.constant 0 : i32
          %dma_wait3A_98 = arith.constant 0 : i32
          %dma_wait3A_99 = tpu.memref_slice %arg7[%dma_wait3A_97, %dma_wait3A_98] : memref<10240x128xf32, #tpu.memory_space<vmem_shared>> -> memref<10240x128xf32, #tpu.memory_space<vmem_shared>>
          tpu.wait_indirect_dma semaphore(%run_scoped3A_87 : memref<!tpu.dma_semaphore, #tpu.memory_space<semaphore_mem>>) src(%arg10 : memref<125x128xf32, #tpu.memory_space<vmem>>) dst(%dma_wait3A_99 : memref<10240x128xf32, #tpu.memory_space<vmem_shared>>)
          tpu.yield
        }) : () -> ()
        %add3A_61 = arith.constant 2 : i32
        %add3A_62 = arith.addi %mul3A_54, %add3A_61 : i32
        %dma_start3A_63 = arith.constant 0 : i32
        %dma_start3A_64 = tpu.memref_slice %arg8[%add3A_62, %dma_start3A_63] : memref<40x125xi32, #tpu.memory_space<vmem>> -> memref<1x125xi32, #tpu.memory_space<vmem>>
        %dma_start3A_65 = tpu.memref_squeeze %dma_start3A_64 : memref<1x125xi32, #tpu.memory_space<vmem>> -> memref<125xi32, #tpu.memory_space<vmem>>
        %dma_start3A_66 = arith.constant 0 : i32
        %dma_start3A_67 = arith.constant 0 : i32
        %dma_start3A_68 = tpu.memref_slice %arg2[%dma_start3A_66, %dma_start3A_67] : memref<10240x128xf32, #tpu.memory_space<hbm>> -> memref<10240x128xf32, #tpu.memory_space<hbm>>
        tpu.enqueue_indirect_dma source(%dma_start3A_68 : memref<10240x128xf32, #tpu.memory_space<hbm>>) target(%arg10 : memref<125x128xf32, #tpu.memory_space<vmem>>) offsets(%dma_start3A_65 : memref<125xi32, #tpu.memory_space<vmem>>) semaphore(%arg12 : memref<!tpu.dma_semaphore, #tpu.memory_space<semaphore_mem>>)
        %add3A_69 = arith.constant 1 : i32
        %add3A_70 = arith.addi %mul3A_54, %add3A_69 : i32
        %dma_wait3A_71 = arith.constant 0 : i32
        %dma_wait3A_72 = tpu.memref_slice %arg8[%add3A_70, %dma_wait3A_71] : memref<40x125xi32, #tpu.memory_space<vmem>> -> memref<1x125xi32, #tpu.memory_space<vmem>>
        %dma_wait3A_73 = tpu.memref_squeeze %dma_wait3A_72 : memref<1x125xi32, #tpu.memory_space<vmem>> -> memref<125xi32, #tpu.memory_space<vmem>>
        %dma_wait3A_74 = arith.constant 0 : i32
        %dma_wait3A_75 = arith.constant 0 : i32
        %dma_wait3A_76 = tpu.memref_slice %arg2[%dma_wait3A_74, %dma_wait3A_75] : memref<10240x128xf32, #tpu.memory_space<hbm>> -> memref<10240x128xf32, #tpu.memory_space<hbm>>
        tpu.wait_indirect_dma semaphore(%arg13 : memref<!tpu.dma_semaphore, #tpu.memory_space<semaphore_mem>>) src(%dma_wait3A_76 : memref<10240x128xf32, #tpu.memory_space<hbm>>) dst(%arg11 : memref<125x128xf32, #tpu.memory_space<vmem>>)
        %add3A_77 = arith.constant 1 : i32
        %add3A_78 = arith.addi %mul3A_54, %add3A_77 : i32
        "tpu.region"() ({
          %run_scoped3A_87 = tpu.sem_alloc : memref<!tpu.dma_semaphore, #tpu.memory_space<semaphore_mem>>
          %dma_start3A_88 = arith.constant 0 : i32
          %dma_start3A_89 = tpu.memref_slice %arg9[%add3A_78, %dma_start3A_88] : memref<40x125xi32, #tpu.memory_space<vmem>> -> memref<1x125xi32, #tpu.memory_space<vmem>>
          %dma_start3A_90 = tpu.memref_squeeze %dma_start3A_89 : memref<1x125xi32, #tpu.memory_space<vmem>> -> memref<125xi32, #tpu.memory_space<vmem>>
          %dma_start3A_91 = arith.constant 0 : i32
          %dma_start3A_92 = arith.constant 0 : i32
          %dma_start3A_93 = tpu.memref_slice %arg7[%dma_start3A_91, %dma_start3A_92] : memref<10240x128xf32, #tpu.memory_space<vmem_shared>> -> memref<10240x128xf32, #tpu.memory_space<vmem_shared>>
          tpu.enqueue_indirect_dma source(%arg11 : memref<125x128xf32, #tpu.memory_space<vmem>>) target(%dma_start3A_93 : memref<10240x128xf32, #tpu.memory_space<vmem_shared>>) offsets(%dma_start3A_90 : memref<125xi32, #tpu.memory_space<vmem>>) semaphore(%run_scoped3A_87 : memref<!tpu.dma_semaphore, #tpu.memory_space<semaphore_mem>>) {add = true}
          %dma_wait3A_94 = arith.constant 0 : i32
          %dma_wait3A_95 = tpu.memref_slice %arg9[%add3A_78, %dma_wait3A_94] : memref<40x125xi32, #tpu.memory_space<vmem>> -> memref<1x125xi32, #tpu.memory_space<vmem>>
          %dma_wait3A_96 = tpu.memref_squeeze %dma_wait3A_95 : memref<1x125xi32, #tpu.memory_space<vmem>> -> memref<125xi32, #tpu.memory_space<vmem>>
          %dma_wait3A_97 = arith.constant 0 : i32
          %dma_wait3A_98 = arith.constant 0 : i32
          %dma_wait3A_99 = tpu.memref_slice %arg7[%dma_wait3A_97, %dma_wait3A_98] : memref<10240x128xf32, #tpu.memory_space<vmem_shared>> -> memref<10240x128xf32, #tpu.memory_space<vmem_shared>>
          tpu.wait_indirect_dma semaphore(%run_scoped3A_87 : memref<!tpu.dma_semaphore, #tpu.memory_space<semaphore_mem>>) src(%arg11 : memref<125x128xf32, #tpu.memory_space<vmem>>) dst(%dma_wait3A_99 : memref<10240x128xf32, #tpu.memory_space<vmem_shared>>)
          tpu.yield
        }) : () -> ()
        %add3A_79 = arith.constant 3 : i32
        %add3A_80 = arith.addi %mul3A_54, %add3A_79 : i32
        %dma_start3A_81 = arith.constant 0 : i32
        %dma_start3A_82 = tpu.memref_slice %arg8[%add3A_80, %dma_start3A_81] : memref<40x125xi32, #tpu.memory_space<vmem>> -> memref<1x125xi32, #tpu.memory_space<vmem>>
        %dma_start3A_83 = tpu.memref_squeeze %dma_start3A_82 : memref<1x125xi32, #tpu.memory_space<vmem>> -> memref<125xi32, #tpu.memory_space<vmem>>
        %dma_start3A_84 = arith.constant 0 : i32
        %dma_start3A_85 = arith.constant 0 : i32
        %dma_start3A_86 = tpu.memref_slice %arg2[%dma_start3A_84, %dma_start3A_85] : memref<10240x128xf32, #tpu.memory_space<hbm>> -> memref<10240x128xf32, #tpu.memory_space<hbm>>
        tpu.enqueue_indirect_dma source(%dma_start3A_86 : memref<10240x128xf32, #tpu.memory_space<hbm>>) target(%arg11 : memref<125x128xf32, #tpu.memory_space<vmem>>) offsets(%dma_start3A_83 : memref<125xi32, #tpu.memory_space<vmem>>) semaphore(%arg13 : memref<!tpu.dma_semaphore, #tpu.memory_space<semaphore_mem>>)
      }
      %scan3A_37 = arith.constant 19 : i32
      %dma_wait3A = arith.constant 38 : i32
      %dma_wait3A_38 = arith.constant 0 : i32
      %dma_wait3A_39 = tpu.memref_slice %arg8[%dma_wait3A, %dma_wait3A_38] : memref<40x125xi32, #tpu.memory_space<vmem>> -> memref<1x125xi32, #tpu.memory_space<vmem>>
      %dma_wait3A_40 = tpu.memref_squeeze %dma_wait3A_39 : memref<1x125xi32, #tpu.memory_space<vmem>> -> memref<125xi32, #tpu.memory_space<vmem>>
      %dma_wait3A_41 = arith.constant 0 : i32
      %dma_wait3A_42 = arith.constant 0 : i32
      %dma_wait3A_43 = tpu.memref_slice %arg2[%dma_wait3A_41, %dma_wait3A_42] : memref<10240x128xf32, #tpu.memory_space<hbm>> -> memref<10240x128xf32, #tpu.memory_space<hbm>>
      tpu.wait_indirect_dma semaphore(%arg12 : memref<!tpu.dma_semaphore, #tpu.memory_space<semaphore_mem>>) src(%dma_wait3A_43 : memref<10240x128xf32, #tpu.memory_space<hbm>>) dst(%arg10 : memref<125x128xf32, #tpu.memory_space<vmem>>)
      %run_scoped3A = arith.constant 38 : i32
      "tpu.region"() ({
        %run_scoped3A_52 = tpu.sem_alloc : memref<!tpu.dma_semaphore, #tpu.memory_space<semaphore_mem>>
        %dma_start3A_53 = arith.constant 0 : i32
        %dma_start3A_54 = tpu.memref_slice %arg9[%run_scoped3A, %dma_start3A_53] : memref<40x125xi32, #tpu.memory_space<vmem>> -> memref<1x125xi32, #tpu.memory_space<vmem>>
        %dma_start3A_55 = tpu.memref_squeeze %dma_start3A_54 : memref<1x125xi32, #tpu.memory_space<vmem>> -> memref<125xi32, #tpu.memory_space<vmem>>
        %dma_start3A_56 = arith.constant 0 : i32
        %dma_start3A_57 = arith.constant 0 : i32
        %dma_start3A_58 = tpu.memref_slice %arg7[%dma_start3A_56, %dma_start3A_57] : memref<10240x128xf32, #tpu.memory_space<vmem_shared>> -> memref<10240x128xf32, #tpu.memory_space<vmem_shared>>
        tpu.enqueue_indirect_dma source(%arg10 : memref<125x128xf32, #tpu.memory_space<vmem>>) target(%dma_start3A_58 : memref<10240x128xf32, #tpu.memory_space<vmem_shared>>) offsets(%dma_start3A_55 : memref<125xi32, #tpu.memory_space<vmem>>) semaphore(%run_scoped3A_52 : memref<!tpu.dma_semaphore, #tpu.memory_space<semaphore_mem>>) {add = true}
        %dma_wait3A_59 = arith.constant 0 : i32
        %dma_wait3A_60 = tpu.memref_slice %arg9[%run_scoped3A, %dma_wait3A_59] : memref<40x125xi32, #tpu.memory_space<vmem>> -> memref<1x125xi32, #tpu.memory_space<vmem>>
        %dma_wait3A_61 = tpu.memref_squeeze %dma_wait3A_60 : memref<1x125xi32, #tpu.memory_space<vmem>> -> memref<125xi32, #tpu.memory_space<vmem>>
        %dma_wait3A_62 = arith.constant 0 : i32
        %dma_wait3A_63 = arith.constant 0 : i32
        %dma_wait3A_64 = tpu.memref_slice %arg7[%dma_wait3A_62, %dma_wait3A_63] : memref<10240x128xf32, #tpu.memory_space<vmem_shared>> -> memref<10240x128xf32, #tpu.memory_space<vmem_shared>>
        tpu.wait_indirect_dma semaphore(%run_scoped3A_52 : memref<!tpu.dma_semaphore, #tpu.memory_space<semaphore_mem>>) src(%arg10 : memref<125x128xf32, #tpu.memory_space<vmem>>) dst(%dma_wait3A_64 : memref<10240x128xf32, #tpu.memory_space<vmem_shared>>)
        tpu.yield
      }) : () -> ()
      %dma_wait3A_44 = arith.constant 39 : i32
      %dma_wait3A_45 = arith.constant 0 : i32
      %dma_wait3A_46 = tpu.memref_slice %arg8[%dma_wait3A_44, %dma_wait3A_45] : memref<40x125xi32, #tpu.memory_space<vmem>> -> memref<1x125xi32, #tpu.memory_space<vmem>>
      %dma_wait3A_47 = tpu.memref_squeeze %dma_wait3A_46 : memref<1x125xi32, #tpu.memory_space<vmem>> -> memref<125xi32, #tpu.memory_space<vmem>>
      %dma_wait3A_48 = arith.constant 0 : i32
      %dma_wait3A_49 = arith.constant 0 : i32
      %dma_wait3A_50 = tpu.memref_slice %arg2[%dma_wait3A_48, %dma_wait3A_49] : memref<10240x128xf32, #tpu.memory_space<hbm>> -> memref<10240x128xf32, #tpu.memory_space<hbm>>
      tpu.wait_indirect_dma semaphore(%arg13 : memref<!tpu.dma_semaphore, #tpu.memory_space<semaphore_mem>>) src(%dma_wait3A_50 : memref<10240x128xf32, #tpu.memory_space<hbm>>) dst(%arg11 : memref<125x128xf32, #tpu.memory_space<vmem>>)
      %run_scoped3A_51 = arith.constant 39 : i32
      "tpu.region"() ({
        %run_scoped3A_52 = tpu.sem_alloc : memref<!tpu.dma_semaphore, #tpu.memory_space<semaphore_mem>>
        %dma_start3A_53 = arith.constant 0 : i32
        %dma_start3A_54 = tpu.memref_slice %arg9[%run_scoped3A_51, %dma_start3A_53] : memref<40x125xi32, #tpu.memory_space<vmem>> -> memref<1x125xi32, #tpu.memory_space<vmem>>
        %dma_start3A_55 = tpu.memref_squeeze %dma_start3A_54 : memref<1x125xi32, #tpu.memory_space<vmem>> -> memref<125xi32, #tpu.memory_space<vmem>>
        %dma_start3A_56 = arith.constant 0 : i32
        %dma_start3A_57 = arith.constant 0 : i32
        %dma_start3A_58 = tpu.memref_slice %arg7[%dma_start3A_56, %dma_start3A_57] : memref<10240x128xf32, #tpu.memory_space<vmem_shared>> -> memref<10240x128xf32, #tpu.memory_space<vmem_shared>>
        tpu.enqueue_indirect_dma source(%arg11 : memref<125x128xf32, #tpu.memory_space<vmem>>) target(%dma_start3A_58 : memref<10240x128xf32, #tpu.memory_space<vmem_shared>>) offsets(%dma_start3A_55 : memref<125xi32, #tpu.memory_space<vmem>>) semaphore(%run_scoped3A_52 : memref<!tpu.dma_semaphore, #tpu.memory_space<semaphore_mem>>) {add = true}
        %dma_wait3A_59 = arith.constant 0 : i32
        %dma_wait3A_60 = tpu.memref_slice %arg9[%run_scoped3A_51, %dma_wait3A_59] : memref<40x125xi32, #tpu.memory_space<vmem>> -> memref<1x125xi32, #tpu.memory_space<vmem>>
        %dma_wait3A_61 = tpu.memref_squeeze %dma_wait3A_60 : memref<1x125xi32, #tpu.memory_space<vmem>> -> memref<125xi32, #tpu.memory_space<vmem>>
        %dma_wait3A_62 = arith.constant 0 : i32
        %dma_wait3A_63 = arith.constant 0 : i32
        %dma_wait3A_64 = tpu.memref_slice %arg7[%dma_wait3A_62, %dma_wait3A_63] : memref<10240x128xf32, #tpu.memory_space<vmem_shared>> -> memref<10240x128xf32, #tpu.memory_space<vmem_shared>>
        tpu.wait_indirect_dma semaphore(%run_scoped3A_52 : memref<!tpu.dma_semaphore, #tpu.memory_space<semaphore_mem>>) src(%arg11 : memref<125x128xf32, #tpu.memory_space<vmem>>) dst(%dma_wait3A_64 : memref<10240x128xf32, #tpu.memory_space<vmem_shared>>)
        tpu.yield
      }) : () -> ()
    }
    %scan3A_7 = arith.constant 2 : i32
    %barrier3A_8 = arith.constant 0 : index
    tpu.barrier barrier_id(%barrier3A_8)
    %mul3A_9 = arith.constant 640 : i32
    %mul3A_10 = arith.muli %arg1, %mul3A_9 : i32
    %mul3A_11 = arith.constant 640 : i32
    %mul3A_12 = arith.muli %arg1, %mul3A_11 : i32
    "tpu.region"() ({
      %run_scoped3A = tpu.sem_alloc : memref<!tpu.dma_semaphore, #tpu.memory_space<semaphore_mem>>
      %dma_start3A = arith.constant 0 : i32
      %dma_start3A_13 = tpu.memref_slice %arg6[%arg0, %mul3A_12, %dma_start3A] : memref<2x10240x128xf32, #tpu.memory_space<hbm>> -> memref<1x640x128xf32, #tpu.memory_space<hbm>>
      %dma_start3A_14 = tpu.memref_squeeze %dma_start3A_13 : memref<1x640x128xf32, #tpu.memory_space<hbm>> -> memref<640x128xf32, #tpu.memory_space<hbm>>
      %dma_start3A_15 = arith.constant 0 : i32
      %dma_start3A_16 = tpu.memref_slice %arg7[%mul3A_10, %dma_start3A_15] : memref<10240x128xf32, #tpu.memory_space<vmem_shared>> -> memref<640x128xf32, #tpu.memory_space<vmem_shared>>
      tpu.enqueue_dma source(%dma_start3A_16 : memref<640x128xf32, #tpu.memory_space<vmem_shared>>) target(%dma_start3A_14 : memref<640x128xf32, #tpu.memory_space<hbm>>) target_semaphore(%run_scoped3A : memref<!tpu.dma_semaphore, #tpu.memory_space<semaphore_mem>>)
      %dma_wait3A = arith.constant 0 : i32
      %dma_wait3A_17 = tpu.memref_slice %arg6[%arg0, %mul3A_12, %dma_wait3A] : memref<2x10240x128xf32, #tpu.memory_space<hbm>> -> memref<1x640x128xf32, #tpu.memory_space<hbm>>
      %dma_wait3A_18 = tpu.memref_squeeze %dma_wait3A_17 : memref<1x640x128xf32, #tpu.memory_space<hbm>> -> memref<640x128xf32, #tpu.memory_space<hbm>>
      %dma_wait3A_19 = arith.constant 0 : i32
      %dma_wait3A_20 = tpu.memref_slice %arg7[%mul3A_10, %dma_wait3A_19] : memref<10240x128xf32, #tpu.memory_space<vmem_shared>> -> memref<640x128xf32, #tpu.memory_space<vmem_shared>>
      tpu.wait_dma2 semaphore(%run_scoped3A : memref<!tpu.dma_semaphore, #tpu.memory_space<semaphore_mem>>) src(%dma_wait3A_20 : memref<640x128xf32, #tpu.memory_space<vmem_shared>>) dst(%dma_wait3A_18 : memref<640x128xf32, #tpu.memory_space<hbm>>)
      tpu.yield
    }) : () -> ()
    return
  }
}

#map = affine_map<(d0, d1) -> (0, 0)>
#map1 = affine_map<(d0, d1) -> (0, 0, 0)>
module attributes {stable_mosaic.version = 14 : i64} {
  func.func @body(%arg0: i32, %arg1: i32, %arg2: memref<2560x125xi32, #tpu.memory_space<hbm>>, %arg3: memref<640x128xf32, #tpu.memory_space<hbm>>, %arg4: memref<125x128xf32, #tpu.memory_space<hbm>>, %arg5: memref<2x10240x128xf32, #tpu.memory_space<hbm>>, %arg6: memref<10240x128xf32, #tpu.memory_space<vmem_shared>>, %arg7: memref<80x125xi32, #tpu.memory_space<vmem>>, %arg8: memref<125x128xf32, #tpu.memory_space<vmem>>, %arg9: memref<!tpu.dma_semaphore, #tpu.memory_space<semaphore_mem>>) attributes {dimension_semantics = [#tpu.dimension_semantics<core_parallel>, #tpu.dimension_semantics<subcore_parallel>], iteration_bounds = array<i64: 2, 16>, scalar_prefetch = 0 : i64, scratch_operands = 4 : i64, tpu.core_type = #tpu.core_type<sc_vector_subcore>, window_params = [{transform_indices = #map}, {transform_indices = #map}, {transform_indices = #map}, {transform_indices = #map1}]} {
    %mul3A = arith.constant 16 : i32
    %mul3A_0 = arith.muli %arg0, %mul3A : i32
    %add3A = arith.addi %mul3A_0, %arg1 : i32
    %mul3A_1 = arith.constant 80 : i32
    %mul3A_2 = arith.muli %add3A, %mul3A_1 : i32
    "tpu.region"() ({
      %run_scoped3A = tpu.sem_alloc : memref<!tpu.dma_semaphore, #tpu.memory_space<semaphore_mem>>
      %dma_start3A = arith.constant 0 : i32
      %dma_start3A_15 = tpu.memref_slice %arg2[%mul3A_2, %dma_start3A] : memref<2560x125xi32, #tpu.memory_space<hbm>> -> memref<80x125xi32, #tpu.memory_space<hbm>>
      %dma_start3A_16 = arith.constant 0 : i32
      %dma_start3A_17 = tpu.memref_slice %arg2[%mul3A_2, %dma_start3A_16] : memref<2560x125xi32, #tpu.memory_space<hbm>> -> memref<80x125xi32, #tpu.memory_space<hbm>>
      tpu.enqueue_dma source(%dma_start3A_17 : memref<80x125xi32, #tpu.memory_space<hbm>>) target(%arg7 : memref<80x125xi32, #tpu.memory_space<vmem>>) target_semaphore(%run_scoped3A : memref<!tpu.dma_semaphore, #tpu.memory_space<semaphore_mem>>)
      %dma_wait3A = arith.constant 0 : i32
      %dma_wait3A_18 = tpu.memref_slice %arg2[%mul3A_2, %dma_wait3A] : memref<2560x125xi32, #tpu.memory_space<hbm>> -> memref<80x125xi32, #tpu.memory_space<hbm>>
      %dma_wait3A_19 = arith.constant 0 : i32
      %dma_wait3A_20 = tpu.memref_slice %arg2[%mul3A_2, %dma_wait3A_19] : memref<2560x125xi32, #tpu.memory_space<hbm>> -> memref<80x125xi32, #tpu.memory_space<hbm>>
      tpu.wait_dma2 semaphore(%run_scoped3A : memref<!tpu.dma_semaphore, #tpu.memory_space<semaphore_mem>>) src(%dma_wait3A_20 : memref<80x125xi32, #tpu.memory_space<hbm>>) dst(%arg7 : memref<80x125xi32, #tpu.memory_space<vmem>>)
      tpu.yield
    }) : () -> ()
    %mul3A_3 = arith.constant 640 : i32
    %mul3A_4 = arith.muli %arg1, %mul3A_3 : i32
    "tpu.region"() ({
      %run_scoped3A = tpu.sem_alloc : memref<!tpu.dma_semaphore, #tpu.memory_space<semaphore_mem>>
      %dma_start3A = arith.constant 0 : i32
      %dma_start3A_15 = tpu.memref_slice %arg6[%mul3A_4, %dma_start3A] : memref<10240x128xf32, #tpu.memory_space<vmem_shared>> -> memref<640x128xf32, #tpu.memory_space<vmem_shared>>
      tpu.enqueue_dma source(%arg3 : memref<640x128xf32, #tpu.memory_space<hbm>>) target(%dma_start3A_15 : memref<640x128xf32, #tpu.memory_space<vmem_shared>>) target_semaphore(%run_scoped3A : memref<!tpu.dma_semaphore, #tpu.memory_space<semaphore_mem>>)
      %dma_wait3A = arith.constant 0 : i32
      %dma_wait3A_16 = tpu.memref_slice %arg6[%mul3A_4, %dma_wait3A] : memref<10240x128xf32, #tpu.memory_space<vmem_shared>> -> memref<640x128xf32, #tpu.memory_space<vmem_shared>>
      tpu.wait_dma2 semaphore(%run_scoped3A : memref<!tpu.dma_semaphore, #tpu.memory_space<semaphore_mem>>) src(%arg3 : memref<640x128xf32, #tpu.memory_space<hbm>>) dst(%dma_wait3A_16 : memref<640x128xf32, #tpu.memory_space<vmem_shared>>)
      tpu.yield
    }) : () -> ()
    "tpu.region"() ({
      %run_scoped3A = tpu.sem_alloc : memref<!tpu.dma_semaphore, #tpu.memory_space<semaphore_mem>>
      tpu.enqueue_dma source(%arg4 : memref<125x128xf32, #tpu.memory_space<hbm>>) target(%arg8 : memref<125x128xf32, #tpu.memory_space<vmem>>) target_semaphore(%run_scoped3A : memref<!tpu.dma_semaphore, #tpu.memory_space<semaphore_mem>>)
      tpu.wait_dma2 semaphore(%run_scoped3A : memref<!tpu.dma_semaphore, #tpu.memory_space<semaphore_mem>>) src(%arg4 : memref<125x128xf32, #tpu.memory_space<hbm>>) dst(%arg8 : memref<125x128xf32, #tpu.memory_space<vmem>>)
      tpu.yield
    }) : () -> ()
    %barrier3A = arith.constant 0 : index
    tpu.barrier barrier_id(%barrier3A)
    %scan3A = arith.constant 0 : i32
    %scan3A_5 = arith.constant 0 : i32
    %scan3A_6 = arith.constant 5 : i32
    %scan3A_7 = arith.addi %scan3A_5, %scan3A_6 : i32
    %scan3A_8 = arith.constant 1 : i32
    scf.for %scan3A_15 = %scan3A_5 to %scan3A_7 step %scan3A_8  : i32 {
      %mul3A_16 = arith.constant 16 : i32
      %mul3A_17 = arith.muli %scan3A_15, %mul3A_16 : i32
      %add3A_18 = arith.constant 0 : i32
      %add3A_19 = arith.addi %mul3A_17, %add3A_18 : i32
      %dma_start3A = arith.constant 0 : i32
      %dma_start3A_20 = tpu.memref_slice %arg7[%add3A_19, %dma_start3A] : memref<80x125xi32, #tpu.memory_space<vmem>> -> memref<1x125xi32, #tpu.memory_space<vmem>>
      %dma_start3A_21 = tpu.memref_squeeze %dma_start3A_20 : memref<1x125xi32, #tpu.memory_space<vmem>> -> memref<125xi32, #tpu.memory_space<vmem>>
      %dma_start3A_22 = arith.constant 0 : i32
      %dma_start3A_23 = arith.constant 0 : i32
      %dma_start3A_24 = tpu.memref_slice %arg6[%dma_start3A_22, %dma_start3A_23] : memref<10240x128xf32, #tpu.memory_space<vmem_shared>> -> memref<10240x128xf32, #tpu.memory_space<vmem_shared>>
      tpu.enqueue_indirect_dma source(%arg8 : memref<125x128xf32, #tpu.memory_space<vmem>>) target(%dma_start3A_24 : memref<10240x128xf32, #tpu.memory_space<vmem_shared>>) offsets(%dma_start3A_21 : memref<125xi32, #tpu.memory_space<vmem>>) semaphore(%arg9 : memref<!tpu.dma_semaphore, #tpu.memory_space<semaphore_mem>>) {add = true}
      %mul3A_25 = arith.constant 16 : i32
      %mul3A_26 = arith.muli %scan3A_15, %mul3A_25 : i32
      %add3A_27 = arith.constant 1 : i32
      %add3A_28 = arith.addi %mul3A_26, %add3A_27 : i32
      %dma_start3A_29 = arith.constant 0 : i32
      %dma_start3A_30 = tpu.memref_slice %arg7[%add3A_28, %dma_start3A_29] : memref<80x125xi32, #tpu.memory_space<vmem>> -> memref<1x125xi32, #tpu.memory_space<vmem>>
      %dma_start3A_31 = tpu.memref_squeeze %dma_start3A_30 : memref<1x125xi32, #tpu.memory_space<vmem>> -> memref<125xi32, #tpu.memory_space<vmem>>
      %dma_start3A_32 = arith.constant 0 : i32
      %dma_start3A_33 = arith.constant 0 : i32
      %dma_start3A_34 = tpu.memref_slice %arg6[%dma_start3A_32, %dma_start3A_33] : memref<10240x128xf32, #tpu.memory_space<vmem_shared>> -> memref<10240x128xf32, #tpu.memory_space<vmem_shared>>
      tpu.enqueue_indirect_dma source(%arg8 : memref<125x128xf32, #tpu.memory_space<vmem>>) target(%dma_start3A_34 : memref<10240x128xf32, #tpu.memory_space<vmem_shared>>) offsets(%dma_start3A_31 : memref<125xi32, #tpu.memory_space<vmem>>) semaphore(%arg9 : memref<!tpu.dma_semaphore, #tpu.memory_space<semaphore_mem>>) {add = true}
      %mul3A_35 = arith.constant 16 : i32
      %mul3A_36 = arith.muli %scan3A_15, %mul3A_35 : i32
      %add3A_37 = arith.constant 2 : i32
      %add3A_38 = arith.addi %mul3A_36, %add3A_37 : i32
      %dma_start3A_39 = arith.constant 0 : i32
      %dma_start3A_40 = tpu.memref_slice %arg7[%add3A_38, %dma_start3A_39] : memref<80x125xi32, #tpu.memory_space<vmem>> -> memref<1x125xi32, #tpu.memory_space<vmem>>
      %dma_start3A_41 = tpu.memref_squeeze %dma_start3A_40 : memref<1x125xi32, #tpu.memory_space<vmem>> -> memref<125xi32, #tpu.memory_space<vmem>>
      %dma_start3A_42 = arith.constant 0 : i32
      %dma_start3A_43 = arith.constant 0 : i32
      %dma_start3A_44 = tpu.memref_slice %arg6[%dma_start3A_42, %dma_start3A_43] : memref<10240x128xf32, #tpu.memory_space<vmem_shared>> -> memref<10240x128xf32, #tpu.memory_space<vmem_shared>>
      tpu.enqueue_indirect_dma source(%arg8 : memref<125x128xf32, #tpu.memory_space<vmem>>) target(%dma_start3A_44 : memref<10240x128xf32, #tpu.memory_space<vmem_shared>>) offsets(%dma_start3A_41 : memref<125xi32, #tpu.memory_space<vmem>>) semaphore(%arg9 : memref<!tpu.dma_semaphore, #tpu.memory_space<semaphore_mem>>) {add = true}
      %mul3A_45 = arith.constant 16 : i32
      %mul3A_46 = arith.muli %scan3A_15, %mul3A_45 : i32
      %add3A_47 = arith.constant 3 : i32
      %add3A_48 = arith.addi %mul3A_46, %add3A_47 : i32
      %dma_start3A_49 = arith.constant 0 : i32
      %dma_start3A_50 = tpu.memref_slice %arg7[%add3A_48, %dma_start3A_49] : memref<80x125xi32, #tpu.memory_space<vmem>> -> memref<1x125xi32, #tpu.memory_space<vmem>>
      %dma_start3A_51 = tpu.memref_squeeze %dma_start3A_50 : memref<1x125xi32, #tpu.memory_space<vmem>> -> memref<125xi32, #tpu.memory_space<vmem>>
      %dma_start3A_52 = arith.constant 0 : i32
      %dma_start3A_53 = arith.constant 0 : i32
      %dma_start3A_54 = tpu.memref_slice %arg6[%dma_start3A_52, %dma_start3A_53] : memref<10240x128xf32, #tpu.memory_space<vmem_shared>> -> memref<10240x128xf32, #tpu.memory_space<vmem_shared>>
      tpu.enqueue_indirect_dma source(%arg8 : memref<125x128xf32, #tpu.memory_space<vmem>>) target(%dma_start3A_54 : memref<10240x128xf32, #tpu.memory_space<vmem_shared>>) offsets(%dma_start3A_51 : memref<125xi32, #tpu.memory_space<vmem>>) semaphore(%arg9 : memref<!tpu.dma_semaphore, #tpu.memory_space<semaphore_mem>>) {add = true}
      %mul3A_55 = arith.constant 16 : i32
      %mul3A_56 = arith.muli %scan3A_15, %mul3A_55 : i32
      %add3A_57 = arith.constant 4 : i32
      %add3A_58 = arith.addi %mul3A_56, %add3A_57 : i32
      %dma_start3A_59 = arith.constant 0 : i32
      %dma_start3A_60 = tpu.memref_slice %arg7[%add3A_58, %dma_start3A_59] : memref<80x125xi32, #tpu.memory_space<vmem>> -> memref<1x125xi32, #tpu.memory_space<vmem>>
      %dma_start3A_61 = tpu.memref_squeeze %dma_start3A_60 : memref<1x125xi32, #tpu.memory_space<vmem>> -> memref<125xi32, #tpu.memory_space<vmem>>
      %dma_start3A_62 = arith.constant 0 : i32
      %dma_start3A_63 = arith.constant 0 : i32
      %dma_start3A_64 = tpu.memref_slice %arg6[%dma_start3A_62, %dma_start3A_63] : memref<10240x128xf32, #tpu.memory_space<vmem_shared>> -> memref<10240x128xf32, #tpu.memory_space<vmem_shared>>
      tpu.enqueue_indirect_dma source(%arg8 : memref<125x128xf32, #tpu.memory_space<vmem>>) target(%dma_start3A_64 : memref<10240x128xf32, #tpu.memory_space<vmem_shared>>) offsets(%dma_start3A_61 : memref<125xi32, #tpu.memory_space<vmem>>) semaphore(%arg9 : memref<!tpu.dma_semaphore, #tpu.memory_space<semaphore_mem>>) {add = true}
      %mul3A_65 = arith.constant 16 : i32
      %mul3A_66 = arith.muli %scan3A_15, %mul3A_65 : i32
      %add3A_67 = arith.constant 5 : i32
      %add3A_68 = arith.addi %mul3A_66, %add3A_67 : i32
      %dma_start3A_69 = arith.constant 0 : i32
      %dma_start3A_70 = tpu.memref_slice %arg7[%add3A_68, %dma_start3A_69] : memref<80x125xi32, #tpu.memory_space<vmem>> -> memref<1x125xi32, #tpu.memory_space<vmem>>
      %dma_start3A_71 = tpu.memref_squeeze %dma_start3A_70 : memref<1x125xi32, #tpu.memory_space<vmem>> -> memref<125xi32, #tpu.memory_space<vmem>>
      %dma_start3A_72 = arith.constant 0 : i32
      %dma_start3A_73 = arith.constant 0 : i32
      %dma_start3A_74 = tpu.memref_slice %arg6[%dma_start3A_72, %dma_start3A_73] : memref<10240x128xf32, #tpu.memory_space<vmem_shared>> -> memref<10240x128xf32, #tpu.memory_space<vmem_shared>>
      tpu.enqueue_indirect_dma source(%arg8 : memref<125x128xf32, #tpu.memory_space<vmem>>) target(%dma_start3A_74 : memref<10240x128xf32, #tpu.memory_space<vmem_shared>>) offsets(%dma_start3A_71 : memref<125xi32, #tpu.memory_space<vmem>>) semaphore(%arg9 : memref<!tpu.dma_semaphore, #tpu.memory_space<semaphore_mem>>) {add = true}
      %mul3A_75 = arith.constant 16 : i32
      %mul3A_76 = arith.muli %scan3A_15, %mul3A_75 : i32
      %add3A_77 = arith.constant 6 : i32
      %add3A_78 = arith.addi %mul3A_76, %add3A_77 : i32
      %dma_start3A_79 = arith.constant 0 : i32
      %dma_start3A_80 = tpu.memref_slice %arg7[%add3A_78, %dma_start3A_79] : memref<80x125xi32, #tpu.memory_space<vmem>> -> memref<1x125xi32, #tpu.memory_space<vmem>>
      %dma_start3A_81 = tpu.memref_squeeze %dma_start3A_80 : memref<1x125xi32, #tpu.memory_space<vmem>> -> memref<125xi32, #tpu.memory_space<vmem>>
      %dma_start3A_82 = arith.constant 0 : i32
      %dma_start3A_83 = arith.constant 0 : i32
      %dma_start3A_84 = tpu.memref_slice %arg6[%dma_start3A_82, %dma_start3A_83] : memref<10240x128xf32, #tpu.memory_space<vmem_shared>> -> memref<10240x128xf32, #tpu.memory_space<vmem_shared>>
      tpu.enqueue_indirect_dma source(%arg8 : memref<125x128xf32, #tpu.memory_space<vmem>>) target(%dma_start3A_84 : memref<10240x128xf32, #tpu.memory_space<vmem_shared>>) offsets(%dma_start3A_81 : memref<125xi32, #tpu.memory_space<vmem>>) semaphore(%arg9 : memref<!tpu.dma_semaphore, #tpu.memory_space<semaphore_mem>>) {add = true}
      %mul3A_85 = arith.constant 16 : i32
      %mul3A_86 = arith.muli %scan3A_15, %mul3A_85 : i32
      %add3A_87 = arith.constant 7 : i32
      %add3A_88 = arith.addi %mul3A_86, %add3A_87 : i32
      %dma_start3A_89 = arith.constant 0 : i32
      %dma_start3A_90 = tpu.memref_slice %arg7[%add3A_88, %dma_start3A_89] : memref<80x125xi32, #tpu.memory_space<vmem>> -> memref<1x125xi32, #tpu.memory_space<vmem>>
      %dma_start3A_91 = tpu.memref_squeeze %dma_start3A_90 : memref<1x125xi32, #tpu.memory_space<vmem>> -> memref<125xi32, #tpu.memory_space<vmem>>
      %dma_start3A_92 = arith.constant 0 : i32
      %dma_start3A_93 = arith.constant 0 : i32
      %dma_start3A_94 = tpu.memref_slice %arg6[%dma_start3A_92, %dma_start3A_93] : memref<10240x128xf32, #tpu.memory_space<vmem_shared>> -> memref<10240x128xf32, #tpu.memory_space<vmem_shared>>
      tpu.enqueue_indirect_dma source(%arg8 : memref<125x128xf32, #tpu.memory_space<vmem>>) target(%dma_start3A_94 : memref<10240x128xf32, #tpu.memory_space<vmem_shared>>) offsets(%dma_start3A_91 : memref<125xi32, #tpu.memory_space<vmem>>) semaphore(%arg9 : memref<!tpu.dma_semaphore, #tpu.memory_space<semaphore_mem>>) {add = true}
      %mul3A_95 = arith.constant 16 : i32
      %mul3A_96 = arith.muli %scan3A_15, %mul3A_95 : i32
      %add3A_97 = arith.constant 8 : i32
      %add3A_98 = arith.addi %mul3A_96, %add3A_97 : i32
      %dma_start3A_99 = arith.constant 0 : i32
      %dma_start3A_100 = tpu.memref_slice %arg7[%add3A_98, %dma_start3A_99] : memref<80x125xi32, #tpu.memory_space<vmem>> -> memref<1x125xi32, #tpu.memory_space<vmem>>
      %dma_start3A_101 = tpu.memref_squeeze %dma_start3A_100 : memref<1x125xi32, #tpu.memory_space<vmem>> -> memref<125xi32, #tpu.memory_space<vmem>>
      %dma_start3A_102 = arith.constant 0 : i32
      %dma_start3A_103 = arith.constant 0 : i32
      %dma_start3A_104 = tpu.memref_slice %arg6[%dma_start3A_102, %dma_start3A_103] : memref<10240x128xf32, #tpu.memory_space<vmem_shared>> -> memref<10240x128xf32, #tpu.memory_space<vmem_shared>>
      tpu.enqueue_indirect_dma source(%arg8 : memref<125x128xf32, #tpu.memory_space<vmem>>) target(%dma_start3A_104 : memref<10240x128xf32, #tpu.memory_space<vmem_shared>>) offsets(%dma_start3A_101 : memref<125xi32, #tpu.memory_space<vmem>>) semaphore(%arg9 : memref<!tpu.dma_semaphore, #tpu.memory_space<semaphore_mem>>) {add = true}
      %mul3A_105 = arith.constant 16 : i32
      %mul3A_106 = arith.muli %scan3A_15, %mul3A_105 : i32
      %add3A_107 = arith.constant 9 : i32
      %add3A_108 = arith.addi %mul3A_106, %add3A_107 : i32
      %dma_start3A_109 = arith.constant 0 : i32
      %dma_start3A_110 = tpu.memref_slice %arg7[%add3A_108, %dma_start3A_109] : memref<80x125xi32, #tpu.memory_space<vmem>> -> memref<1x125xi32, #tpu.memory_space<vmem>>
      %dma_start3A_111 = tpu.memref_squeeze %dma_start3A_110 : memref<1x125xi32, #tpu.memory_space<vmem>> -> memref<125xi32, #tpu.memory_space<vmem>>
      %dma_start3A_112 = arith.constant 0 : i32
      %dma_start3A_113 = arith.constant 0 : i32
      %dma_start3A_114 = tpu.memref_slice %arg6[%dma_start3A_112, %dma_start3A_113] : memref<10240x128xf32, #tpu.memory_space<vmem_shared>> -> memref<10240x128xf32, #tpu.memory_space<vmem_shared>>
      tpu.enqueue_indirect_dma source(%arg8 : memref<125x128xf32, #tpu.memory_space<vmem>>) target(%dma_start3A_114 : memref<10240x128xf32, #tpu.memory_space<vmem_shared>>) offsets(%dma_start3A_111 : memref<125xi32, #tpu.memory_space<vmem>>) semaphore(%arg9 : memref<!tpu.dma_semaphore, #tpu.memory_space<semaphore_mem>>) {add = true}
      %mul3A_115 = arith.constant 16 : i32
      %mul3A_116 = arith.muli %scan3A_15, %mul3A_115 : i32
      %add3A_117 = arith.constant 10 : i32
      %add3A_118 = arith.addi %mul3A_116, %add3A_117 : i32
      %dma_start3A_119 = arith.constant 0 : i32
      %dma_start3A_120 = tpu.memref_slice %arg7[%add3A_118, %dma_start3A_119] : memref<80x125xi32, #tpu.memory_space<vmem>> -> memref<1x125xi32, #tpu.memory_space<vmem>>
      %dma_start3A_121 = tpu.memref_squeeze %dma_start3A_120 : memref<1x125xi32, #tpu.memory_space<vmem>> -> memref<125xi32, #tpu.memory_space<vmem>>
      %dma_start3A_122 = arith.constant 0 : i32
      %dma_start3A_123 = arith.constant 0 : i32
      %dma_start3A_124 = tpu.memref_slice %arg6[%dma_start3A_122, %dma_start3A_123] : memref<10240x128xf32, #tpu.memory_space<vmem_shared>> -> memref<10240x128xf32, #tpu.memory_space<vmem_shared>>
      tpu.enqueue_indirect_dma source(%arg8 : memref<125x128xf32, #tpu.memory_space<vmem>>) target(%dma_start3A_124 : memref<10240x128xf32, #tpu.memory_space<vmem_shared>>) offsets(%dma_start3A_121 : memref<125xi32, #tpu.memory_space<vmem>>) semaphore(%arg9 : memref<!tpu.dma_semaphore, #tpu.memory_space<semaphore_mem>>) {add = true}
      %mul3A_125 = arith.constant 16 : i32
      %mul3A_126 = arith.muli %scan3A_15, %mul3A_125 : i32
      %add3A_127 = arith.constant 11 : i32
      %add3A_128 = arith.addi %mul3A_126, %add3A_127 : i32
      %dma_start3A_129 = arith.constant 0 : i32
      %dma_start3A_130 = tpu.memref_slice %arg7[%add3A_128, %dma_start3A_129] : memref<80x125xi32, #tpu.memory_space<vmem>> -> memref<1x125xi32, #tpu.memory_space<vmem>>
      %dma_start3A_131 = tpu.memref_squeeze %dma_start3A_130 : memref<1x125xi32, #tpu.memory_space<vmem>> -> memref<125xi32, #tpu.memory_space<vmem>>
      %dma_start3A_132 = arith.constant 0 : i32
      %dma_start3A_133 = arith.constant 0 : i32
      %dma_start3A_134 = tpu.memref_slice %arg6[%dma_start3A_132, %dma_start3A_133] : memref<10240x128xf32, #tpu.memory_space<vmem_shared>> -> memref<10240x128xf32, #tpu.memory_space<vmem_shared>>
      tpu.enqueue_indirect_dma source(%arg8 : memref<125x128xf32, #tpu.memory_space<vmem>>) target(%dma_start3A_134 : memref<10240x128xf32, #tpu.memory_space<vmem_shared>>) offsets(%dma_start3A_131 : memref<125xi32, #tpu.memory_space<vmem>>) semaphore(%arg9 : memref<!tpu.dma_semaphore, #tpu.memory_space<semaphore_mem>>) {add = true}
      %mul3A_135 = arith.constant 16 : i32
      %mul3A_136 = arith.muli %scan3A_15, %mul3A_135 : i32
      %add3A_137 = arith.constant 12 : i32
      %add3A_138 = arith.addi %mul3A_136, %add3A_137 : i32
      %dma_start3A_139 = arith.constant 0 : i32
      %dma_start3A_140 = tpu.memref_slice %arg7[%add3A_138, %dma_start3A_139] : memref<80x125xi32, #tpu.memory_space<vmem>> -> memref<1x125xi32, #tpu.memory_space<vmem>>
      %dma_start3A_141 = tpu.memref_squeeze %dma_start3A_140 : memref<1x125xi32, #tpu.memory_space<vmem>> -> memref<125xi32, #tpu.memory_space<vmem>>
      %dma_start3A_142 = arith.constant 0 : i32
      %dma_start3A_143 = arith.constant 0 : i32
      %dma_start3A_144 = tpu.memref_slice %arg6[%dma_start3A_142, %dma_start3A_143] : memref<10240x128xf32, #tpu.memory_space<vmem_shared>> -> memref<10240x128xf32, #tpu.memory_space<vmem_shared>>
      tpu.enqueue_indirect_dma source(%arg8 : memref<125x128xf32, #tpu.memory_space<vmem>>) target(%dma_start3A_144 : memref<10240x128xf32, #tpu.memory_space<vmem_shared>>) offsets(%dma_start3A_141 : memref<125xi32, #tpu.memory_space<vmem>>) semaphore(%arg9 : memref<!tpu.dma_semaphore, #tpu.memory_space<semaphore_mem>>) {add = true}
      %mul3A_145 = arith.constant 16 : i32
      %mul3A_146 = arith.muli %scan3A_15, %mul3A_145 : i32
      %add3A_147 = arith.constant 13 : i32
      %add3A_148 = arith.addi %mul3A_146, %add3A_147 : i32
      %dma_start3A_149 = arith.constant 0 : i32
      %dma_start3A_150 = tpu.memref_slice %arg7[%add3A_148, %dma_start3A_149] : memref<80x125xi32, #tpu.memory_space<vmem>> -> memref<1x125xi32, #tpu.memory_space<vmem>>
      %dma_start3A_151 = tpu.memref_squeeze %dma_start3A_150 : memref<1x125xi32, #tpu.memory_space<vmem>> -> memref<125xi32, #tpu.memory_space<vmem>>
      %dma_start3A_152 = arith.constant 0 : i32
      %dma_start3A_153 = arith.constant 0 : i32
      %dma_start3A_154 = tpu.memref_slice %arg6[%dma_start3A_152, %dma_start3A_153] : memref<10240x128xf32, #tpu.memory_space<vmem_shared>> -> memref<10240x128xf32, #tpu.memory_space<vmem_shared>>
      tpu.enqueue_indirect_dma source(%arg8 : memref<125x128xf32, #tpu.memory_space<vmem>>) target(%dma_start3A_154 : memref<10240x128xf32, #tpu.memory_space<vmem_shared>>) offsets(%dma_start3A_151 : memref<125xi32, #tpu.memory_space<vmem>>) semaphore(%arg9 : memref<!tpu.dma_semaphore, #tpu.memory_space<semaphore_mem>>) {add = true}
      %mul3A_155 = arith.constant 16 : i32
      %mul3A_156 = arith.muli %scan3A_15, %mul3A_155 : i32
      %add3A_157 = arith.constant 14 : i32
      %add3A_158 = arith.addi %mul3A_156, %add3A_157 : i32
      %dma_start3A_159 = arith.constant 0 : i32
      %dma_start3A_160 = tpu.memref_slice %arg7[%add3A_158, %dma_start3A_159] : memref<80x125xi32, #tpu.memory_space<vmem>> -> memref<1x125xi32, #tpu.memory_space<vmem>>
      %dma_start3A_161 = tpu.memref_squeeze %dma_start3A_160 : memref<1x125xi32, #tpu.memory_space<vmem>> -> memref<125xi32, #tpu.memory_space<vmem>>
      %dma_start3A_162 = arith.constant 0 : i32
      %dma_start3A_163 = arith.constant 0 : i32
      %dma_start3A_164 = tpu.memref_slice %arg6[%dma_start3A_162, %dma_start3A_163] : memref<10240x128xf32, #tpu.memory_space<vmem_shared>> -> memref<10240x128xf32, #tpu.memory_space<vmem_shared>>
      tpu.enqueue_indirect_dma source(%arg8 : memref<125x128xf32, #tpu.memory_space<vmem>>) target(%dma_start3A_164 : memref<10240x128xf32, #tpu.memory_space<vmem_shared>>) offsets(%dma_start3A_161 : memref<125xi32, #tpu.memory_space<vmem>>) semaphore(%arg9 : memref<!tpu.dma_semaphore, #tpu.memory_space<semaphore_mem>>) {add = true}
      %mul3A_165 = arith.constant 16 : i32
      %mul3A_166 = arith.muli %scan3A_15, %mul3A_165 : i32
      %add3A_167 = arith.constant 15 : i32
      %add3A_168 = arith.addi %mul3A_166, %add3A_167 : i32
      %dma_start3A_169 = arith.constant 0 : i32
      %dma_start3A_170 = tpu.memref_slice %arg7[%add3A_168, %dma_start3A_169] : memref<80x125xi32, #tpu.memory_space<vmem>> -> memref<1x125xi32, #tpu.memory_space<vmem>>
      %dma_start3A_171 = tpu.memref_squeeze %dma_start3A_170 : memref<1x125xi32, #tpu.memory_space<vmem>> -> memref<125xi32, #tpu.memory_space<vmem>>
      %dma_start3A_172 = arith.constant 0 : i32
      %dma_start3A_173 = arith.constant 0 : i32
      %dma_start3A_174 = tpu.memref_slice %arg6[%dma_start3A_172, %dma_start3A_173] : memref<10240x128xf32, #tpu.memory_space<vmem_shared>> -> memref<10240x128xf32, #tpu.memory_space<vmem_shared>>
      tpu.enqueue_indirect_dma source(%arg8 : memref<125x128xf32, #tpu.memory_space<vmem>>) target(%dma_start3A_174 : memref<10240x128xf32, #tpu.memory_space<vmem_shared>>) offsets(%dma_start3A_171 : memref<125xi32, #tpu.memory_space<vmem>>) semaphore(%arg9 : memref<!tpu.dma_semaphore, #tpu.memory_space<semaphore_mem>>) {add = true}
      %mul3A_175 = arith.constant 16 : i32
      %mul3A_176 = arith.muli %scan3A_15, %mul3A_175 : i32
      %add3A_177 = arith.constant 0 : i32
      %add3A_178 = arith.addi %mul3A_176, %add3A_177 : i32
      %dma_wait3A = arith.constant 0 : i32
      %dma_wait3A_179 = tpu.memref_slice %arg7[%add3A_178, %dma_wait3A] : memref<80x125xi32, #tpu.memory_space<vmem>> -> memref<1x125xi32, #tpu.memory_space<vmem>>
      %dma_wait3A_180 = tpu.memref_squeeze %dma_wait3A_179 : memref<1x125xi32, #tpu.memory_space<vmem>> -> memref<125xi32, #tpu.memory_space<vmem>>
      %dma_wait3A_181 = arith.constant 0 : i32
      %dma_wait3A_182 = arith.constant 0 : i32
      %dma_wait3A_183 = tpu.memref_slice %arg6[%dma_wait3A_181, %dma_wait3A_182] : memref<10240x128xf32, #tpu.memory_space<vmem_shared>> -> memref<10240x128xf32, #tpu.memory_space<vmem_shared>>
      tpu.wait_indirect_dma semaphore(%arg9 : memref<!tpu.dma_semaphore, #tpu.memory_space<semaphore_mem>>) src(%arg8 : memref<125x128xf32, #tpu.memory_space<vmem>>) dst(%dma_wait3A_183 : memref<10240x128xf32, #tpu.memory_space<vmem_shared>>)
      %mul3A_184 = arith.constant 16 : i32
      %mul3A_185 = arith.muli %scan3A_15, %mul3A_184 : i32
      %add3A_186 = arith.constant 1 : i32
      %add3A_187 = arith.addi %mul3A_185, %add3A_186 : i32
      %dma_wait3A_188 = arith.constant 0 : i32
      %dma_wait3A_189 = tpu.memref_slice %arg7[%add3A_187, %dma_wait3A_188] : memref<80x125xi32, #tpu.memory_space<vmem>> -> memref<1x125xi32, #tpu.memory_space<vmem>>
      %dma_wait3A_190 = tpu.memref_squeeze %dma_wait3A_189 : memref<1x125xi32, #tpu.memory_space<vmem>> -> memref<125xi32, #tpu.memory_space<vmem>>
      %dma_wait3A_191 = arith.constant 0 : i32
      %dma_wait3A_192 = arith.constant 0 : i32
      %dma_wait3A_193 = tpu.memref_slice %arg6[%dma_wait3A_191, %dma_wait3A_192] : memref<10240x128xf32, #tpu.memory_space<vmem_shared>> -> memref<10240x128xf32, #tpu.memory_space<vmem_shared>>
      tpu.wait_indirect_dma semaphore(%arg9 : memref<!tpu.dma_semaphore, #tpu.memory_space<semaphore_mem>>) src(%arg8 : memref<125x128xf32, #tpu.memory_space<vmem>>) dst(%dma_wait3A_193 : memref<10240x128xf32, #tpu.memory_space<vmem_shared>>)
      %mul3A_194 = arith.constant 16 : i32
      %mul3A_195 = arith.muli %scan3A_15, %mul3A_194 : i32
      %add3A_196 = arith.constant 2 : i32
      %add3A_197 = arith.addi %mul3A_195, %add3A_196 : i32
      %dma_wait3A_198 = arith.constant 0 : i32
      %dma_wait3A_199 = tpu.memref_slice %arg7[%add3A_197, %dma_wait3A_198] : memref<80x125xi32, #tpu.memory_space<vmem>> -> memref<1x125xi32, #tpu.memory_space<vmem>>
      %dma_wait3A_200 = tpu.memref_squeeze %dma_wait3A_199 : memref<1x125xi32, #tpu.memory_space<vmem>> -> memref<125xi32, #tpu.memory_space<vmem>>
      %dma_wait3A_201 = arith.constant 0 : i32
      %dma_wait3A_202 = arith.constant 0 : i32
      %dma_wait3A_203 = tpu.memref_slice %arg6[%dma_wait3A_201, %dma_wait3A_202] : memref<10240x128xf32, #tpu.memory_space<vmem_shared>> -> memref<10240x128xf32, #tpu.memory_space<vmem_shared>>
      tpu.wait_indirect_dma semaphore(%arg9 : memref<!tpu.dma_semaphore, #tpu.memory_space<semaphore_mem>>) src(%arg8 : memref<125x128xf32, #tpu.memory_space<vmem>>) dst(%dma_wait3A_203 : memref<10240x128xf32, #tpu.memory_space<vmem_shared>>)
      %mul3A_204 = arith.constant 16 : i32
      %mul3A_205 = arith.muli %scan3A_15, %mul3A_204 : i32
      %add3A_206 = arith.constant 3 : i32
      %add3A_207 = arith.addi %mul3A_205, %add3A_206 : i32
      %dma_wait3A_208 = arith.constant 0 : i32
      %dma_wait3A_209 = tpu.memref_slice %arg7[%add3A_207, %dma_wait3A_208] : memref<80x125xi32, #tpu.memory_space<vmem>> -> memref<1x125xi32, #tpu.memory_space<vmem>>
      %dma_wait3A_210 = tpu.memref_squeeze %dma_wait3A_209 : memref<1x125xi32, #tpu.memory_space<vmem>> -> memref<125xi32, #tpu.memory_space<vmem>>
      %dma_wait3A_211 = arith.constant 0 : i32
      %dma_wait3A_212 = arith.constant 0 : i32
      %dma_wait3A_213 = tpu.memref_slice %arg6[%dma_wait3A_211, %dma_wait3A_212] : memref<10240x128xf32, #tpu.memory_space<vmem_shared>> -> memref<10240x128xf32, #tpu.memory_space<vmem_shared>>
      tpu.wait_indirect_dma semaphore(%arg9 : memref<!tpu.dma_semaphore, #tpu.memory_space<semaphore_mem>>) src(%arg8 : memref<125x128xf32, #tpu.memory_space<vmem>>) dst(%dma_wait3A_213 : memref<10240x128xf32, #tpu.memory_space<vmem_shared>>)
      %mul3A_214 = arith.constant 16 : i32
      %mul3A_215 = arith.muli %scan3A_15, %mul3A_214 : i32
      %add3A_216 = arith.constant 4 : i32
      %add3A_217 = arith.addi %mul3A_215, %add3A_216 : i32
      %dma_wait3A_218 = arith.constant 0 : i32
      %dma_wait3A_219 = tpu.memref_slice %arg7[%add3A_217, %dma_wait3A_218] : memref<80x125xi32, #tpu.memory_space<vmem>> -> memref<1x125xi32, #tpu.memory_space<vmem>>
      %dma_wait3A_220 = tpu.memref_squeeze %dma_wait3A_219 : memref<1x125xi32, #tpu.memory_space<vmem>> -> memref<125xi32, #tpu.memory_space<vmem>>
      %dma_wait3A_221 = arith.constant 0 : i32
      %dma_wait3A_222 = arith.constant 0 : i32
      %dma_wait3A_223 = tpu.memref_slice %arg6[%dma_wait3A_221, %dma_wait3A_222] : memref<10240x128xf32, #tpu.memory_space<vmem_shared>> -> memref<10240x128xf32, #tpu.memory_space<vmem_shared>>
      tpu.wait_indirect_dma semaphore(%arg9 : memref<!tpu.dma_semaphore, #tpu.memory_space<semaphore_mem>>) src(%arg8 : memref<125x128xf32, #tpu.memory_space<vmem>>) dst(%dma_wait3A_223 : memref<10240x128xf32, #tpu.memory_space<vmem_shared>>)
      %mul3A_224 = arith.constant 16 : i32
      %mul3A_225 = arith.muli %scan3A_15, %mul3A_224 : i32
      %add3A_226 = arith.constant 5 : i32
      %add3A_227 = arith.addi %mul3A_225, %add3A_226 : i32
      %dma_wait3A_228 = arith.constant 0 : i32
      %dma_wait3A_229 = tpu.memref_slice %arg7[%add3A_227, %dma_wait3A_228] : memref<80x125xi32, #tpu.memory_space<vmem>> -> memref<1x125xi32, #tpu.memory_space<vmem>>
      %dma_wait3A_230 = tpu.memref_squeeze %dma_wait3A_229 : memref<1x125xi32, #tpu.memory_space<vmem>> -> memref<125xi32, #tpu.memory_space<vmem>>
      %dma_wait3A_231 = arith.constant 0 : i32
      %dma_wait3A_232 = arith.constant 0 : i32
      %dma_wait3A_233 = tpu.memref_slice %arg6[%dma_wait3A_231, %dma_wait3A_232] : memref<10240x128xf32, #tpu.memory_space<vmem_shared>> -> memref<10240x128xf32, #tpu.memory_space<vmem_shared>>
      tpu.wait_indirect_dma semaphore(%arg9 : memref<!tpu.dma_semaphore, #tpu.memory_space<semaphore_mem>>) src(%arg8 : memref<125x128xf32, #tpu.memory_space<vmem>>) dst(%dma_wait3A_233 : memref<10240x128xf32, #tpu.memory_space<vmem_shared>>)
      %mul3A_234 = arith.constant 16 : i32
      %mul3A_235 = arith.muli %scan3A_15, %mul3A_234 : i32
      %add3A_236 = arith.constant 6 : i32
      %add3A_237 = arith.addi %mul3A_235, %add3A_236 : i32
      %dma_wait3A_238 = arith.constant 0 : i32
      %dma_wait3A_239 = tpu.memref_slice %arg7[%add3A_237, %dma_wait3A_238] : memref<80x125xi32, #tpu.memory_space<vmem>> -> memref<1x125xi32, #tpu.memory_space<vmem>>
      %dma_wait3A_240 = tpu.memref_squeeze %dma_wait3A_239 : memref<1x125xi32, #tpu.memory_space<vmem>> -> memref<125xi32, #tpu.memory_space<vmem>>
      %dma_wait3A_241 = arith.constant 0 : i32
      %dma_wait3A_242 = arith.constant 0 : i32
      %dma_wait3A_243 = tpu.memref_slice %arg6[%dma_wait3A_241, %dma_wait3A_242] : memref<10240x128xf32, #tpu.memory_space<vmem_shared>> -> memref<10240x128xf32, #tpu.memory_space<vmem_shared>>
      tpu.wait_indirect_dma semaphore(%arg9 : memref<!tpu.dma_semaphore, #tpu.memory_space<semaphore_mem>>) src(%arg8 : memref<125x128xf32, #tpu.memory_space<vmem>>) dst(%dma_wait3A_243 : memref<10240x128xf32, #tpu.memory_space<vmem_shared>>)
      %mul3A_244 = arith.constant 16 : i32
      %mul3A_245 = arith.muli %scan3A_15, %mul3A_244 : i32
      %add3A_246 = arith.constant 7 : i32
      %add3A_247 = arith.addi %mul3A_245, %add3A_246 : i32
      %dma_wait3A_248 = arith.constant 0 : i32
      %dma_wait3A_249 = tpu.memref_slice %arg7[%add3A_247, %dma_wait3A_248] : memref<80x125xi32, #tpu.memory_space<vmem>> -> memref<1x125xi32, #tpu.memory_space<vmem>>
      %dma_wait3A_250 = tpu.memref_squeeze %dma_wait3A_249 : memref<1x125xi32, #tpu.memory_space<vmem>> -> memref<125xi32, #tpu.memory_space<vmem>>
      %dma_wait3A_251 = arith.constant 0 : i32
      %dma_wait3A_252 = arith.constant 0 : i32
      %dma_wait3A_253 = tpu.memref_slice %arg6[%dma_wait3A_251, %dma_wait3A_252] : memref<10240x128xf32, #tpu.memory_space<vmem_shared>> -> memref<10240x128xf32, #tpu.memory_space<vmem_shared>>
      tpu.wait_indirect_dma semaphore(%arg9 : memref<!tpu.dma_semaphore, #tpu.memory_space<semaphore_mem>>) src(%arg8 : memref<125x128xf32, #tpu.memory_space<vmem>>) dst(%dma_wait3A_253 : memref<10240x128xf32, #tpu.memory_space<vmem_shared>>)
      %mul3A_254 = arith.constant 16 : i32
      %mul3A_255 = arith.muli %scan3A_15, %mul3A_254 : i32
      %add3A_256 = arith.constant 8 : i32
      %add3A_257 = arith.addi %mul3A_255, %add3A_256 : i32
      %dma_wait3A_258 = arith.constant 0 : i32
      %dma_wait3A_259 = tpu.memref_slice %arg7[%add3A_257, %dma_wait3A_258] : memref<80x125xi32, #tpu.memory_space<vmem>> -> memref<1x125xi32, #tpu.memory_space<vmem>>
      %dma_wait3A_260 = tpu.memref_squeeze %dma_wait3A_259 : memref<1x125xi32, #tpu.memory_space<vmem>> -> memref<125xi32, #tpu.memory_space<vmem>>
      %dma_wait3A_261 = arith.constant 0 : i32
      %dma_wait3A_262 = arith.constant 0 : i32
      %dma_wait3A_263 = tpu.memref_slice %arg6[%dma_wait3A_261, %dma_wait3A_262] : memref<10240x128xf32, #tpu.memory_space<vmem_shared>> -> memref<10240x128xf32, #tpu.memory_space<vmem_shared>>
      tpu.wait_indirect_dma semaphore(%arg9 : memref<!tpu.dma_semaphore, #tpu.memory_space<semaphore_mem>>) src(%arg8 : memref<125x128xf32, #tpu.memory_space<vmem>>) dst(%dma_wait3A_263 : memref<10240x128xf32, #tpu.memory_space<vmem_shared>>)
      %mul3A_264 = arith.constant 16 : i32
      %mul3A_265 = arith.muli %scan3A_15, %mul3A_264 : i32
      %add3A_266 = arith.constant 9 : i32
      %add3A_267 = arith.addi %mul3A_265, %add3A_266 : i32
      %dma_wait3A_268 = arith.constant 0 : i32
      %dma_wait3A_269 = tpu.memref_slice %arg7[%add3A_267, %dma_wait3A_268] : memref<80x125xi32, #tpu.memory_space<vmem>> -> memref<1x125xi32, #tpu.memory_space<vmem>>
      %dma_wait3A_270 = tpu.memref_squeeze %dma_wait3A_269 : memref<1x125xi32, #tpu.memory_space<vmem>> -> memref<125xi32, #tpu.memory_space<vmem>>
      %dma_wait3A_271 = arith.constant 0 : i32
      %dma_wait3A_272 = arith.constant 0 : i32
      %dma_wait3A_273 = tpu.memref_slice %arg6[%dma_wait3A_271, %dma_wait3A_272] : memref<10240x128xf32, #tpu.memory_space<vmem_shared>> -> memref<10240x128xf32, #tpu.memory_space<vmem_shared>>
      tpu.wait_indirect_dma semaphore(%arg9 : memref<!tpu.dma_semaphore, #tpu.memory_space<semaphore_mem>>) src(%arg8 : memref<125x128xf32, #tpu.memory_space<vmem>>) dst(%dma_wait3A_273 : memref<10240x128xf32, #tpu.memory_space<vmem_shared>>)
      %mul3A_274 = arith.constant 16 : i32
      %mul3A_275 = arith.muli %scan3A_15, %mul3A_274 : i32
      %add3A_276 = arith.constant 10 : i32
      %add3A_277 = arith.addi %mul3A_275, %add3A_276 : i32
      %dma_wait3A_278 = arith.constant 0 : i32
      %dma_wait3A_279 = tpu.memref_slice %arg7[%add3A_277, %dma_wait3A_278] : memref<80x125xi32, #tpu.memory_space<vmem>> -> memref<1x125xi32, #tpu.memory_space<vmem>>
      %dma_wait3A_280 = tpu.memref_squeeze %dma_wait3A_279 : memref<1x125xi32, #tpu.memory_space<vmem>> -> memref<125xi32, #tpu.memory_space<vmem>>
      %dma_wait3A_281 = arith.constant 0 : i32
      %dma_wait3A_282 = arith.constant 0 : i32
      %dma_wait3A_283 = tpu.memref_slice %arg6[%dma_wait3A_281, %dma_wait3A_282] : memref<10240x128xf32, #tpu.memory_space<vmem_shared>> -> memref<10240x128xf32, #tpu.memory_space<vmem_shared>>
      tpu.wait_indirect_dma semaphore(%arg9 : memref<!tpu.dma_semaphore, #tpu.memory_space<semaphore_mem>>) src(%arg8 : memref<125x128xf32, #tpu.memory_space<vmem>>) dst(%dma_wait3A_283 : memref<10240x128xf32, #tpu.memory_space<vmem_shared>>)
      %mul3A_284 = arith.constant 16 : i32
      %mul3A_285 = arith.muli %scan3A_15, %mul3A_284 : i32
      %add3A_286 = arith.constant 11 : i32
      %add3A_287 = arith.addi %mul3A_285, %add3A_286 : i32
      %dma_wait3A_288 = arith.constant 0 : i32
      %dma_wait3A_289 = tpu.memref_slice %arg7[%add3A_287, %dma_wait3A_288] : memref<80x125xi32, #tpu.memory_space<vmem>> -> memref<1x125xi32, #tpu.memory_space<vmem>>
      %dma_wait3A_290 = tpu.memref_squeeze %dma_wait3A_289 : memref<1x125xi32, #tpu.memory_space<vmem>> -> memref<125xi32, #tpu.memory_space<vmem>>
      %dma_wait3A_291 = arith.constant 0 : i32
      %dma_wait3A_292 = arith.constant 0 : i32
      %dma_wait3A_293 = tpu.memref_slice %arg6[%dma_wait3A_291, %dma_wait3A_292] : memref<10240x128xf32, #tpu.memory_space<vmem_shared>> -> memref<10240x128xf32, #tpu.memory_space<vmem_shared>>
      tpu.wait_indirect_dma semaphore(%arg9 : memref<!tpu.dma_semaphore, #tpu.memory_space<semaphore_mem>>) src(%arg8 : memref<125x128xf32, #tpu.memory_space<vmem>>) dst(%dma_wait3A_293 : memref<10240x128xf32, #tpu.memory_space<vmem_shared>>)
      %mul3A_294 = arith.constant 16 : i32
      %mul3A_295 = arith.muli %scan3A_15, %mul3A_294 : i32
      %add3A_296 = arith.constant 12 : i32
      %add3A_297 = arith.addi %mul3A_295, %add3A_296 : i32
      %dma_wait3A_298 = arith.constant 0 : i32
      %dma_wait3A_299 = tpu.memref_slice %arg7[%add3A_297, %dma_wait3A_298] : memref<80x125xi32, #tpu.memory_space<vmem>> -> memref<1x125xi32, #tpu.memory_space<vmem>>
      %dma_wait3A_300 = tpu.memref_squeeze %dma_wait3A_299 : memref<1x125xi32, #tpu.memory_space<vmem>> -> memref<125xi32, #tpu.memory_space<vmem>>
      %dma_wait3A_301 = arith.constant 0 : i32
      %dma_wait3A_302 = arith.constant 0 : i32
      %dma_wait3A_303 = tpu.memref_slice %arg6[%dma_wait3A_301, %dma_wait3A_302] : memref<10240x128xf32, #tpu.memory_space<vmem_shared>> -> memref<10240x128xf32, #tpu.memory_space<vmem_shared>>
      tpu.wait_indirect_dma semaphore(%arg9 : memref<!tpu.dma_semaphore, #tpu.memory_space<semaphore_mem>>) src(%arg8 : memref<125x128xf32, #tpu.memory_space<vmem>>) dst(%dma_wait3A_303 : memref<10240x128xf32, #tpu.memory_space<vmem_shared>>)
      %mul3A_304 = arith.constant 16 : i32
      %mul3A_305 = arith.muli %scan3A_15, %mul3A_304 : i32
      %add3A_306 = arith.constant 13 : i32
      %add3A_307 = arith.addi %mul3A_305, %add3A_306 : i32
      %dma_wait3A_308 = arith.constant 0 : i32
      %dma_wait3A_309 = tpu.memref_slice %arg7[%add3A_307, %dma_wait3A_308] : memref<80x125xi32, #tpu.memory_space<vmem>> -> memref<1x125xi32, #tpu.memory_space<vmem>>
      %dma_wait3A_310 = tpu.memref_squeeze %dma_wait3A_309 : memref<1x125xi32, #tpu.memory_space<vmem>> -> memref<125xi32, #tpu.memory_space<vmem>>
      %dma_wait3A_311 = arith.constant 0 : i32
      %dma_wait3A_312 = arith.constant 0 : i32
      %dma_wait3A_313 = tpu.memref_slice %arg6[%dma_wait3A_311, %dma_wait3A_312] : memref<10240x128xf32, #tpu.memory_space<vmem_shared>> -> memref<10240x128xf32, #tpu.memory_space<vmem_shared>>
      tpu.wait_indirect_dma semaphore(%arg9 : memref<!tpu.dma_semaphore, #tpu.memory_space<semaphore_mem>>) src(%arg8 : memref<125x128xf32, #tpu.memory_space<vmem>>) dst(%dma_wait3A_313 : memref<10240x128xf32, #tpu.memory_space<vmem_shared>>)
      %mul3A_314 = arith.constant 16 : i32
      %mul3A_315 = arith.muli %scan3A_15, %mul3A_314 : i32
      %add3A_316 = arith.constant 14 : i32
      %add3A_317 = arith.addi %mul3A_315, %add3A_316 : i32
      %dma_wait3A_318 = arith.constant 0 : i32
      %dma_wait3A_319 = tpu.memref_slice %arg7[%add3A_317, %dma_wait3A_318] : memref<80x125xi32, #tpu.memory_space<vmem>> -> memref<1x125xi32, #tpu.memory_space<vmem>>
      %dma_wait3A_320 = tpu.memref_squeeze %dma_wait3A_319 : memref<1x125xi32, #tpu.memory_space<vmem>> -> memref<125xi32, #tpu.memory_space<vmem>>
      %dma_wait3A_321 = arith.constant 0 : i32
      %dma_wait3A_322 = arith.constant 0 : i32
      %dma_wait3A_323 = tpu.memref_slice %arg6[%dma_wait3A_321, %dma_wait3A_322] : memref<10240x128xf32, #tpu.memory_space<vmem_shared>> -> memref<10240x128xf32, #tpu.memory_space<vmem_shared>>
      tpu.wait_indirect_dma semaphore(%arg9 : memref<!tpu.dma_semaphore, #tpu.memory_space<semaphore_mem>>) src(%arg8 : memref<125x128xf32, #tpu.memory_space<vmem>>) dst(%dma_wait3A_323 : memref<10240x128xf32, #tpu.memory_space<vmem_shared>>)
      %mul3A_324 = arith.constant 16 : i32
      %mul3A_325 = arith.muli %scan3A_15, %mul3A_324 : i32
      %add3A_326 = arith.constant 15 : i32
      %add3A_327 = arith.addi %mul3A_325, %add3A_326 : i32
      %dma_wait3A_328 = arith.constant 0 : i32
      %dma_wait3A_329 = tpu.memref_slice %arg7[%add3A_327, %dma_wait3A_328] : memref<80x125xi32, #tpu.memory_space<vmem>> -> memref<1x125xi32, #tpu.memory_space<vmem>>
      %dma_wait3A_330 = tpu.memref_squeeze %dma_wait3A_329 : memref<1x125xi32, #tpu.memory_space<vmem>> -> memref<125xi32, #tpu.memory_space<vmem>>
      %dma_wait3A_331 = arith.constant 0 : i32
      %dma_wait3A_332 = arith.constant 0 : i32
      %dma_wait3A_333 = tpu.memref_slice %arg6[%dma_wait3A_331, %dma_wait3A_332] : memref<10240x128xf32, #tpu.memory_space<vmem_shared>> -> memref<10240x128xf32, #tpu.memory_space<vmem_shared>>
      tpu.wait_indirect_dma semaphore(%arg9 : memref<!tpu.dma_semaphore, #tpu.memory_space<semaphore_mem>>) src(%arg8 : memref<125x128xf32, #tpu.memory_space<vmem>>) dst(%dma_wait3A_333 : memref<10240x128xf32, #tpu.memory_space<vmem_shared>>)
    }
    %scan3A_9 = arith.constant 5 : i32
    %barrier3A_10 = arith.constant 0 : index
    tpu.barrier barrier_id(%barrier3A_10)
    %mul3A_11 = arith.constant 640 : i32
    %mul3A_12 = arith.muli %arg1, %mul3A_11 : i32
    %mul3A_13 = arith.constant 640 : i32
    %mul3A_14 = arith.muli %arg1, %mul3A_13 : i32
    "tpu.region"() ({
      %run_scoped3A = tpu.sem_alloc : memref<!tpu.dma_semaphore, #tpu.memory_space<semaphore_mem>>
      %dma_start3A = arith.constant 0 : i32
      %dma_start3A_15 = tpu.memref_slice %arg5[%arg0, %mul3A_14, %dma_start3A] : memref<2x10240x128xf32, #tpu.memory_space<hbm>> -> memref<1x640x128xf32, #tpu.memory_space<hbm>>
      %dma_start3A_16 = tpu.memref_squeeze %dma_start3A_15 : memref<1x640x128xf32, #tpu.memory_space<hbm>> -> memref<640x128xf32, #tpu.memory_space<hbm>>
      %dma_start3A_17 = arith.constant 0 : i32
      %dma_start3A_18 = tpu.memref_slice %arg6[%mul3A_12, %dma_start3A_17] : memref<10240x128xf32, #tpu.memory_space<vmem_shared>> -> memref<640x128xf32, #tpu.memory_space<vmem_shared>>
      tpu.enqueue_dma source(%dma_start3A_18 : memref<640x128xf32, #tpu.memory_space<vmem_shared>>) target(%dma_start3A_16 : memref<640x128xf32, #tpu.memory_space<hbm>>) target_semaphore(%run_scoped3A : memref<!tpu.dma_semaphore, #tpu.memory_space<semaphore_mem>>)
      %dma_wait3A = arith.constant 0 : i32
      %dma_wait3A_19 = tpu.memref_slice %arg5[%arg0, %mul3A_14, %dma_wait3A] : memref<2x10240x128xf32, #tpu.memory_space<hbm>> -> memref<1x640x128xf32, #tpu.memory_space<hbm>>
      %dma_wait3A_20 = tpu.memref_squeeze %dma_wait3A_19 : memref<1x640x128xf32, #tpu.memory_space<hbm>> -> memref<640x128xf32, #tpu.memory_space<hbm>>
      %dma_wait3A_21 = arith.constant 0 : i32
      %dma_wait3A_22 = tpu.memref_slice %arg6[%mul3A_12, %dma_wait3A_21] : memref<10240x128xf32, #tpu.memory_space<vmem_shared>> -> memref<640x128xf32, #tpu.memory_space<vmem_shared>>
      tpu.wait_dma2 semaphore(%run_scoped3A : memref<!tpu.dma_semaphore, #tpu.memory_space<semaphore_mem>>) src(%dma_wait3A_22 : memref<640x128xf32, #tpu.memory_space<vmem_shared>>) dst(%dma_wait3A_20 : memref<640x128xf32, #tpu.memory_space<hbm>>)
      tpu.yield
    }) : () -> ()
    return
  }
}

module attributes {stable_mosaic.version = 14 : i64} {
  func.func @_mlp0_body(%arg0: i32, %arg1: memref<2000x128xf32, #tpu.memory_space<vmem>>, %arg2: memref<128x128xf32, #tpu.memory_space<vmem>>, %arg3: memref<128x128xf32, #tpu.memory_space<vmem>>, %arg4: memref<2000x128xf32, #tpu.memory_space<vmem>>) attributes {dimension_semantics = [#tpu.dimension_semantics<arbitrary>], iteration_bounds = array<i64: 5>, scalar_prefetch = 0 : i64, scratch_operands = 0 : i64, tpu.core_type = #tpu.core_type<tc>, window_params = [{transform_indices = @transform_0, window_bounds = array<i64: 2000, 128>}, {pipeline_mode = #tpu.pipeline_mode<synchronous>, transform_indices = @transform_1, window_bounds = array<i64: 128, 128>}, {pipeline_mode = #tpu.pipeline_mode<synchronous>, transform_indices = @transform_2, window_bounds = array<i64: 128, 128>}, {transform_indices = @transform_3, window_bounds = array<i64: 2000, 128>}]} {
    %get3A = arith.constant 0 : index
    %get3A_0 = arith.constant 0 : index
    %get3A_1 = vector.load %arg1[%get3A, %get3A_0] : memref<2000x128xf32, #tpu.memory_space<vmem>>, vector<2000x128xf32>
    %get3A_2 = arith.constant 0 : index
    %get3A_3 = arith.constant 0 : index
    %get3A_4 = vector.load %arg2[%get3A_2, %get3A_3] : memref<128x128xf32, #tpu.memory_space<vmem>>, vector<128x128xf32>
    %dot_general3A = arith.constant dense<0.000000e+00> : vector<2000x128xf32>
    %dot_general3A_5 = tpu.matmul %get3A_1, %get3A_4, %dot_general3A {dimension_numbers = #tpu.dot_dimension_numbers<[1], [0], [0], [1], [0, 0, 1, 1], [], []>, transpose_lhs_hint = false} : vector<2000x128xf32>, vector<128x128xf32>, vector<2000x128xf32> -> vector<2000x128xf32>
    %max3A = arith.constant 0.000000e+00 : f32
    %max3A_6 = vector.broadcast %max3A : f32 to vector<2000x128xf32>
    %max3A_7 = arith.maximumf %dot_general3A_5, %max3A_6 : vector<2000x128xf32>
    %get3A_8 = arith.constant 0 : index
    %get3A_9 = arith.constant 0 : index
    %get3A_10 = vector.load %arg3[%get3A_8, %get3A_9] : memref<128x128xf32, #tpu.memory_space<vmem>>, vector<128x128xf32>
    %dot_general3A_11 = arith.constant dense<0.000000e+00> : vector<2000x128xf32>
    %dot_general3A_12 = tpu.matmul %max3A_7, %get3A_10, %dot_general3A_11 {dimension_numbers = #tpu.dot_dimension_numbers<[1], [0], [0], [1], [0, 0, 1, 1], [], []>, transpose_lhs_hint = false} : vector<2000x128xf32>, vector<128x128xf32>, vector<2000x128xf32> -> vector<2000x128xf32>
    %max3A_13 = arith.constant 0.000000e+00 : f32
    %max3A_14 = vector.broadcast %max3A_13 : f32 to vector<2000x128xf32>
    %max3A_15 = arith.maximumf %dot_general3A_12, %max3A_14 : vector<2000x128xf32>
    %swap3A = arith.constant 0 : index
    %swap3A_16 = arith.constant 0 : index
    %swap3A_17 = vector.load %arg4[%swap3A, %swap3A_16] : memref<2000x128xf32, #tpu.memory_space<vmem>>, vector<2000x128xf32>
    tpu.vector_store %arg4[%swap3A, %swap3A_16], %max3A_15 {strides = array<i32>} : memref<2000x128xf32, #tpu.memory_space<vmem>>, vector<2000x128xf32>,
    return
  }
  func.func @transform_0(%arg0: i32) -> (i32, i32) {
    %c0_i32 = arith.constant 0 : i32
    %c0_i32_0 = arith.constant 0 : i32
    return %arg0, %c0_i32 : i32, i32
  }
  func.func @transform_1(%arg0: i32) -> (i32, i32) {
    %c0_i32 = arith.constant 0 : i32
    %c0_i32_0 = arith.constant 0 : i32
    %c0_i32_1 = arith.constant 0 : i32
    return %c0_i32, %c0_i32_0 : i32, i32
  }
  func.func @transform_2(%arg0: i32) -> (i32, i32) {
    %c0_i32 = arith.constant 0 : i32
    %c0_i32_0 = arith.constant 0 : i32
    %c0_i32_1 = arith.constant 0 : i32
    return %c0_i32, %c0_i32_0 : i32, i32
  }
  func.func @transform_3(%arg0: i32) -> (i32, i32) {
    %c0_i32 = arith.constant 0 : i32
    %c0_i32_0 = arith.constant 0 : i32
    return %arg0, %c0_i32 : i32, i32
  }
}

module attributes {stable_mosaic.version = 14 : i64} {
  func.func @_mlp1_body(%arg0: i32, %arg1: memref<2x1280x128xf32, #tpu.memory_space<vmem>>, %arg2: memref<2x1280x128xf32, #tpu.memory_space<vmem>>, %arg3: memref<128x128xf32, #tpu.memory_space<vmem>>, %arg4: memref<128x128xf32, #tpu.memory_space<vmem>>, %arg5: memref<1280x128xf32, #tpu.memory_space<vmem>>, %arg6: memref<1280x1xf32, #tpu.memory_space<vmem>>) attributes {dimension_semantics = [#tpu.dimension_semantics<arbitrary>], iteration_bounds = array<i64: 8>, scalar_prefetch = 0 : i64, scratch_operands = 0 : i64, tpu.core_type = #tpu.core_type<tc>, window_params = [{transform_indices = @transform_0, window_bounds = array<i64: 2, 1280, 128>}, {transform_indices = @transform_1, window_bounds = array<i64: 2, 1280, 128>}, {pipeline_mode = #tpu.pipeline_mode<synchronous>, transform_indices = @transform_2, window_bounds = array<i64: 128, 128>}, {pipeline_mode = #tpu.pipeline_mode<synchronous>, transform_indices = @transform_3, window_bounds = array<i64: 128, 128>}, {transform_indices = @transform_4, window_bounds = array<i64: 1280, 128>}, {transform_indices = @transform_5, window_bounds = array<i64: 1280, 1>}]} {
    %get3A = arith.constant 0 : index
    %get3A_0 = arith.constant 0 : index
    %get3A_1 = arith.constant 0 : index
    %get3A_2 = vector.load %arg2[%get3A, %get3A_0, %get3A_1] : memref<2x1280x128xf32, #tpu.memory_space<vmem>>, vector<1x1280x1xf32>
    %get3A_3 = vector.shape_cast %get3A_2 : vector<1x1280x1xf32> to vector<1280xf32>
    %get3A_4 = arith.constant 1 : index
    %get3A_5 = arith.constant 0 : index
    %get3A_6 = arith.constant 0 : index
    %get3A_7 = vector.load %arg2[%get3A_4, %get3A_5, %get3A_6] : memref<2x1280x128xf32, #tpu.memory_space<vmem>>, vector<1x1280x1xf32>
    %get3A_8 = vector.shape_cast %get3A_7 : vector<1x1280x1xf32> to vector<1280xf32>
    %add3A = arith.addf %get3A_3, %get3A_8 : vector<1280xf32>
    %max3A = arith.constant 1.000000e+00 : f32
    %max3A_9 = vector.broadcast %max3A : f32 to vector<1280xf32>
    %max3A_10 = arith.maximumf %add3A, %max3A_9 : vector<1280xf32>
    %div3A = arith.constant 1.000000e+00 : f32
    %div3A_11 = vector.broadcast %div3A : f32 to vector<1280xf32>
    %div3A_12 = arith.divf %div3A_11, %max3A_10 : vector<1280xf32>
    %broadcast_in_dim3A = vector.shape_cast %div3A_12 : vector<1280xf32> to vector<1280x1xf32>
    %swap3A = arith.constant 0 : index
    %swap3A_13 = arith.constant 0 : index
    %swap3A_14 = vector.load %arg6[%swap3A, %swap3A_13] : memref<1280x1xf32, #tpu.memory_space<vmem>>, vector<1280x1xf32>
    tpu.vector_store %arg6[%swap3A, %swap3A_13], %broadcast_in_dim3A {strides = array<i32>} : memref<1280x1xf32, #tpu.memory_space<vmem>>, vector<1280x1xf32>,
    %get3A_15 = arith.constant 0 : index
    %get3A_16 = arith.constant 0 : index
    %get3A_17 = arith.constant 0 : index
    %get3A_18 = vector.load %arg1[%get3A_15, %get3A_16, %get3A_17] : memref<2x1280x128xf32, #tpu.memory_space<vmem>>, vector<1x1280x128xf32>
    %get3A_19 = vector.shape_cast %get3A_18 : vector<1x1280x128xf32> to vector<1280x128xf32>
    %get3A_20 = arith.constant 1 : index
    %get3A_21 = arith.constant 0 : index
    %get3A_22 = arith.constant 0 : index
    %get3A_23 = vector.load %arg1[%get3A_20, %get3A_21, %get3A_22] : memref<2x1280x128xf32, #tpu.memory_space<vmem>>, vector<1x1280x128xf32>
    %get3A_24 = vector.shape_cast %get3A_23 : vector<1x1280x128xf32> to vector<1280x128xf32>
    %add3A_25 = arith.addf %get3A_19, %get3A_24 : vector<1280x128xf32>
    %broadcast_in_dim3A_26 = vector.shape_cast %div3A_12 : vector<1280xf32> to vector<1280x1xf32>
    %mul3A = vector.broadcast %broadcast_in_dim3A_26 : vector<1280x1xf32> to vector<1280x128xf32>
    %mul3A_27 = arith.mulf %add3A_25, %mul3A : vector<1280x128xf32>
    %get3A_28 = arith.constant 0 : index
    %get3A_29 = arith.constant 0 : index
    %get3A_30 = vector.load %arg3[%get3A_28, %get3A_29] : memref<128x128xf32, #tpu.memory_space<vmem>>, vector<128x128xf32>
    %dot_general3A = arith.constant dense<0.000000e+00> : vector<1280x128xf32>
    %dot_general3A_31 = tpu.matmul %mul3A_27, %get3A_30, %dot_general3A {dimension_numbers = #tpu.dot_dimension_numbers<[1], [0], [0], [1], [0, 0, 1, 1], [], []>, transpose_lhs_hint = false} : vector<1280x128xf32>, vector<128x128xf32>, vector<1280x128xf32> -> vector<1280x128xf32>
    %max3A_32 = arith.constant 0.000000e+00 : f32
    %max3A_33 = vector.broadcast %max3A_32 : f32 to vector<1280x128xf32>
    %max3A_34 = arith.maximumf %dot_general3A_31, %max3A_33 : vector<1280x128xf32>
    %get3A_35 = arith.constant 0 : index
    %get3A_36 = arith.constant 0 : index
    %get3A_37 = vector.load %arg4[%get3A_35, %get3A_36] : memref<128x128xf32, #tpu.memory_space<vmem>>, vector<128x128xf32>
    %dot_general3A_38 = arith.constant dense<0.000000e+00> : vector<1280x128xf32>
    %dot_general3A_39 = tpu.matmul %max3A_34, %get3A_37, %dot_general3A_38 {dimension_numbers = #tpu.dot_dimension_numbers<[1], [0], [0], [1], [0, 0, 1, 1], [], []>, transpose_lhs_hint = false} : vector<1280x128xf32>, vector<128x128xf32>, vector<1280x128xf32> -> vector<1280x128xf32>
    %max3A_40 = arith.constant 0.000000e+00 : f32
    %max3A_41 = vector.broadcast %max3A_40 : f32 to vector<1280x128xf32>
    %max3A_42 = arith.maximumf %dot_general3A_39, %max3A_41 : vector<1280x128xf32>
    %swap3A_43 = arith.constant 0 : index
    %swap3A_44 = arith.constant 0 : index
    %swap3A_45 = vector.load %arg5[%swap3A_43, %swap3A_44] : memref<1280x128xf32, #tpu.memory_space<vmem>>, vector<1280x128xf32>
    tpu.vector_store %arg5[%swap3A_43, %swap3A_44], %max3A_42 {strides = array<i32>} : memref<1280x128xf32, #tpu.memory_space<vmem>>, vector<1280x128xf32>,
    return
  }
  func.func @transform_0(%arg0: i32) -> (i32, i32, i32) {
    %c0_i32 = arith.constant 0 : i32
    %c0_i32_0 = arith.constant 0 : i32
    %c0_i32_1 = arith.constant 0 : i32
    return %c0_i32, %arg0, %c0_i32_0 : i32, i32, i32
  }
  func.func @transform_1(%arg0: i32) -> (i32, i32, i32) {
    %c0_i32 = arith.constant 0 : i32
    %c0_i32_0 = arith.constant 0 : i32
    %c0_i32_1 = arith.constant 0 : i32
    return %c0_i32, %arg0, %c0_i32_0 : i32, i32, i32
  }
  func.func @transform_2(%arg0: i32) -> (i32, i32) {
    %c0_i32 = arith.constant 0 : i32
    %c0_i32_0 = arith.constant 0 : i32
    %c0_i32_1 = arith.constant 0 : i32
    return %c0_i32, %c0_i32_0 : i32, i32
  }
  func.func @transform_3(%arg0: i32) -> (i32, i32) {
    %c0_i32 = arith.constant 0 : i32
    %c0_i32_0 = arith.constant 0 : i32
    %c0_i32_1 = arith.constant 0 : i32
    return %c0_i32, %c0_i32_0 : i32, i32
  }
  func.func @transform_4(%arg0: i32) -> (i32, i32) {
    %c0_i32 = arith.constant 0 : i32
    %c0_i32_0 = arith.constant 0 : i32
    return %arg0, %c0_i32 : i32, i32
  }
  func.func @transform_5(%arg0: i32) -> (i32, i32) {
    %c0_i32 = arith.constant 0 : i32
    %c0_i32_0 = arith.constant 0 : i32
    return %arg0, %c0_i32 : i32, i32
  }
}

module attributes {stable_mosaic.version = 14 : i64} {
  func.func @_mlp2_head_body(%arg0: i32, %arg1: memref<2x1280x128xf32, #tpu.memory_space<vmem>>, %arg2: memref<1280x1xf32, #tpu.memory_space<vmem>>, %arg3: memref<128x128xf32, #tpu.memory_space<vmem>>, %arg4: memref<128x128xf32, #tpu.memory_space<vmem>>, %arg5: memref<1x1x1280xi32, #tpu.memory_space<vmem>>, %arg6: memref<128x10xf32, #tpu.memory_space<vmem>>, %arg7: memref<1x10xf32, #tpu.memory_space<vmem>>, %arg8: memref<1280x128xf32, #tpu.memory_space<vmem>>, %arg9: memref<256x10xf32, #tpu.memory_space<vmem>>, %arg10: memref<256x128xf32, #tpu.memory_space<vmem>>, %arg11: memref<256x128xf32, #tpu.memory_space<vmem>>) attributes {dimension_semantics = [#tpu.dimension_semantics<arbitrary>], iteration_bounds = array<i64: 8>, scalar_prefetch = 0 : i64, scratch_operands = 2 : i64, tpu.core_type = #tpu.core_type<tc>, window_params = [{transform_indices = @transform_0, window_bounds = array<i64: 2, 1280, 128>}, {transform_indices = @transform_1, window_bounds = array<i64: 1280, 1>}, {pipeline_mode = #tpu.pipeline_mode<synchronous>, transform_indices = @transform_2, window_bounds = array<i64: 128, 128>}, {pipeline_mode = #tpu.pipeline_mode<synchronous>, transform_indices = @transform_3, window_bounds = array<i64: 128, 128>}, {transform_indices = @transform_4, window_bounds = array<i64: 1, 1, 1280>}, {pipeline_mode = #tpu.pipeline_mode<synchronous>, transform_indices = @transform_5, window_bounds = array<i64: 128, 10>}, {pipeline_mode = #tpu.pipeline_mode<synchronous>, transform_indices = @transform_6, window_bounds = array<i64: 1, 10>}, {transform_indices = @transform_7, window_bounds = array<i64: 1280, 128>}, {pipeline_mode = #tpu.pipeline_mode<synchronous>, transform_indices = @transform_8, window_bounds = array<i64: 256, 10>}]} {
    %eq3A = arith.constant 0 : i32
    %eq3A_0 = arith.cmpi eq, %arg0, %eq3A : i32
    %convert_element_type3A = arith.extui %eq3A_0 : i1 to i32
    %cond3A = arith.constant 0 : i32
    %cond3A_1 = arith.cmpi ne, %convert_element_type3A, %cond3A : i32
    scf.if %cond3A_1 {
      %broadcast_in_dim3A_65 = arith.constant 0.000000e+00 : f32
      %broadcast_in_dim3A_66 = vector.broadcast %broadcast_in_dim3A_65 : f32 to vector<256x128xf32>
      %swap3A_67 = arith.constant 0 : index
      %swap3A_68 = arith.constant 0 : index
      %swap3A_69 = vector.load %arg10[%swap3A_67, %swap3A_68] : memref<256x128xf32, #tpu.memory_space<vmem>>, vector<256x128xf32>
      tpu.vector_store %arg10[%swap3A_67, %swap3A_68], %broadcast_in_dim3A_66 {strides = array<i32>} : memref<256x128xf32, #tpu.memory_space<vmem>>, vector<256x128xf32>,
      %broadcast_in_dim3A_70 = arith.constant 0.000000e+00 : f32
      %broadcast_in_dim3A_71 = vector.broadcast %broadcast_in_dim3A_70 : f32 to vector<256x128xf32>
      %swap3A_72 = arith.constant 0 : index
      %swap3A_73 = arith.constant 0 : index
      %swap3A_74 = vector.load %arg11[%swap3A_72, %swap3A_73] : memref<256x128xf32, #tpu.memory_space<vmem>>, vector<256x128xf32>
      tpu.vector_store %arg11[%swap3A_72, %swap3A_73], %broadcast_in_dim3A_71 {strides = array<i32>} : memref<256x128xf32, #tpu.memory_space<vmem>>, vector<256x128xf32>,
    } else {
    }
    %get3A = arith.constant 0 : index
    %get3A_2 = arith.constant 0 : index
    %get3A_3 = arith.constant 0 : index
    %get3A_4 = vector.load %arg1[%get3A, %get3A_2, %get3A_3] : memref<2x1280x128xf32, #tpu.memory_space<vmem>>, vector<1x1280x128xf32>
    %get3A_5 = vector.shape_cast %get3A_4 : vector<1x1280x128xf32> to vector<1280x128xf32>
    %get3A_6 = arith.constant 1 : index
    %get3A_7 = arith.constant 0 : index
    %get3A_8 = arith.constant 0 : index
    %get3A_9 = vector.load %arg1[%get3A_6, %get3A_7, %get3A_8] : memref<2x1280x128xf32, #tpu.memory_space<vmem>>, vector<1x1280x128xf32>
    %get3A_10 = vector.shape_cast %get3A_9 : vector<1x1280x128xf32> to vector<1280x128xf32>
    %add3A = arith.addf %get3A_5, %get3A_10 : vector<1280x128xf32>
    %get3A_11 = arith.constant 0 : index
    %get3A_12 = arith.constant 0 : index
    %get3A_13 = vector.load %arg2[%get3A_11, %get3A_12] : memref<1280x1xf32, #tpu.memory_space<vmem>>, vector<1280x1xf32>
    %mul3A = vector.broadcast %get3A_13 : vector<1280x1xf32> to vector<1280x128xf32>
    %mul3A_14 = arith.mulf %add3A, %mul3A : vector<1280x128xf32>
    %get3A_15 = arith.constant 0 : index
    %get3A_16 = arith.constant 0 : index
    %get3A_17 = vector.load %arg3[%get3A_15, %get3A_16] : memref<128x128xf32, #tpu.memory_space<vmem>>, vector<128x128xf32>
    %dot_general3A = arith.constant dense<0.000000e+00> : vector<1280x128xf32>
    %dot_general3A_18 = tpu.matmul %mul3A_14, %get3A_17, %dot_general3A {dimension_numbers = #tpu.dot_dimension_numbers<[1], [0], [0], [1], [0, 0, 1, 1], [], []>, transpose_lhs_hint = false} : vector<1280x128xf32>, vector<128x128xf32>, vector<1280x128xf32> -> vector<1280x128xf32>
    %max3A = arith.constant 0.000000e+00 : f32
    %max3A_19 = vector.broadcast %max3A : f32 to vector<1280x128xf32>
    %max3A_20 = arith.maximumf %dot_general3A_18, %max3A_19 : vector<1280x128xf32>
    %get3A_21 = arith.constant 0 : index
    %get3A_22 = arith.constant 0 : index
    %get3A_23 = vector.load %arg4[%get3A_21, %get3A_22] : memref<128x128xf32, #tpu.memory_space<vmem>>, vector<128x128xf32>
    %dot_general3A_24 = arith.constant dense<0.000000e+00> : vector<1280x128xf32>
    %dot_general3A_25 = tpu.matmul %max3A_20, %get3A_23, %dot_general3A_24 {dimension_numbers = #tpu.dot_dimension_numbers<[1], [0], [0], [1], [0, 0, 1, 1], [], []>, transpose_lhs_hint = false} : vector<1280x128xf32>, vector<128x128xf32>, vector<1280x128xf32> -> vector<1280x128xf32>
    %max3A_26 = arith.constant 0.000000e+00 : f32
    %max3A_27 = vector.broadcast %max3A_26 : f32 to vector<1280x128xf32>
    %max3A_28 = arith.maximumf %dot_general3A_25, %max3A_27 : vector<1280x128xf32>
    %swap3A = arith.constant 0 : index
    %swap3A_29 = arith.constant 0 : index
    %swap3A_30 = vector.load %arg8[%swap3A, %swap3A_29] : memref<1280x128xf32, #tpu.memory_space<vmem>>, vector<1280x128xf32>
    tpu.vector_store %arg8[%swap3A, %swap3A_29], %max3A_28 {strides = array<i32>} : memref<1280x128xf32, #tpu.memory_space<vmem>>, vector<1280x128xf32>,
    %get3A_31 = arith.constant 0 : index
    %get3A_32 = arith.constant 0 : index
    %get3A_33 = arith.constant 0 : index
    %get3A_34 = vector.load %arg5[%get3A_31, %get3A_32, %get3A_33] : memref<1x1x1280xi32, #tpu.memory_space<vmem>>, vector<1x1x1280xi32>
    %get3A_35 = vector.shape_cast %get3A_34 : vector<1x1x1280xi32> to vector<1280xi32>
    %iota3A = tpu.iota {dimensions = array<i32: 1>} : vector<1280x256xi32>
    %broadcast_in_dim3A = vector.shape_cast %get3A_35 : vector<1280xi32> to vector<1280x1xi32>
    %eq3A_36 = vector.broadcast %broadcast_in_dim3A : vector<1280x1xi32> to vector<1280x256xi32>
    %eq3A_37 = arith.cmpi eq, %eq3A_36, %iota3A : vector<1280x256xi32>
    %convert_element_type3A_38 = arith.extui %eq3A_37 : vector<1280x256xi1> to vector<1280x256xi32>
    %convert_element_type3A_39 = arith.sitofp %convert_element_type3A_38 : vector<1280x256xi32> to vector<1280x256xf32>
    %get3A_40 = arith.constant 0 : index
    %get3A_41 = arith.constant 0 : index
    %get3A_42 = vector.load %arg10[%get3A_40, %get3A_41] : memref<256x128xf32, #tpu.memory_space<vmem>>, vector<256x128xf32>
    %dot_general3A_43 = arith.constant dense<0.000000e+00> : vector<256x128xf32>
    %dot_general3A_44 = tpu.matmul %convert_element_type3A_39, %max3A_28, %dot_general3A_43 {dimension_numbers = #tpu.dot_dimension_numbers<[0], [0], [1], [1], [0, 1, 1, 1], [], []>, transpose_lhs_hint = false} : vector<1280x256xf32>, vector<1280x128xf32>, vector<256x128xf32> -> vector<256x128xf32>
    %add3A_45 = arith.addf %get3A_42, %dot_general3A_44 : vector<256x128xf32>
    %swap3A_46 = arith.constant 0 : index
    %swap3A_47 = arith.constant 0 : index
    %swap3A_48 = vector.load %arg10[%swap3A_46, %swap3A_47] : memref<256x128xf32, #tpu.memory_space<vmem>>, vector<256x128xf32>
    tpu.vector_store %arg10[%swap3A_46, %swap3A_47], %add3A_45 {strides = array<i32>} : memref<256x128xf32, #tpu.memory_space<vmem>>, vector<256x128xf32>,
    %get3A_49 = arith.constant 0 : index
    %get3A_50 = arith.constant 0 : index
    %get3A_51 = vector.load %arg11[%get3A_49, %get3A_50] : memref<256x128xf32, #tpu.memory_space<vmem>>, vector<256x128xf32>
    %broadcast_in_dim3A_52 = arith.constant 1.000000e+00 : f32
    %broadcast_in_dim3A_53 = vector.broadcast %broadcast_in_dim3A_52 : f32 to vector<1280x128xf32>
    %dot_general3A_54 = arith.constant dense<0.000000e+00> : vector<256x128xf32>
    %dot_general3A_55 = tpu.matmul %convert_element_type3A_39, %broadcast_in_dim3A_53, %dot_general3A_54 {dimension_numbers = #tpu.dot_dimension_numbers<[0], [0], [1], [1], [0, 1, 1, 1], [], []>, transpose_lhs_hint = false} : vector<1280x256xf32>, vector<1280x128xf32>, vector<256x128xf32> -> vector<256x128xf32>
    %add3A_56 = arith.addf %get3A_51, %dot_general3A_55 : vector<256x128xf32>
    %swap3A_57 = arith.constant 0 : index
    %swap3A_58 = arith.constant 0 : index
    %swap3A_59 = vector.load %arg11[%swap3A_57, %swap3A_58] : memref<256x128xf32, #tpu.memory_space<vmem>>, vector<256x128xf32>
    tpu.vector_store %arg11[%swap3A_57, %swap3A_58], %add3A_56 {strides = array<i32>} : memref<256x128xf32, #tpu.memory_space<vmem>>, vector<256x128xf32>,
    %eq3A_60 = arith.constant 7 : i32
    %eq3A_61 = arith.cmpi eq, %arg0, %eq3A_60 : i32
    %convert_element_type3A_62 = arith.extui %eq3A_61 : i1 to i32
    %cond3A_63 = arith.constant 0 : i32
    %cond3A_64 = arith.cmpi ne, %convert_element_type3A_62, %cond3A_63 : i32
    scf.if %cond3A_64 {
      %get3A_65 = arith.constant 0 : index
      %get3A_66 = arith.constant 0 : index
      %get3A_67 = vector.load %arg10[%get3A_65, %get3A_66] : memref<256x128xf32, #tpu.memory_space<vmem>>, vector<256x128xf32>
      %get3A_68 = arith.constant 0 : index
      %get3A_69 = arith.constant 0 : index
      %get3A_70 = vector.load %arg11[%get3A_68, %get3A_69] : memref<256x128xf32, #tpu.memory_space<vmem>>, vector<256x128xf32>
      %max3A_71 = arith.constant 1.000000e+00 : f32
      %max3A_72 = vector.broadcast %max3A_71 : f32 to vector<256x128xf32>
      %max3A_73 = arith.maximumf %get3A_70, %max3A_72 : vector<256x128xf32>
      %div3A = arith.divf %get3A_67, %max3A_73 : vector<256x128xf32>
      %get3A_74 = arith.constant 0 : index
      %get3A_75 = arith.constant 0 : index
      %get3A_76 = vector.load %arg6[%get3A_74, %get3A_75] : memref<128x10xf32, #tpu.memory_space<vmem>>, vector<128x10xf32>
      %dot_general3A_77 = arith.constant dense<0.000000e+00> : vector<256x10xf32>
      %dot_general3A_78 = tpu.matmul %div3A, %get3A_76, %dot_general3A_77 {dimension_numbers = #tpu.dot_dimension_numbers<[1], [0], [0], [1], [0, 0, 1, 1], [], []>, transpose_lhs_hint = false} : vector<256x128xf32>, vector<128x10xf32>, vector<256x10xf32> -> vector<256x10xf32>
      %get3A_79 = arith.constant 0 : index
      %get3A_80 = arith.constant 0 : index
      %get3A_81 = vector.load %arg7[%get3A_79, %get3A_80] : memref<1x10xf32, #tpu.memory_space<vmem>>, vector<1x10xf32>
      %add3A_82 = vector.broadcast %get3A_81 : vector<1x10xf32> to vector<256x10xf32>
      %add3A_83 = arith.addf %dot_general3A_78, %add3A_82 : vector<256x10xf32>
      %reduce_max3A = arith.constant dense<0xFF800000> : vector<256xf32>
      %reduce_max3A_84 = vector.multi_reduction <maximumf>, %add3A_83, %reduce_max3A [1] : vector<256x10xf32> to vector<256xf32>
      %broadcast_in_dim3A_85 = vector.shape_cast %reduce_max3A_84 : vector<256xf32> to vector<256x1xf32>
      %sub3A = vector.broadcast %broadcast_in_dim3A_85 : vector<256x1xf32> to vector<256x10xf32>
      %sub3A_86 = arith.subf %add3A_83, %sub3A : vector<256x10xf32>
      %exp3A = math.exp %sub3A_86 : vector<256x10xf32>
      %reduce_sum3A = arith.constant dense<0.000000e+00> : vector<256xf32>
      %reduce_sum3A_87 = vector.multi_reduction <add>, %exp3A, %reduce_sum3A [1] : vector<256x10xf32> to vector<256xf32>
      %broadcast_in_dim3A_88 = vector.shape_cast %reduce_sum3A_87 : vector<256xf32> to vector<256x1xf32>
      %div3A_89 = vector.broadcast %broadcast_in_dim3A_88 : vector<256x1xf32> to vector<256x10xf32>
      %div3A_90 = arith.divf %exp3A, %div3A_89 : vector<256x10xf32>
      %jit3A = arith.constant 9.99999993E-9 : f32
      %jit3A_91 = arith.constant 1.000000e+00 : f32
      %max3A_92 = vector.broadcast %jit3A : f32 to vector<256x10xf32>
      %max3A_93 = arith.maximumf %max3A_92, %div3A_90 : vector<256x10xf32>
      %min3A = vector.broadcast %jit3A_91 : f32 to vector<256x10xf32>
      %min3A_94 = arith.minimumf %min3A, %max3A_93 : vector<256x10xf32>
      %swap3A_95 = arith.constant 0 : index
      %swap3A_96 = arith.constant 0 : index
      %swap3A_97 = vector.load %arg9[%swap3A_95, %swap3A_96] : memref<256x10xf32, #tpu.memory_space<vmem>>, vector<256x10xf32>
      tpu.vector_store %arg9[%swap3A_95, %swap3A_96], %min3A_94 {strides = array<i32>} : memref<256x10xf32, #tpu.memory_space<vmem>>, vector<256x10xf32>,
    } else {
    }
    return
  }
  func.func @transform_0(%arg0: i32) -> (i32, i32, i32) {
    %c0_i32 = arith.constant 0 : i32
    %c0_i32_0 = arith.constant 0 : i32
    %c0_i32_1 = arith.constant 0 : i32
    return %c0_i32, %arg0, %c0_i32_0 : i32, i32, i32
  }
  func.func @transform_1(%arg0: i32) -> (i32, i32) {
    %c0_i32 = arith.constant 0 : i32
    %c0_i32_0 = arith.constant 0 : i32
    return %arg0, %c0_i32 : i32, i32
  }
  func.func @transform_2(%arg0: i32) -> (i32, i32) {
    %c0_i32 = arith.constant 0 : i32
    %c0_i32_0 = arith.constant 0 : i32
    %c0_i32_1 = arith.constant 0 : i32
    return %c0_i32, %c0_i32_0 : i32, i32
  }
  func.func @transform_3(%arg0: i32) -> (i32, i32) {
    %c0_i32 = arith.constant 0 : i32
    %c0_i32_0 = arith.constant 0 : i32
    %c0_i32_1 = arith.constant 0 : i32
    return %c0_i32, %c0_i32_0 : i32, i32
  }
  func.func @transform_4(%arg0: i32) -> (i32, i32, i32) {
    %c0_i32 = arith.constant 0 : i32
    %c0_i32_0 = arith.constant 0 : i32
    %c0_i32_1 = arith.constant 0 : i32
    return %arg0, %c0_i32, %c0_i32_0 : i32, i32, i32
  }
  func.func @transform_5(%arg0: i32) -> (i32, i32) {
    %c0_i32 = arith.constant 0 : i32
    %c0_i32_0 = arith.constant 0 : i32
    %c0_i32_1 = arith.constant 0 : i32
    return %c0_i32, %c0_i32_0 : i32, i32
  }
  func.func @transform_6(%arg0: i32) -> (i32, i32) {
    %c0_i32 = arith.constant 0 : i32
    %c0_i32_0 = arith.constant 0 : i32
    %c0_i32_1 = arith.constant 0 : i32
    return %c0_i32, %c0_i32_0 : i32, i32
  }
  func.func @transform_7(%arg0: i32) -> (i32, i32) {
    %c0_i32 = arith.constant 0 : i32
    %c0_i32_0 = arith.constant 0 : i32
    return %arg0, %c0_i32 : i32, i32
  }
  func.func @transform_8(%arg0: i32) -> (i32, i32) {
    %c0_i32 = arith.constant 0 : i32
    %c0_i32_0 = arith.constant 0 : i32
    %c0_i32_1 = arith.constant 0 : i32
    return %c0_i32, %c0_i32_0 : i32, i32
  }
}

</mosaic_0001>

<sc_bundles>
// kernel: kernel.11.cloned.1.call-start
scs
__scs_entry_jumppad:
0x0: {  	(pc) =	sbr.rel $0x88, $3  }
0x1: {  	(tag) =	ssettag $0x0;
	lr =	simm.s32 $0x1  }
0x2: {  	[smem:$0x3F96] =	sst lr;
	_ =	strace $0xD0000000  }
0x3: {  	_ = 	snop  }
0x4: {  	_ = 	snop  }
0x5: {  	_ = 	snop  }
0x6: {  	_ = 	snop  }
0x7: {  	_ = 	snop  }
__scs_overlays_trampoline_lowered:
0x8: {  	[smem:$0x3FA5] =	sst s0  }
0x9: {  	[smem:$0x3FA6] =	sst s1  }
0xa: {  	[smem:$0x3FA7] =	sst s2  }
0xb: {  	[smem:$0x3FA8] =	sst s3  }
0xc: {  	[smem:$0x3FA9] =	sst s4  }
0xd: {  	[smem:$0x3FAA] =	sst s5  }
0xe: {  	[smem:$0x3FAB] =	sst s6  }
0xf: {  	[smem:$0x3FAC] =	sst s7  }
0x10: {  	[smem:$0x3FAD] =	sst s8  }
0x11: {  	[smem:$0x3FAE] =	sst s9;
	s0 =	simm.s32 @!p0 $0x0  }
0x12: {  	s1 =	sld [smem:$0x3F94];
	s0 =	simm.s32 @p0 $0x1  }
0x13: {  	[smem:$0x3FAF] =	sst s0;
	s0 =	simm.s32 @!p1 $0x0  }
0x14: {  	s2 =	sld [smem:$0x3F93];
	s0 =	simm.s32 @p1 $0x1  }
0x15: {  	[smem:$0x3FB0] =	sst s0;
	s0 =	simm.s32 @!p2 $0x0  }
0x16: {  	s3 =	sld [smem:$0x3FDB];
	s0 =	simm.s32 @p2 $0x1  }
0x17: {  	s4 =	simm.s32 $0x1BF5;
	[smem:$0x3FB2] =	sst s0  }
0x18: {  	s0 =	sld [smem:$0x3F95];
	_ =	swait.ge [sflag:s4], $0x0  }
0x19: {  	s7 =	sld [smem:$0x3F96]  }
0x1a: {  	s8 =	sadd.s32 $0xFFFFE003, lr  }
0x1b: {  	s9 =	sadd.s32 $0xFFFFFEF7, lr;
	s5 =	simm.s32 $0xFFFFFFFF;
	p2 =	slt.u32 s8, $0xFFFFF086  }
0x1c: {  	p1 =	slt.u32 s9, $0xF7A;
	s5 =	simm.s32 @!p2 $0x0  }
0x1d: {  	s5 =	simm.s32 @p1 $0x1;
	p0 =	seq.s32 s7, s2  }
0x1e: {  	s7 =	smul.u32 @!p0 $0xF7A, s2;
	p2 =	seq.s32 @!p0 s5, $0x0  }
0x1f: {  	s9 =	smul.u32 $0xF7A, s1;
	s8 =	simm.s32 @!p0 $0x1BF5;
	p2 =	por !p2, p0  }
0x20: {  	[sflag:s8] =	ssyncset.s32 @!p0 $0xFFFFF086;
	s6 =	sadd.s32 @!p0 s3, s7;
	s7 =	simm.s32 @!p0 $0x108  }
0x21: {  	s3 =	sadd.s32 s3, s9;
	s6 =	sadd.s32 @!p0 $0x88, s6;
	s7 =	simm.s32 @p2 $0x1082  }
0x22: {  	[simem:s7], [sflag:s8] =	dma.local @!p0 [hbm:s6], $0xF7A  }
0x23: {  	s9 =	sor.u32 $0xD0000000, s2;
	s6 =	simm.s32 $0x108;
	_ =	swait.ge @!p0 [sflag:s8], $0x0  }
0x24: {  	s3 =	sadd.s32 $0x88, s3;
	s6 =	simm.s32 @!p1 $0x1082;
	[sflag:s4] =	ssyncset.s32 $0xFFFFF086  }
0x25: {  	[simem:s6], [sflag:s4] =	dma.local [hbm:s3], $0xF7A  }
0x26: {  	[smem:$0x3F96] =	sst s1;
	(tag) =	ssettag s2;
	_ =	strace s9  }
0x27: {  	s1 =	sld [smem:$0x3FA6]  }
0x28: {  	s2 =	sld [smem:$0x3FA7]  }
0x29: {  	s4 =	sld [smem:$0x3FA9]  }
0x2a: {  	p0 =	seq.s32 s5, $0x0;
	s5 =	sld [smem:$0x3FAA]  }
0x2b: {  	s6 =	sld [smem:$0x3FAB]  }
0x2c: {  	s7 =	sld [smem:$0x3FAC]  }
0x2d: {  	s3 =	simm.s32 $0x108;
	s8 =	sld [smem:$0x3FAD]  }
0x2e: {  	s3 =	simm.s32 @!p0 $0x1082;
	s9 =	sld [smem:$0x3FAE]  }
0x2f: {  	lr =	sadd.s32 s0, s3;
	s0 =	sld [smem:$0x3FA5]  }
0x30: {  	s3 =	sld [smem:$0x3FA8]  }
0x31: {  	[smem:$0x3FB1] =	sst s10  }
0x32: {  	s10 =	sld [smem:$0x3FAF];
	_ =	sdelay $0x3  }
0x33: {  	p0 =	seq.s32 s10, $0x1;
	s10 =	sld [smem:$0x3FB1];
	_ =	sdelay $0x3  }
0x34: {  	[smem:$0x3FB1] =	sst s10  }
0x35: {  	s10 =	sld [smem:$0x3FB0];
	_ =	sdelay $0x3  }
0x36: {  	p1 =	seq.s32 s10, $0x1;
	s10 =	sld [smem:$0x3FB1];
	_ =	sdelay $0x3  }
0x37: {  	[smem:$0x3FB1] =	sst s10  }
0x38: {  	s10 =	sld [smem:$0x3FB2]  }
0x39: {  	_ = 	snop;
	(pc) =	sbr.ind lr, $3  }
0x3a: {  	_ = 	snop  }
0x3b: {  	_ = 	snop  }
0x3c: {  	p2 =	seq.s32 s10, $0x1;
	s10 =	sld [smem:$0x3FB1]  }
0x3d: {  	_ =	shalt  }
0x3e: {  	_ =	shalt  }
0x3f: {  	_ =	shalt  }
0x40: {  	_ =	shalt  }
0x41: {  	_ =	shalt  }
0x42: {  	_ =	shalt  }
0x43: {  	_ =	shalt  }
0x44: {  	_ =	shalt  }
0x45: {  	_ =	shalt  }
0x46: {  	_ =	shalt  }
0x47: {  	_ =	shalt  }
0x48: {  	_ =	shalt  }
0x49: {  	_ =	shalt  }
0x4a: {  	_ =	shalt  }
0x4b: {  	_ =	shalt  }
0x4c: {  	_ =	shalt  }
0x4d: {  	_ =	shalt  }
0x4e: {  	_ =	shalt  }
0x4f: {  	_ =	shalt  }
0x50: {  	_ =	shalt  }
0x51: {  	_ =	shalt  }
0x52: {  	_ =	shalt  }
0x53: {  	_ =	shalt  }
0x54: {  	_ =	shalt  }
0x55: {  	_ =	shalt  }
0x56: {  	_ =	shalt  }
0x57: {  	_ =	shalt  }
0x58: {  	_ =	shalt  }
0x59: {  	_ =	shalt  }
0x5a: {  	_ =	shalt  }
0x5b: {  	_ =	shalt  }
0x5c: {  	_ =	shalt  }
0x5d: {  	_ =	shalt  }
0x5e: {  	_ =	shalt  }
0x5f: {  	_ =	shalt  }
0x60: {  	_ =	shalt  }
0x61: {  	_ =	shalt  }
0x62: {  	_ =	shalt  }
0x63: {  	_ =	shalt  }
0x64: {  	_ =	shalt  }
0x65: {  	_ =	shalt  }
0x66: {  	_ =	shalt  }
0x67: {  	_ =	shalt  }
0x68: {  	_ =	shalt  }
0x69: {  	_ =	shalt  }
0x6a: {  	_ =	shalt  }
0x6b: {  	_ =	shalt  }
0x6c: {  	_ =	shalt  }
0x6d: {  	_ =	shalt  }
0x6e: {  	_ =	shalt  }
0x6f: {  	_ =	shalt  }
0x70: {  	_ =	shalt  }
0x71: {  	_ =	shalt  }
0x72: {  	_ =	shalt  }
0x73: {  	_ =	shalt  }
0x74: {  	_ =	shalt  }
0x75: {  	_ =	shalt  }
0x76: {  	_ =	shalt  }
0x77: {  	_ =	shalt  }
0x78: {  	_ =	shalt  }
0x79: {  	_ =	shalt  }
0x7a: {  	_ =	shalt  }
0x7b: {  	_ =	shalt  }
0x7c: {  	_ =	shalt  }
0x7d: {  	_ =	shalt  }
0x7e: {  	_ =	shalt  }
0x7f: {  	_ =	shalt  }
0x80: {  	_ =	shalt  }
0x81: {  	_ =	shalt  }
0x82: {  	_ =	shalt  }
0x83: {  	_ =	shalt  }
0x84: {  	_ =	shalt  }
0x85: {  	_ =	shalt  }
0x86: {  	_ =	shalt  }
0x87: {  	_ =	shalt  }
.Lfunc_end0:
.L_simem_size_0:
called_computation.1_lowered:
.L_overlay_start_0:
0x88: {  	s2 =	sld [smem:$0x3FD9]  }
0x89: {  	s3 =	sld [smem:$0x3FFE];
	_ =	sdelay $0x1  }
0x8a: {  	s1 =	srdreg.scid  }
0x8b: {  	s0 =	sand.u32 $0x1, s1  }
0x8c: {  	s16 =	sshll.u32 s0, $0xA;
	s2 =	sadd.s32 s3, s2  }
0x8d: {  	s2 =	sadd.s32 s2, s16  }
0x8e: {  	[smem:$0x3FBD] =	sst s2  }
0x8f: {  	_ = 	snop  }
0x90: {  	(tm) =	ssettm $0x1  }
0x91: {  	s17 =	sld [smem:$0x3FFB];
	_ =	sdelay $0x3  }
0x92: {  	_ =	strace s17  }
0x93: {  	s2 =	sld [smem:$0x3FFC];
	_ =	sdelay $0x3  }
0x94: {  	_ =	strace s2  }
0x95: {  	s2 =	sld [smem:$0x3FFD];
	_ =	sdelay $0x3  }
0x96: {  	_ =	strace s2  }
0x97: {  	_ =	strace $0x8FFFFFFF  }
0x98: {  	s18 =	sld [smem:$0x3FDB];
	_ =	sdelay $0x1  }
0x99: {  	s19 =	simm.s32 $_scs_section_size  }
0x9a: {  	s4 =	simm.s32 $_size__tile_overlayer_lowered;
	s5 =	simm.s32 $_tile_overlayer_lowered  }
0x9b: {  	s22 =	simm.s32 $0x1BFF;
	s21 =	sshll.u32 s5, $0x1;
	s2 =	sadd.s32 s19, s18  }
0x9c: {  	s6 =	simm.s32 $0x0;
	s20 =	sshll.u32 s4, $0x1;
	s4 =	sadd.s32 s21, s2  }
0x9d: {  	[timem:s6], [sflag:s22] =	dma.local [hbm:s4], s20  }
0x9e: {  	_ =	swait.ge [sflag:s22], s20  }
0x9f: {  	s3 =	ssub.s32 $0x0, s20;
	[sflag:s22] =	ssyncset.done $0x0  }
0xa0: {  	[sflag:s22] =	ssyncadd.s32 s3;
	_ =	sdelay $0x1  }
0xa1: {  	s23 =	simm.s32 $0x1B8B  }
0xa2: {  	_ =	swait.ge [sflag:s23], $0x1  }
0xa3: {  	[sflag:s23] =	ssyncset.done $0x0  }
0xa4: {  	s25 =	simm.s32 $0x1B8E;
	s24 =	sld [smem:$0x3FFE];
	[sflag:s23] =	ssyncadd.s32 $0xFFFFFFFF  }
0xa5: {  	s26 =	simm.s32 $execute0_lowered;
	[smem:$0x3FD2] =	sst s25  }
0xa6: {  	s4 =	sshll.u32 s26, $0x1;
	_ =	strace $0x80000046;
	[dreg:$0x1] =	wrdreg $0xFFFFFFFF  }
0xa7: {  	s28 =	simm.s32 $_size_execute0_lowered;
	s2 =	sadd.s32 s2, s4;
	[dreg:$0x0] =	wrdreg $0x0  }
0xa8: {  	s4 =	sshll.u32 s28, $0x1;
	[dreg:$0x2] =	wrdreg s2  }
0xa9: {  	[dreg:$0x3] =	wrdreg s4  }
0xaa: {  	[dreg:$0x4] =	wrdreg $0xC0  }
0xab: {  	_ =	task [dreg:s6], $0x5FFFF  }
0xac: {  	[dreg:$0x1] =	wrdreg $0xFFFFFFFF  }
0xad: {  	[dreg:$0x0] =	wrdreg $0x60  }
0xae: {  	[dreg:$0x2] =	wrdreg s24  }
0xaf: {  	[dreg:$0x3] =	wrdreg $0x0  }
0xb0: {  	[dreg:$0x4] =	wrdreg $0xA  }
0xb1: {  	_ =	task.clear_ibuf [dreg:s6], $0x5FFFF;
	_ =	strace $0x90000046  }
0xb2: {  	s29 =	simm.s32 $0xA;
	_ =	strace $0x80000048  }
0xb3: {  	_ =	swait.ge [sflag:s29], $0x1  }
0xb4: {  	[sflag:s29] =	ssyncadd.s32 $0xFFFFFFFF  }
0xb5: {  	_ =	strace $0x90000048  }
0xb6: {  	_ =	sfence  }
0xb7: {  	s30 =	sld [smem:$0x0];
	_ =	sdelay $0x2  }
0xb8: {  	s31 =	sshll.u32 s1, $0xD;
	s1 =	sshrl.u32 s1, $0x2  }
0xb9: {  	s3 =	sand.u32 $0x4000, s31;
	s1 =	sadd.s32 s1, s30  }
0xba: {  	s0 =	sor.u32 s3, s0;
	s1 =	sshll.u32 s1, $0x11  }
0xbb: {  	s0 =	sor.u32 s1, s0  }
0xbc: {  	s0 =	sadd.s32 $0x8F2B, s0  }
0xbd: {  	[sflag:s0] =	ssyncadd.remote.s32 $0x1  }
0xbe: {  	_ =	sfence.sel $0xFFFF  }
0xbf: {  	[dreg:$0x0] =	wrdreg $0xFFFFFFFF;
	(pc) =	sbr.abs _section_cstart, $3  }
0xc0: {  	[dreg:$0x1] =	wrdreg $0xFFFFFFFF  }
0xc1: {  	_ =	task.clear_ibuf [dreg:s6], $0x2FFFF;
	_ =	strace $0x9FFFFFFF  }
0xc2: {  	(tm) =	ssettm $0x7FFFFFFF  }
0xc3: {  	_ =	shalt  }
tec
execute0_lowered:
.L_overlay_start_1:
0x0: {  	(tag) =	ssettag $0x1  }
0x1: {  	s6 =	rddreg [dreg:$0x0]  }
0x2: {  	s1 =	rddreg [dreg:$0x1]  }
0x3: {  	s2 =	srdreg.scid;
	s0 =	rddreg [dreg:$0x2]  }
0x4: {  	s3 =	simm.s32 $0x0;
	s15 =	simm.s32 $0x14000;
	s16 =	simm.s32 $0x15400  }
0x5: {  	s17 =	simm.s32 $0x7D;
	s18 =	simm.s32 $0x16800;
	s19 =	simm.s32 $0x14080  }
0x6: {  	s20 =	simm.s32 $0x1A800;
	s21 =	simm.s32 $0x1;
	s22 =	simm.s32 $0x2  }
0x7: {  	s23 =	simm.s32 $0x16700;
	s24 =	simm.s32 $0x16780;
	s25 =	simm.s32 $0x0  }
0x8: {  	s7 =	sand.u32 $0x1, s2;
	s2 =	stileid.u32;
	[smem:$0x7FF] =	sst s3  }
0x9: {  	s4 =	sadd.s32 $0x16E00, s6;
	s11 =	sadd.s32 $0xCE00, s6;
	s8 =	smul.u32 $0x140000, s7  }
0xa: {  	s12 =	sadd.s32 $0x2E00, s6;
	s5 =	sadd.s32 $0x3E000, s6;
	s9 =	smul.u32 $0x14000, s2  }
0xb: {  	_ =	strace $0x80000047;
	s26 =	ssub.s32 $0x2, s7;
	s10 =	smul.u32 $0x50000, s2  }
0xc: {  	s7 =	sshll.u32 s7, $0x4;
	s31 =	sshll.u32 s2, $0x6;
	s28 =	sshrl.u32 s26, $0x1  }
0xd: {  	s29 =	sor.u32 s2, s7;
	s8 =	sadd.s32 s9, s8;
	s9 =	ssub.s32 s26, s28  }
0xe: {  	s30 =	sshrl.u32 s10, $0x2;
	s14 =	smul.u32 $0x500, s29;
	s8 =	sshrl.u32 s8, $0x3  }
0xf: {  	s13 =	sadd.s32 s30, s1;
	s8 =	sadd.s32 s8, s6;
	s6 =	sor.u32 $0x1C03, s31  }
0x10: {  	s10 =	sadd.s32 s12, s14;
	s13 =	sshrl.u32 s13, $0x3;
	s7 =	sadd.s32 $0x40800, s8  }
0x11: {  	s8 =	smax.u32 s9, $0x1;
	s9 =	sadd.s32 s11, s14;
	s14 =	sadd.s32 $0x280, s14  }
0x12: {  	s11 =	sadd.s32 s11, s14;
	s12 =	sadd.s32 s12, s14;
	s14 =	simm.s32 $0x3  }
.LBB2_1:
0x13: {  	[spmem:s13], [sflag:s6] =	dma.local [hbm:s5], $0x2800  }
0x14: {  	_ =	swait.ge [sflag:s14], $0x2800  }
0x15: {  	[sflag:s14] =	ssyncset.done $0x0  }
0x16: {  	[sflag:s14] =	ssyncadd.s32 $0xFFFFD800  }
0x17: {  	[bflag:$0x0] =	sbarrier.arrive $0xFFFF  }
0x18: {  	[tilespmem:s15], [sflag:$0x3] =	stream.linear.gather [hbm4b:s9+s3], $0x1400, $0x38;
	[tilespmem:$0x1E800] =	vst v63  }
0x19: {  	_ =	swait.ge [sflag:s14], $0x1400  }
0x1a: {  	[sflag:s14] =	ssyncset.done $0x0  }
0x1b: {  	[sflag:s14] =	ssyncadd.s32 $0xFFFFEC00  }
0x1c: {  	[tilespmem:s16], [sflag:$0x3] =	stream.linear.gather [hbm4b:s10+s3], $0x1400, $0x38;
	[tilespmem:$0x1E800] =	vst v63  }
0x1d: {  	_ =	swait.ge [sflag:s14], $0x1400  }
0x1e: {  	[sflag:s14] =	ssyncset.done $0x0  }
0x1f: {  	[sflag:s14] =	ssyncadd.s32 $0xFFFFEC00  }
0x20: {  	[tilespmem:s18], [sflag:$0x1] =	stream.indirect.gather [hbm4b:s4+s17], $0x80, s15, s17, $0xb8;
	[tilespmem:$0x1E800] =	vst v63  }
0x21: {  	_ = 	snop  }
0x22: {  	[tilespmem:s20], [sflag:$0x2] =	stream.indirect.gather [hbm4b:s4+s17], $0x80, s19, s17, $0xb8;
	[tilespmem:$0x1E800] =	vst v63  }
0x23: {  	_ =	swait.ge [sflag:s21], $0x3E80  }
0x24: {  	[sflag:s21] =	ssyncset.done $0x0  }
0x25: {  	s26 =	simm.s32 $0x15400;
	[sflag:s21] =	ssyncadd.s32 $0xFFFFC180  }
0x26: {  	[spmem:s1] =	stream.indirect.scatter.add.f32 [tilespmem:s18], [sflag:$0x3], $0x80, s26, s17, $0xb8;
	[tilespmem:$0x1E800] =	vst v63  }
0x27: {  	_ =	swait.ge [sflag:s14], $0x3E80  }
0x28: {  	[sflag:s14] =	ssyncset.done $0x0  }
0x29: {  	s30 =	simm.s32 $0x14100;
	[sflag:s14] =	ssyncadd.s32 $0xFFFFC180  }
0x2a: {  	[tilespmem:s18], [sflag:$0x1] =	stream.indirect.gather [hbm4b:s4+s17], $0x80, s30, s17, $0xb8;
	[tilespmem:$0x1E800] =	vst v63  }
0x2b: {  	_ =	swait.ge [sflag:s22], $0x3E80  }
0x2c: {  	[sflag:s22] =	ssyncset.done $0x0  }
0x2d: {  	s31 =	simm.s32 $0x15480;
	[sflag:s22] =	ssyncadd.s32 $0xFFFFC180  }
0x2e: {  	[spmem:s1] =	stream.indirect.scatter.add.f32 [tilespmem:s20], [sflag:$0x3], $0x80, s31, s17, $0xb8;
	[tilespmem:$0x1E800] =	vst v63  }
0x2f: {  	_ =	swait.ge [sflag:s14], $0x3E80  }
0x30: {  	[sflag:s14] =	ssyncset.done $0x0  }
0x31: {  	s28 =	simm.s32 $0x14180;
	s26 =	simm.s32 $0x400;
	[sflag:s14] =	ssyncadd.s32 $0xFFFFC180  }
.LBB2_2:
0x32: {  	[tilespmem:s20], [sflag:$0x2] =	stream.indirect.gather [hbm4b:s4+s17], $0x80, s28, s17, $0xb8;
	[tilespmem:$0x1E800] =	vst v63  }
0x33: {  	s28 =	smov.u32 s26  }
0x34: {  	p0 =	sne.s32 s26, $0x4800;
	s26 =	sadd.s32 $0x400, s26;
	_ =	swait.ge [sflag:s21], $0x3E80  }
0x35: {  	s28 =	sshra.s32 s28, $0x2;
	[sflag:s21] =	ssyncset.done $0x0  }
0x36: {  	s29 =	sadd.s32 $0x15400, s28;
	[sflag:s21] =	ssyncadd.s32 $0xFFFFC180  }
0x37: {  	[spmem:s1] =	stream.indirect.scatter.add.f32 [tilespmem:s18], [sflag:$0x3], $0x80, s29, s17, $0xb8;
	[tilespmem:$0x1E800] =	vst v63  }
0x38: {  	_ =	swait.ge [sflag:s14], $0x3E80  }
0x39: {  	[sflag:s14] =	ssyncset.done $0x0  }
0x3a: {  	s29 =	sadd.s32 $0x14100, s28;
	[sflag:s14] =	ssyncadd.s32 $0xFFFFC180  }
0x3b: {  	[tilespmem:s18], [sflag:$0x1] =	stream.indirect.gather [hbm4b:s4+s17], $0x80, s29, s17, $0xb8;
	[tilespmem:$0x1E800] =	vst v63  }
0x3c: {  	_ =	swait.ge [sflag:s22], $0x3E80  }
0x3d: {  	[sflag:s22] =	ssyncset.done $0x0  }
.Ltmp0:
0x3e: {  	s29 =	sadd.s32 $0x15480, s28;
	[sflag:s22] =	ssyncadd.s32 $0xFFFFC180;
	(pc) =	sbr.rel @p0 .LBB2_2-.Ltmp0, $4  }
0x3f: {  	[spmem:s1] =	stream.indirect.scatter.add.f32 [tilespmem:s20], [sflag:$0x3], $0x80, s29, s17, $0xb8;
	[tilespmem:$0x1E800] =	vst v63  }
0x40: {  	_ =	swait.ge [sflag:s14], $0x3E80  }
0x41: {  	[sflag:s14] =	ssyncset.done $0x0  }
0x42: {  	s28 =	sadd.s32 $0x14180, s28;
	[sflag:s14] =	ssyncadd.s32 $0xFFFFC180  }
0x43: {  	[tilespmem:s20], [sflag:$0x2] =	stream.indirect.gather [hbm4b:s4+s17], $0x80, s28, s17, $0xb8;
	[tilespmem:$0x1E800] =	vst v63  }
0x44: {  	_ =	swait.ge [sflag:s21], $0x3E80  }
0x45: {  	[sflag:s21] =	ssyncset.done $0x0  }
0x46: {  	[sflag:s21] =	ssyncadd.s32 $0xFFFFC180  }
0x47: {  	[spmem:s1] =	stream.indirect.scatter.add.f32 [tilespmem:s18], [sflag:$0x3], $0x80, s23, s17, $0xb8;
	[tilespmem:$0x1E800] =	vst v63  }
0x48: {  	_ =	swait.ge [sflag:s14], $0x3E80  }
0x49: {  	[sflag:s14] =	ssyncset.done $0x0  }
0x4a: {  	[sflag:s14] =	ssyncadd.s32 $0xFFFFC180  }
0x4b: {  	_ =	swait.ge [sflag:s22], $0x3E80  }
0x4c: {  	[sflag:s22] =	ssyncset.done $0x0  }
0x4d: {  	[sflag:s22] =	ssyncadd.s32 $0xFFFFC180  }
0x4e: {  	[spmem:s1] =	stream.indirect.scatter.add.f32 [tilespmem:s20], [sflag:$0x3], $0x80, s24, s17, $0xb8;
	[tilespmem:$0x1E800] =	vst v63  }
0x4f: {  	_ =	swait.ge [sflag:s14], $0x3E80  }
0x50: {  	[sflag:s14] =	ssyncset.done $0x0  }
0x51: {  	s26 =	simm.s32 $0x0;
	[sflag:s14] =	ssyncadd.s32 $0xFFFFC180  }
0x52: {  	[tilespmem:s15], [sflag:$0x3] =	stream.linear.gather [hbm4b:s11+s26], $0x1400, $0x38;
	[tilespmem:$0x1E800] =	vst v63  }
0x53: {  	_ =	swait.ge [sflag:s14], $0x1400  }
0x54: {  	[sflag:s14] =	ssyncset.done $0x0  }
0x55: {  	[sflag:s14] =	ssyncadd.s32 $0xFFFFEC00  }
0x56: {  	[tilespmem:s16], [sflag:$0x3] =	stream.linear.gather [hbm4b:s12+s26], $0x1400, $0x38;
	[tilespmem:$0x1E800] =	vst v63  }
0x57: {  	_ =	swait.ge [sflag:s14], $0x1400  }
0x58: {  	[sflag:s14] =	ssyncset.done $0x0  }
0x59: {  	[sflag:s14] =	ssyncadd.s32 $0xFFFFEC00  }
0x5a: {  	[tilespmem:s18], [sflag:$0x1] =	stream.indirect.gather [hbm4b:s4+s17], $0x80, s15, s17, $0xb8;
	[tilespmem:$0x1E800] =	vst v63  }
0x5b: {  	_ = 	snop  }
0x5c: {  	[tilespmem:s20], [sflag:$0x2] =	stream.indirect.gather [hbm4b:s4+s17], $0x80, s19, s17, $0xb8;
	[tilespmem:$0x1E800] =	vst v63  }
0x5d: {  	_ =	swait.ge [sflag:s21], $0x3E80  }
0x5e: {  	[sflag:s21] =	ssyncset.done $0x0  }
0x5f: {  	s29 =	simm.s32 $0x15400;
	[sflag:s21] =	ssyncadd.s32 $0xFFFFC180  }
0x60: {  	[spmem:s1] =	stream.indirect.scatter.add.f32 [tilespmem:s18], [sflag:$0x3], $0x80, s29, s17, $0xb8;
	[tilespmem:$0x1E800] =	vst v63  }
0x61: {  	_ =	swait.ge [sflag:s14], $0x3E80  }
0x62: {  	[sflag:s14] =	ssyncset.done $0x0  }
0x63: {  	s30 =	simm.s32 $0x14100;
	[sflag:s14] =	ssyncadd.s32 $0xFFFFC180  }
0x64: {  	[tilespmem:s18], [sflag:$0x1] =	stream.indirect.gather [hbm4b:s4+s17], $0x80, s30, s17, $0xb8;
	[tilespmem:$0x1E800] =	vst v63  }
0x65: {  	_ =	swait.ge [sflag:s22], $0x3E80  }
0x66: {  	[sflag:s22] =	ssyncset.done $0x0  }
0x67: {  	s31 =	simm.s32 $0x15480;
	[sflag:s22] =	ssyncadd.s32 $0xFFFFC180  }
0x68: {  	[spmem:s1] =	stream.indirect.scatter.add.f32 [tilespmem:s20], [sflag:$0x3], $0x80, s31, s17, $0xb8;
	[tilespmem:$0x1E800] =	vst v63  }
0x69: {  	_ =	swait.ge [sflag:s14], $0x3E80  }
0x6a: {  	[sflag:s14] =	ssyncset.done $0x0  }
0x6b: {  	s28 =	simm.s32 $0x14180;
	s26 =	simm.s32 $0x400;
	[sflag:s14] =	ssyncadd.s32 $0xFFFFC180  }
.LBB2_4:
0x6c: {  	[tilespmem:s20], [sflag:$0x2] =	stream.indirect.gather [hbm4b:s4+s17], $0x80, s28, s17, $0xb8;
	[tilespmem:$0x1E800] =	vst v63  }
0x6d: {  	s28 =	smov.u32 s26  }
0x6e: {  	p0 =	sne.s32 s26, $0x4800;
	s26 =	sadd.s32 $0x400, s26;
	_ =	swait.ge [sflag:s21], $0x3E80  }
0x6f: {  	s28 =	sshra.s32 s28, $0x2;
	[sflag:s21] =	ssyncset.done $0x0  }
0x70: {  	s29 =	sadd.s32 $0x15400, s28;
	[sflag:s21] =	ssyncadd.s32 $0xFFFFC180  }
0x71: {  	[spmem:s1] =	stream.indirect.scatter.add.f32 [tilespmem:s18], [sflag:$0x3], $0x80, s29, s17, $0xb8;
	[tilespmem:$0x1E800] =	vst v63  }
0x72: {  	_ =	swait.ge [sflag:s14], $0x3E80  }
0x73: {  	[sflag:s14] =	ssyncset.done $0x0  }
0x74: {  	s29 =	sadd.s32 $0x14100, s28;
	[sflag:s14] =	ssyncadd.s32 $0xFFFFC180  }
0x75: {  	[tilespmem:s18], [sflag:$0x1] =	stream.indirect.gather [hbm4b:s4+s17], $0x80, s29, s17, $0xb8;
	[tilespmem:$0x1E800] =	vst v63  }
0x76: {  	_ =	swait.ge [sflag:s22], $0x3E80  }
0x77: {  	[sflag:s22] =	ssyncset.done $0x0  }
.Ltmp1:
0x78: {  	s29 =	sadd.s32 $0x15480, s28;
	[sflag:s22] =	ssyncadd.s32 $0xFFFFC180;
	(pc) =	sbr.rel @p0 .LBB2_4-.Ltmp1, $4  }
0x79: {  	[spmem:s1] =	stream.indirect.scatter.add.f32 [tilespmem:s20], [sflag:$0x3], $0x80, s29, s17, $0xb8;
	[tilespmem:$0x1E800] =	vst v63  }
0x7a: {  	_ =	swait.ge [sflag:s14], $0x3E80  }
0x7b: {  	[sflag:s14] =	ssyncset.done $0x0  }
0x7c: {  	s28 =	sadd.s32 $0x14180, s28;
	[sflag:s14] =	ssyncadd.s32 $0xFFFFC180  }
0x7d: {  	[tilespmem:s20], [sflag:$0x2] =	stream.indirect.gather [hbm4b:s4+s17], $0x80, s28, s17, $0xb8;
	[tilespmem:$0x1E800] =	vst v63  }
0x7e: {  	_ =	swait.ge [sflag:s21], $0x3E80  }
0x7f: {  	[sflag:s21] =	ssyncset.done $0x0  }
0x80: {  	[sflag:s21] =	ssyncadd.s32 $0xFFFFC180  }
0x81: {  	[spmem:s1] =	stream.indirect.scatter.add.f32 [tilespmem:s18], [sflag:$0x3], $0x80, s23, s17, $0xb8;
	[tilespmem:$0x1E800] =	vst v63  }
0x82: {  	_ =	swait.ge [sflag:s14], $0x3E80  }
0x83: {  	[sflag:s14] =	ssyncset.done $0x0  }
0x84: {  	[sflag:s14] =	ssyncadd.s32 $0xFFFFC180  }
0x85: {  	_ =	swait.ge [sflag:s22], $0x3E80  }
0x86: {  	[sflag:s22] =	ssyncset.done $0x0  }
0x87: {  	[sflag:s22] =	ssyncadd.s32 $0xFFFFC180  }
0x88: {  	[spmem:s1] =	stream.indirect.scatter.add.f32 [tilespmem:s20], [sflag:$0x3], $0x80, s24, s17, $0xb8;
	[tilespmem:$0x1E800] =	vst v63  }
0x89: {  	_ =	swait.ge [sflag:s14], $0x3E80  }
0x8a: {  	s25 =	sadd.s32 $0x1, s25;
	[sflag:s14] =	ssyncset.done $0x0  }
0x8b: {  	p0 =	sne.s32 s25, s8;
	[sflag:s14] =	ssyncadd.s32 $0xFFFFC180  }
.Ltmp2:
0x8c: {  	[bflag:$0x0] =	sbarrier.arrive $0xFFFF;
	(pc) =	sbr.rel @p0 .LBB2_1-.Ltmp2, $4  }
0x8d: {  	[hbm:s7], [sflag:s6] =	dma.local [spmem:s13], $0x2800  }
0x8e: {  	_ =	swait.ge [sflag:s14], $0x2800  }
0x8f: {  	[sflag:s14] =	ssyncset.done $0x0  }
0x90: {  	[sflag:s14] =	ssyncadd.s32 $0xFFFFD800  }
0x91: {  	_ =	sfence.sel $0x180000  }
0x92: {  	[bflag:$0x0] =	sbarrier.arrive $0xFFFF  }
0x93: {  	p0 =	sne.s32 s2, $0x0;
	_ =	strace $0x90000047  }
0x94: {  	s0 =	sadd.s32 @!p0 $0x100000, s0;
	[bflag:$0x2] =	sbarrier.arrive $0xFFFF  }
0x95: {  	[sflag:s0] =	ssyncadd.tile.s32 @!p0 $0x1;
	_ =	shalt  }
.Lfunc_end2:
_tile_overlayer_lowered:
.L_overlay_start_2:
0x96: {  	(tag) =	ssettag $0x2  }
0x97: {  	s0 =	rddreg [dreg:$0x0];
	s2 =	stileid.u32  }
0x98: {  	s1 =	rddreg [dreg:$0x1];
	p0 =	sne.s32 s2, $0x0  }
0x99: {  	s3 =	rddreg [dreg:$0x2];
	[bflag:$0x3] =	sbarrier.arrive $0xFFFF;
	s2 =	simm.s32 @!p0 $0x1C03  }
0x9a: {  	[timem:s3], [sflag:s2] =	dma.local @!p0 [hbm:s0], s1  }
0x9b: {  	s0 =	simm.s32 @!p0 $0x3  }
0x9c: {  	_ =	swait.ge @!p0 [sflag:s0], s1  }
0x9d: {  	s1 =	ssub.s32 @!p0 $0x0, s1;
	[sflag:s0] =	ssyncset.done @!p0 $0x0  }
0x9e: {  	[sflag:s0] =	ssyncadd.s32 @!p0 s1  }
0x9f: {  	[bflag:$0x3] =	sbarrier.arrive $0xFFFF  }
0xa0: {  	_ =	shalt  }

// kernel: kernel.14.cloned.1.call-start
scs
__scs_entry_jumppad:
0x0: {  	(pc) =	sbr.rel $0x88, $3  }
0x1: {  	(tag) =	ssettag $0x0;
	lr =	simm.s32 $0x1  }
0x2: {  	[smem:$0x3F96] =	sst lr;
	_ =	strace $0xD0000000  }
0x3: {  	_ = 	snop  }
0x4: {  	_ = 	snop  }
0x5: {  	_ = 	snop  }
0x6: {  	_ = 	snop  }
0x7: {  	_ = 	snop  }
__scs_overlays_trampoline_lowered:
0x8: {  	[smem:$0x3FA5] =	sst s0  }
0x9: {  	[smem:$0x3FA6] =	sst s1  }
0xa: {  	[smem:$0x3FA7] =	sst s2  }
0xb: {  	[smem:$0x3FA8] =	sst s3  }
0xc: {  	[smem:$0x3FA9] =	sst s4  }
0xd: {  	[smem:$0x3FAA] =	sst s5  }
0xe: {  	[smem:$0x3FAB] =	sst s6  }
0xf: {  	[smem:$0x3FAC] =	sst s7  }
0x10: {  	[smem:$0x3FAD] =	sst s8  }
0x11: {  	[smem:$0x3FAE] =	sst s9;
	s0 =	simm.s32 @!p0 $0x0  }
0x12: {  	s1 =	sld [smem:$0x3F94];
	s0 =	simm.s32 @p0 $0x1  }
0x13: {  	[smem:$0x3FAF] =	sst s0;
	s0 =	simm.s32 @!p1 $0x0  }
0x14: {  	s2 =	sld [smem:$0x3F93];
	s0 =	simm.s32 @p1 $0x1  }
0x15: {  	[smem:$0x3FB0] =	sst s0;
	s0 =	simm.s32 @!p2 $0x0  }
0x16: {  	s3 =	sld [smem:$0x3FDB];
	s0 =	simm.s32 @p2 $0x1  }
0x17: {  	s4 =	simm.s32 $0x1BF5;
	[smem:$0x3FB2] =	sst s0  }
0x18: {  	s0 =	sld [smem:$0x3F95];
	_ =	swait.ge [sflag:s4], $0x0  }
0x19: {  	s7 =	sld [smem:$0x3F96]  }
0x1a: {  	s8 =	sadd.s32 $0xFFFFE003, lr  }
0x1b: {  	s9 =	sadd.s32 $0xFFFFFEF7, lr;
	s5 =	simm.s32 $0xFFFFFFFF;
	p2 =	slt.u32 s8, $0xFFFFF086  }
0x1c: {  	p1 =	slt.u32 s9, $0xF7A;
	s5 =	simm.s32 @!p2 $0x0  }
0x1d: {  	s5 =	simm.s32 @p1 $0x1;
	p0 =	seq.s32 s7, s2  }
0x1e: {  	s7 =	smul.u32 @!p0 $0xF7A, s2;
	p2 =	seq.s32 @!p0 s5, $0x0  }
0x1f: {  	s9 =	smul.u32 $0xF7A, s1;
	s8 =	simm.s32 @!p0 $0x1BF5;
	p2 =	por !p2, p0  }
0x20: {  	[sflag:s8] =	ssyncset.s32 @!p0 $0xFFFFF086;
	s6 =	sadd.s32 @!p0 s3, s7;
	s7 =	simm.s32 @!p0 $0x108  }
0x21: {  	s3 =	sadd.s32 s3, s9;
	s6 =	sadd.s32 @!p0 $0x88, s6;
	s7 =	simm.s32 @p2 $0x1082  }
0x22: {  	[simem:s7], [sflag:s8] =	dma.local @!p0 [hbm:s6], $0xF7A  }
0x23: {  	s9 =	sor.u32 $0xD0000000, s2;
	s6 =	simm.s32 $0x108;
	_ =	swait.ge @!p0 [sflag:s8], $0x0  }
0x24: {  	s3 =	sadd.s32 $0x88, s3;
	s6 =	simm.s32 @!p1 $0x1082;
	[sflag:s4] =	ssyncset.s32 $0xFFFFF086  }
0x25: {  	[simem:s6], [sflag:s4] =	dma.local [hbm:s3], $0xF7A  }
0x26: {  	[smem:$0x3F96] =	sst s1;
	(tag) =	ssettag s2;
	_ =	strace s9  }
0x27: {  	s1 =	sld [smem:$0x3FA6]  }
0x28: {  	s2 =	sld [smem:$0x3FA7]  }
0x29: {  	s4 =	sld [smem:$0x3FA9]  }
0x2a: {  	p0 =	seq.s32 s5, $0x0;
	s5 =	sld [smem:$0x3FAA]  }
0x2b: {  	s6 =	sld [smem:$0x3FAB]  }
0x2c: {  	s7 =	sld [smem:$0x3FAC]  }
0x2d: {  	s3 =	simm.s32 $0x108;
	s8 =	sld [smem:$0x3FAD]  }
0x2e: {  	s3 =	simm.s32 @!p0 $0x1082;
	s9 =	sld [smem:$0x3FAE]  }
0x2f: {  	lr =	sadd.s32 s0, s3;
	s0 =	sld [smem:$0x3FA5]  }
0x30: {  	s3 =	sld [smem:$0x3FA8]  }
0x31: {  	[smem:$0x3FB1] =	sst s10  }
0x32: {  	s10 =	sld [smem:$0x3FAF];
	_ =	sdelay $0x3  }
0x33: {  	p0 =	seq.s32 s10, $0x1;
	s10 =	sld [smem:$0x3FB1];
	_ =	sdelay $0x3  }
0x34: {  	[smem:$0x3FB1] =	sst s10  }
0x35: {  	s10 =	sld [smem:$0x3FB0];
	_ =	sdelay $0x3  }
0x36: {  	p1 =	seq.s32 s10, $0x1;
	s10 =	sld [smem:$0x3FB1];
	_ =	sdelay $0x3  }
0x37: {  	[smem:$0x3FB1] =	sst s10  }
0x38: {  	s10 =	sld [smem:$0x3FB2]  }
0x39: {  	_ = 	snop;
	(pc) =	sbr.ind lr, $3  }
0x3a: {  	_ = 	snop  }
0x3b: {  	_ = 	snop  }
0x3c: {  	p2 =	seq.s32 s10, $0x1;
	s10 =	sld [smem:$0x3FB1]  }
0x3d: {  	_ =	shalt  }
0x3e: {  	_ =	shalt  }
0x3f: {  	_ =	shalt  }
0x40: {  	_ =	shalt  }
0x41: {  	_ =	shalt  }
0x42: {  	_ =	shalt  }
0x43: {  	_ =	shalt  }
0x44: {  	_ =	shalt  }
0x45: {  	_ =	shalt  }
0x46: {  	_ =	shalt  }
0x47: {  	_ =	shalt  }
0x48: {  	_ =	shalt  }
0x49: {  	_ =	shalt  }
0x4a: {  	_ =	shalt  }
0x4b: {  	_ =	shalt  }
0x4c: {  	_ =	shalt  }
0x4d: {  	_ =	shalt  }
0x4e: {  	_ =	shalt  }
0x4f: {  	_ =	shalt  }
0x50: {  	_ =	shalt  }
0x51: {  	_ =	shalt  }
0x52: {  	_ =	shalt  }
0x53: {  	_ =	shalt  }
0x54: {  	_ =	shalt  }
0x55: {  	_ =	shalt  }
0x56: {  	_ =	shalt  }
0x57: {  	_ =	shalt  }
0x58: {  	_ =	shalt  }
0x59: {  	_ =	shalt  }
0x5a: {  	_ =	shalt  }
0x5b: {  	_ =	shalt  }
0x5c: {  	_ =	shalt  }
0x5d: {  	_ =	shalt  }
0x5e: {  	_ =	shalt  }
0x5f: {  	_ =	shalt  }
0x60: {  	_ =	shalt  }
0x61: {  	_ =	shalt  }
0x62: {  	_ =	shalt  }
0x63: {  	_ =	shalt  }
0x64: {  	_ =	shalt  }
0x65: {  	_ =	shalt  }
0x66: {  	_ =	shalt  }
0x67: {  	_ =	shalt  }
0x68: {  	_ =	shalt  }
0x69: {  	_ =	shalt  }
0x6a: {  	_ =	shalt  }
0x6b: {  	_ =	shalt  }
0x6c: {  	_ =	shalt  }
0x6d: {  	_ =	shalt  }
0x6e: {  	_ =	shalt  }
0x6f: {  	_ =	shalt  }
0x70: {  	_ =	shalt  }
0x71: {  	_ =	shalt  }
0x72: {  	_ =	shalt  }
0x73: {  	_ =	shalt  }
0x74: {  	_ =	shalt  }
0x75: {  	_ =	shalt  }
0x76: {  	_ =	shalt  }
0x77: {  	_ =	shalt  }
0x78: {  	_ =	shalt  }
0x79: {  	_ =	shalt  }
0x7a: {  	_ =	shalt  }
0x7b: {  	_ =	shalt  }
0x7c: {  	_ =	shalt  }
0x7d: {  	_ =	shalt  }
0x7e: {  	_ =	shalt  }
0x7f: {  	_ =	shalt  }
0x80: {  	_ =	shalt  }
0x81: {  	_ =	shalt  }
0x82: {  	_ =	shalt  }
0x83: {  	_ =	shalt  }
0x84: {  	_ =	shalt  }
0x85: {  	_ =	shalt  }
0x86: {  	_ =	shalt  }
0x87: {  	_ =	shalt  }
.Lfunc_end0:
.L_simem_size_0:
called_computation.2_lowered:
.L_overlay_start_0:
0x88: {  	s2 =	sld [smem:$0x3FD9]  }
0x89: {  	s3 =	sld [smem:$0x3FFE];
	_ =	sdelay $0x1  }
0x8a: {  	s1 =	srdreg.scid  }
0x8b: {  	s0 =	sand.u32 $0x1, s1  }
0x8c: {  	s14 =	sshll.u32 s0, $0xA;
	s2 =	sadd.s32 s3, s2  }
0x8d: {  	s2 =	sadd.s32 s2, s14  }
0x8e: {  	[smem:$0x3FBD] =	sst s2  }
0x8f: {  	_ = 	snop  }
0x90: {  	s2 =	sld [smem:$0x3FD0];
	_ =	sdelay $0x2  }
0x91: {  	s15 =	simm.s32 $0xB;
	s4 =	simm.s32 $0x10  }
0x92: {  	[smem:s4], [sflag:s15] =	dma.local [hbm:s2], $0x1  }
0x93: {  	_ =	swait.eq [sflag:s15], $0x1  }
0x94: {  	[sflag:s15] =	ssyncset.done $0x0  }
0x95: {  	[sflag:s15] =	ssyncadd.s32 $0xFFFFFFFF  }
0x96: {  	s16 =	sld [smem:$0x11];
	(tm) =	ssettm $0x1  }
0x97: {  	s17 =	sld [smem:$0x3FFB];
	_ =	sdelay $0x3  }
0x98: {  	_ =	strace s17  }
0x99: {  	s3 =	sld [smem:$0x3FFC];
	_ =	sdelay $0x3  }
0x9a: {  	_ =	strace s3  }
0x9b: {  	s3 =	sld [smem:$0x3FFD];
	_ =	sdelay $0x3  }
0x9c: {  	_ =	strace s3  }
0x9d: {  	_ =	strace $0x8FFFFFFF  }
0x9e: {  	s18 =	sld [smem:$0x3FDB];
	_ =	sdelay $0x1  }
0x9f: {  	s19 =	simm.s32 $_scs_section_size  }
0xa0: {  	s5 =	simm.s32 $_size__tile_overlayer_lowered;
	s6 =	simm.s32 $_tile_overlayer_lowered  }
0xa1: {  	s22 =	simm.s32 $0x1BFF;
	s21 =	sshll.u32 s6, $0x1;
	s3 =	sadd.s32 s19, s18  }
0xa2: {  	s7 =	simm.s32 $0x0;
	s20 =	sshll.u32 s5, $0x1;
	s5 =	sadd.s32 s21, s3  }
0xa3: {  	[timem:s7], [sflag:s22] =	dma.local [hbm:s5], s20  }
0xa4: {  	_ =	swait.ge [sflag:s22], s20  }
0xa5: {  	s4 =	ssub.s32 $0x0, s20;
	[sflag:s22] =	ssyncset.done $0x0  }
0xa6: {  	[sflag:s22] =	ssyncadd.s32 s4;
	_ =	sdelay $0x1  }
0xa7: {  	s23 =	simm.s32 $0x1B8B  }
0xa8: {  	_ =	swait.ge [sflag:s23], $0x1  }
0xa9: {  	[sflag:s23] =	ssyncset.done $0x0  }
0xaa: {  	s25 =	simm.s32 $0x1B8E;
	s24 =	sld [smem:$0x3FFE];
	[sflag:s23] =	ssyncadd.s32 $0xFFFFFFFF  }
0xab: {  	s26 =	simm.s32 $execute0_lowered;
	[smem:$0x3FD2] =	sst s25  }
0xac: {  	s5 =	sshll.u32 s26, $0x1;
	_ =	strace $0x8000004C;
	[dreg:$0x1] =	wrdreg $0xFFFFFFFF  }
0xad: {  	s28 =	simm.s32 $_size_execute0_lowered;
	s3 =	sadd.s32 s3, s5;
	[dreg:$0x0] =	wrdreg $0x0  }
0xae: {  	s5 =	sshll.u32 s28, $0x1;
	[dreg:$0x2] =	wrdreg s3  }
0xaf: {  	[dreg:$0x3] =	wrdreg s5  }
0xb0: {  	[dreg:$0x4] =	wrdreg $0xC0  }
0xb1: {  	_ =	task [dreg:s7], $0x5FFFF  }
0xb2: {  	[dreg:$0x1] =	wrdreg $0xFFFFFFFF  }
0xb3: {  	[dreg:$0x0] =	wrdreg $0x60  }
0xb4: {  	[dreg:$0x2] =	wrdreg s24  }
0xb5: {  	[dreg:$0x3] =	wrdreg s16  }
0xb6: {  	[dreg:$0x4] =	wrdreg $0x0  }
0xb7: {  	[dreg:$0x5] =	wrdreg $0x9  }
0xb8: {  	_ =	task.clear_ibuf [dreg:s7], $0x6FFFF;
	_ =	strace $0x9000004C  }
0xb9: {  	s29 =	simm.s32 $0x9;
	_ =	strace $0x8000004E  }
0xba: {  	_ =	swait.ge [sflag:s29], $0x1  }
0xbb: {  	[sflag:s29] =	ssyncadd.s32 $0xFFFFFFFF  }
0xbc: {  	_ =	strace $0x9000004E  }
0xbd: {  	_ =	sfence  }
0xbe: {  	s30 =	sld [smem:$0x0];
	_ =	sdelay $0x2  }
0xbf: {  	s31 =	sshll.u32 s1, $0xD;
	s1 =	sshrl.u32 s1, $0x2  }
0xc0: {  	s3 =	sand.u32 $0x4000, s31;
	s1 =	sadd.s32 s1, s30  }
0xc1: {  	s0 =	sor.u32 s3, s0;
	s1 =	sshll.u32 s1, $0x11  }
0xc2: {  	s0 =	sor.u32 s1, s0  }
0xc3: {  	s0 =	sadd.s32 $0x8F2B, s0  }
0xc4: {  	[sflag:s0] =	ssyncadd.remote.s32 $0x1  }
0xc5: {  	_ =	sfence.sel $0xFFFF  }
0xc6: {  	[dreg:$0x0] =	wrdreg $0xFFFFFFFF;
	(pc) =	sbr.abs _section_cstart, $3  }
0xc7: {  	[dreg:$0x1] =	wrdreg $0xFFFFFFFF  }
0xc8: {  	_ =	task.clear_ibuf [dreg:s7], $0x2FFFF;
	_ =	strace $0x9FFFFFFF  }
0xc9: {  	(tm) =	ssettm $0x7FFFFFFF  }
tec
execute0_lowered:
.L_overlay_start_1:
0x0: {  	(tag) =	ssettag $0x1  }
0x1: {  	s5 =	rddreg [dreg:$0x0]  }
0x2: {  	s7 =	rddreg [dreg:$0x1]  }
0x3: {  	s1 =	rddreg [dreg:$0x2]  }
0x4: {  	s0 =	rddreg [dreg:$0x3]  }
0x5: {  	s2 =	simm.s32 $0x0;
	s6 =	srdreg.scid;
	s3 =	stileid.u32  }
0x6: {  	s15 =	simm.s32 $0x14000;
	s16 =	simm.s32 $0x15400;
	s17 =	simm.s32 $0x7D  }
0x7: {  	s18 =	simm.s32 $0x16800;
	s19 =	simm.s32 $0x14080;
	s20 =	simm.s32 $0x1A800  }
0x8: {  	s21 =	simm.s32 $0x1;
	s22 =	simm.s32 $0x2;
	s23 =	simm.s32 $0x16700  }
0x9: {  	s24 =	simm.s32 $0x16780;
	s25 =	simm.s32 $0x0;
	[smem:$0x7FF] =	sst s2  }
0xa: {  	s4 =	sadd.s32 $0x40800, s5;
	s11 =	sadd.s32 $0xCE00, s5;
	s6 =	sand.u32 $0x1, s6  }
0xb: {  	s8 =	smul.u32 $0x50000, s3;
	s12 =	sadd.s32 $0x2E00, s5;
	s5 =	sadd.s32 $0x3E000, s5  }
0xc: {  	s14 =	smul.u32 $0x14000, s3;
	s30 =	sshll.u32 s3, $0x6;
	_ =	strace $0x8000004D  }
0xd: {  	s9 =	ssub.s32 $0x2, s6;
	s10 =	smul.u32 $0x140000, s6;
	s6 =	sshll.u32 s6, $0x4  }
0xe: {  	s13 =	sshrl.u32 s9, $0x1;
	s8 =	sshrl.u32 s8, $0x2;
	s6 =	sor.u32 s3, s6  }
0xf: {  	s9 =	ssub.s32 s9, s13;
	s28 =	sadd.s32 s8, s1;
	s29 =	sadd.s32 s14, s10  }
0x10: {  	s31 =	smul.u32 $0x500, s6;
	s6 =	sor.u32 $0x1C03, s30;
	s8 =	sshrl.u32 s29, $0x3  }
0x11: {  	s13 =	sshrl.u32 s28, $0x3;
	s7 =	sadd.s32 s7, s8;
	s8 =	smax.u32 s9, $0x1  }
0x12: {  	s9 =	sadd.s32 s11, s31;
	s10 =	sadd.s32 s12, s31;
	s14 =	sadd.s32 $0x280, s31  }
0x13: {  	s11 =	sadd.s32 s11, s14;
	s12 =	sadd.s32 s12, s14;
	s14 =	simm.s32 $0x3  }
.LBB2_1:
0x14: {  	[spmem:s13], [sflag:s6] =	dma.local [hbm:s5], $0x2800  }
0x15: {  	_ =	swait.ge [sflag:s14], $0x2800  }
0x16: {  	[sflag:s14] =	ssyncset.done $0x0  }
0x17: {  	[sflag:s14] =	ssyncadd.s32 $0xFFFFD800  }
0x18: {  	[bflag:$0x0] =	sbarrier.arrive $0xFFFF  }
0x19: {  	[tilespmem:s15], [sflag:$0x3] =	stream.linear.gather [hbm4b:s9+s2], $0x1400, $0x38;
	[tilespmem:$0x1E800] =	vst v63  }
0x1a: {  	_ =	swait.ge [sflag:s14], $0x1400  }
0x1b: {  	[sflag:s14] =	ssyncset.done $0x0  }
0x1c: {  	[sflag:s14] =	ssyncadd.s32 $0xFFFFEC00  }
0x1d: {  	[tilespmem:s16], [sflag:$0x3] =	stream.linear.gather [hbm4b:s10+s2], $0x1400, $0x38;
	[tilespmem:$0x1E800] =	vst v63  }
0x1e: {  	_ =	swait.ge [sflag:s14], $0x1400  }
0x1f: {  	[sflag:s14] =	ssyncset.done $0x0  }
0x20: {  	[sflag:s14] =	ssyncadd.s32 $0xFFFFEC00  }
0x21: {  	[tilespmem:s18], [sflag:$0x1] =	stream.indirect.gather [hbm4b:s4+s17], $0x80, s15, s17, $0xb8;
	[tilespmem:$0x1E800] =	vst v63  }
0x22: {  	_ = 	snop  }
0x23: {  	[tilespmem:s20], [sflag:$0x2] =	stream.indirect.gather [hbm4b:s4+s17], $0x80, s19, s17, $0xb8;
	[tilespmem:$0x1E800] =	vst v63  }
0x24: {  	_ =	swait.ge [sflag:s21], $0x3E80  }
0x25: {  	[sflag:s21] =	ssyncset.done $0x0  }
0x26: {  	s26 =	simm.s32 $0x15400;
	[sflag:s21] =	ssyncadd.s32 $0xFFFFC180  }
0x27: {  	[spmem:s1] =	stream.indirect.scatter.add.f32 [tilespmem:s18], [sflag:$0x3], $0x80, s26, s17, $0xb8;
	[tilespmem:$0x1E800] =	vst v63  }
0x28: {  	_ =	swait.ge [sflag:s14], $0x3E80  }
0x29: {  	[sflag:s14] =	ssyncset.done $0x0  }
0x2a: {  	s30 =	simm.s32 $0x14100;
	[sflag:s14] =	ssyncadd.s32 $0xFFFFC180  }
0x2b: {  	[tilespmem:s18], [sflag:$0x1] =	stream.indirect.gather [hbm4b:s4+s17], $0x80, s30, s17, $0xb8;
	[tilespmem:$0x1E800] =	vst v63  }
0x2c: {  	_ =	swait.ge [sflag:s22], $0x3E80  }
0x2d: {  	[sflag:s22] =	ssyncset.done $0x0  }
0x2e: {  	s31 =	simm.s32 $0x15480;
	[sflag:s22] =	ssyncadd.s32 $0xFFFFC180  }
0x2f: {  	[spmem:s1] =	stream.indirect.scatter.add.f32 [tilespmem:s20], [sflag:$0x3], $0x80, s31, s17, $0xb8;
	[tilespmem:$0x1E800] =	vst v63  }
0x30: {  	_ =	swait.ge [sflag:s14], $0x3E80  }
0x31: {  	[sflag:s14] =	ssyncset.done $0x0  }
0x32: {  	s28 =	simm.s32 $0x14180;
	s26 =	simm.s32 $0x400;
	[sflag:s14] =	ssyncadd.s32 $0xFFFFC180  }
.LBB2_2:
0x33: {  	[tilespmem:s20], [sflag:$0x2] =	stream.indirect.gather [hbm4b:s4+s17], $0x80, s28, s17, $0xb8;
	[tilespmem:$0x1E800] =	vst v63  }
0x34: {  	s28 =	smov.u32 s26  }
0x35: {  	p0 =	sne.s32 s26, $0x4800;
	s26 =	sadd.s32 $0x400, s26;
	_ =	swait.ge [sflag:s21], $0x3E80  }
0x36: {  	s28 =	sshra.s32 s28, $0x2;
	[sflag:s21] =	ssyncset.done $0x0  }
0x37: {  	s29 =	sadd.s32 $0x15400, s28;
	[sflag:s21] =	ssyncadd.s32 $0xFFFFC180  }
0x38: {  	[spmem:s1] =	stream.indirect.scatter.add.f32 [tilespmem:s18], [sflag:$0x3], $0x80, s29, s17, $0xb8;
	[tilespmem:$0x1E800] =	vst v63  }
0x39: {  	_ =	swait.ge [sflag:s14], $0x3E80  }
0x3a: {  	[sflag:s14] =	ssyncset.done $0x0  }
0x3b: {  	s29 =	sadd.s32 $0x14100, s28;
	[sflag:s14] =	ssyncadd.s32 $0xFFFFC180  }
0x3c: {  	[tilespmem:s18], [sflag:$0x1] =	stream.indirect.gather [hbm4b:s4+s17], $0x80, s29, s17, $0xb8;
	[tilespmem:$0x1E800] =	vst v63  }
0x3d: {  	_ =	swait.ge [sflag:s22], $0x3E80  }
0x3e: {  	[sflag:s22] =	ssyncset.done $0x0  }
.Ltmp0:
0x3f: {  	s29 =	sadd.s32 $0x15480, s28;
	[sflag:s22] =	ssyncadd.s32 $0xFFFFC180;
	(pc) =	sbr.rel @p0 .LBB2_2-.Ltmp0, $4  }
0x40: {  	[spmem:s1] =	stream.indirect.scatter.add.f32 [tilespmem:s20], [sflag:$0x3], $0x80, s29, s17, $0xb8;
	[tilespmem:$0x1E800] =	vst v63  }
0x41: {  	_ =	swait.ge [sflag:s14], $0x3E80  }
0x42: {  	[sflag:s14] =	ssyncset.done $0x0  }
0x43: {  	s28 =	sadd.s32 $0x14180, s28;
	[sflag:s14] =	ssyncadd.s32 $0xFFFFC180  }
0x44: {  	[tilespmem:s20], [sflag:$0x2] =	stream.indirect.gather [hbm4b:s4+s17], $0x80, s28, s17, $0xb8;
	[tilespmem:$0x1E800] =	vst v63  }
0x45: {  	_ =	swait.ge [sflag:s21], $0x3E80  }
0x46: {  	[sflag:s21] =	ssyncset.done $0x0  }
0x47: {  	[sflag:s21] =	ssyncadd.s32 $0xFFFFC180  }
0x48: {  	[spmem:s1] =	stream.indirect.scatter.add.f32 [tilespmem:s18], [sflag:$0x3], $0x80, s23, s17, $0xb8;
	[tilespmem:$0x1E800] =	vst v63  }
0x49: {  	_ =	swait.ge [sflag:s14], $0x3E80  }
0x4a: {  	[sflag:s14] =	ssyncset.done $0x0  }
0x4b: {  	[sflag:s14] =	ssyncadd.s32 $0xFFFFC180  }
0x4c: {  	_ =	swait.ge [sflag:s22], $0x3E80  }
0x4d: {  	[sflag:s22] =	ssyncset.done $0x0  }
0x4e: {  	[sflag:s22] =	ssyncadd.s32 $0xFFFFC180  }
0x4f: {  	[spmem:s1] =	stream.indirect.scatter.add.f32 [tilespmem:s20], [sflag:$0x3], $0x80, s24, s17, $0xb8;
	[tilespmem:$0x1E800] =	vst v63  }
0x50: {  	_ =	swait.ge [sflag:s14], $0x3E80  }
0x51: {  	[sflag:s14] =	ssyncset.done $0x0  }
0x52: {  	s26 =	simm.s32 $0x0;
	[sflag:s14] =	ssyncadd.s32 $0xFFFFC180  }
0x53: {  	[tilespmem:s15], [sflag:$0x3] =	stream.linear.gather [hbm4b:s11+s26], $0x1400, $0x38;
	[tilespmem:$0x1E800] =	vst v63  }
0x54: {  	_ =	swait.ge [sflag:s14], $0x1400  }
0x55: {  	[sflag:s14] =	ssyncset.done $0x0  }
0x56: {  	[sflag:s14] =	ssyncadd.s32 $0xFFFFEC00  }
0x57: {  	[tilespmem:s16], [sflag:$0x3] =	stream.linear.gather [hbm4b:s12+s26], $0x1400, $0x38;
	[tilespmem:$0x1E800] =	vst v63  }
0x58: {  	_ =	swait.ge [sflag:s14], $0x1400  }
0x59: {  	[sflag:s14] =	ssyncset.done $0x0  }
0x5a: {  	[sflag:s14] =	ssyncadd.s32 $0xFFFFEC00  }
0x5b: {  	[tilespmem:s18], [sflag:$0x1] =	stream.indirect.gather [hbm4b:s4+s17], $0x80, s15, s17, $0xb8;
	[tilespmem:$0x1E800] =	vst v63  }
0x5c: {  	_ = 	snop  }
0x5d: {  	[tilespmem:s20], [sflag:$0x2] =	stream.indirect.gather [hbm4b:s4+s17], $0x80, s19, s17, $0xb8;
	[tilespmem:$0x1E800] =	vst v63  }
0x5e: {  	_ =	swait.ge [sflag:s21], $0x3E80  }
0x5f: {  	[sflag:s21] =	ssyncset.done $0x0  }
0x60: {  	s29 =	simm.s32 $0x15400;
	[sflag:s21] =	ssyncadd.s32 $0xFFFFC180  }
0x61: {  	[spmem:s1] =	stream.indirect.scatter.add.f32 [tilespmem:s18], [sflag:$0x3], $0x80, s29, s17, $0xb8;
	[tilespmem:$0x1E800] =	vst v63  }
0x62: {  	_ =	swait.ge [sflag:s14], $0x3E80  }
0x63: {  	[sflag:s14] =	ssyncset.done $0x0  }
0x64: {  	s30 =	simm.s32 $0x14100;
	[sflag:s14] =	ssyncadd.s32 $0xFFFFC180  }
0x65: {  	[tilespmem:s18], [sflag:$0x1] =	stream.indirect.gather [hbm4b:s4+s17], $0x80, s30, s17, $0xb8;
	[tilespmem:$0x1E800] =	vst v63  }
0x66: {  	_ =	swait.ge [sflag:s22], $0x3E80  }
0x67: {  	[sflag:s22] =	ssyncset.done $0x0  }
0x68: {  	s31 =	simm.s32 $0x15480;
	[sflag:s22] =	ssyncadd.s32 $0xFFFFC180  }
0x69: {  	[spmem:s1] =	stream.indirect.scatter.add.f32 [tilespmem:s20], [sflag:$0x3], $0x80, s31, s17, $0xb8;
	[tilespmem:$0x1E800] =	vst v63  }
0x6a: {  	_ =	swait.ge [sflag:s14], $0x3E80  }
0x6b: {  	[sflag:s14] =	ssyncset.done $0x0  }
0x6c: {  	s28 =	simm.s32 $0x14180;
	s26 =	simm.s32 $0x400;
	[sflag:s14] =	ssyncadd.s32 $0xFFFFC180  }
.LBB2_4:
0x6d: {  	[tilespmem:s20], [sflag:$0x2] =	stream.indirect.gather [hbm4b:s4+s17], $0x80, s28, s17, $0xb8;
	[tilespmem:$0x1E800] =	vst v63  }
0x6e: {  	s28 =	smov.u32 s26  }
0x6f: {  	p0 =	sne.s32 s26, $0x4800;
	s26 =	sadd.s32 $0x400, s26;
	_ =	swait.ge [sflag:s21], $0x3E80  }
0x70: {  	s28 =	sshra.s32 s28, $0x2;
	[sflag:s21] =	ssyncset.done $0x0  }
0x71: {  	s29 =	sadd.s32 $0x15400, s28;
	[sflag:s21] =	ssyncadd.s32 $0xFFFFC180  }
0x72: {  	[spmem:s1] =	stream.indirect.scatter.add.f32 [tilespmem:s18], [sflag:$0x3], $0x80, s29, s17, $0xb8;
	[tilespmem:$0x1E800] =	vst v63  }
0x73: {  	_ =	swait.ge [sflag:s14], $0x3E80  }
0x74: {  	[sflag:s14] =	ssyncset.done $0x0  }
0x75: {  	s29 =	sadd.s32 $0x14100, s28;
	[sflag:s14] =	ssyncadd.s32 $0xFFFFC180  }
0x76: {  	[tilespmem:s18], [sflag:$0x1] =	stream.indirect.gather [hbm4b:s4+s17], $0x80, s29, s17, $0xb8;
	[tilespmem:$0x1E800] =	vst v63  }
0x77: {  	_ =	swait.ge [sflag:s22], $0x3E80  }
0x78: {  	[sflag:s22] =	ssyncset.done $0x0  }
.Ltmp1:
0x79: {  	s29 =	sadd.s32 $0x15480, s28;
	[sflag:s22] =	ssyncadd.s32 $0xFFFFC180;
	(pc) =	sbr.rel @p0 .LBB2_4-.Ltmp1, $4  }
0x7a: {  	[spmem:s1] =	stream.indirect.scatter.add.f32 [tilespmem:s20], [sflag:$0x3], $0x80, s29, s17, $0xb8;
	[tilespmem:$0x1E800] =	vst v63  }
0x7b: {  	_ =	swait.ge [sflag:s14], $0x3E80  }
0x7c: {  	[sflag:s14] =	ssyncset.done $0x0  }
0x7d: {  	s28 =	sadd.s32 $0x14180, s28;
	[sflag:s14] =	ssyncadd.s32 $0xFFFFC180  }
0x7e: {  	[tilespmem:s20], [sflag:$0x2] =	stream.indirect.gather [hbm4b:s4+s17], $0x80, s28, s17, $0xb8;
	[tilespmem:$0x1E800] =	vst v63  }
0x7f: {  	_ =	swait.ge [sflag:s21], $0x3E80  }
0x80: {  	[sflag:s21] =	ssyncset.done $0x0  }
0x81: {  	[sflag:s21] =	ssyncadd.s32 $0xFFFFC180  }
0x82: {  	[spmem:s1] =	stream.indirect.scatter.add.f32 [tilespmem:s18], [sflag:$0x3], $0x80, s23, s17, $0xb8;
	[tilespmem:$0x1E800] =	vst v63  }
0x83: {  	_ =	swait.ge [sflag:s14], $0x3E80  }
0x84: {  	[sflag:s14] =	ssyncset.done $0x0  }
0x85: {  	[sflag:s14] =	ssyncadd.s32 $0xFFFFC180  }
0x86: {  	_ =	swait.ge [sflag:s22], $0x3E80  }
0x87: {  	[sflag:s22] =	ssyncset.done $0x0  }
0x88: {  	[sflag:s22] =	ssyncadd.s32 $0xFFFFC180  }
0x89: {  	[spmem:s1] =	stream.indirect.scatter.add.f32 [tilespmem:s20], [sflag:$0x3], $0x80, s24, s17, $0xb8;
	[tilespmem:$0x1E800] =	vst v63  }
0x8a: {  	_ =	swait.ge [sflag:s14], $0x3E80  }
0x8b: {  	s25 =	sadd.s32 $0x1, s25;
	[sflag:s14] =	ssyncset.done $0x0  }
0x8c: {  	p0 =	sne.s32 s25, s8;
	[sflag:s14] =	ssyncadd.s32 $0xFFFFC180  }
.Ltmp2:
0x8d: {  	[bflag:$0x0] =	sbarrier.arrive $0xFFFF;
	(pc) =	sbr.rel @p0 .LBB2_1-.Ltmp2, $4  }
0x8e: {  	[hbm:s7], [sflag:s6] =	dma.local [spmem:s13], $0x2800  }
0x8f: {  	_ =	swait.ge [sflag:s14], $0x2800  }
0x90: {  	[sflag:s14] =	ssyncset.done $0x0  }
0x91: {  	[sflag:s14] =	ssyncadd.s32 $0xFFFFD800  }
0x92: {  	_ =	sfence.sel $0x180000  }
0x93: {  	[bflag:$0x0] =	sbarrier.arrive $0xFFFF  }
0x94: {  	p0 =	sne.s32 s3, $0x0;
	_ =	strace $0x9000004D  }
0x95: {  	s0 =	sadd.s32 @!p0 $0x100000, s0;
	[bflag:$0x2] =	sbarrier.arrive $0xFFFF  }
0x96: {  	[sflag:s0] =	ssyncadd.tile.s32 @!p0 $0x1;
	_ =	shalt  }
.Lfunc_end2:
_tile_overlayer_lowered:
.L_overlay_start_2:
0x97: {  	(tag) =	ssettag $0x2  }
0x98: {  	s0 =	rddreg [dreg:$0x0];
	s2 =	stileid.u32  }
0x99: {  	s1 =	rddreg [dreg:$0x1];
	p0 =	sne.s32 s2, $0x0  }
0x9a: {  	s3 =	rddreg [dreg:$0x2];
	[bflag:$0x3] =	sbarrier.arrive $0xFFFF;
	s2 =	simm.s32 @!p0 $0x1C03  }
0x9b: {  	[timem:s3], [sflag:s2] =	dma.local @!p0 [hbm:s0], s1  }
0x9c: {  	s0 =	simm.s32 @!p0 $0x3  }
0x9d: {  	_ =	swait.ge @!p0 [sflag:s0], s1  }
0x9e: {  	s1 =	ssub.s32 @!p0 $0x0, s1;
	[sflag:s0] =	ssyncset.done @!p0 $0x0  }
0x9f: {  	[sflag:s0] =	ssyncadd.s32 @!p0 s1  }
0xa0: {  	[bflag:$0x3] =	sbarrier.arrive $0xFFFF  }
0xa1: {  	_ =	shalt  }

// kernel: kernel.8.cloned.1.call-start
scs
__scs_entry_jumppad:
0x0: {  	(pc) =	sbr.rel $0x88, $3  }
0x1: {  	(tag) =	ssettag $0x0;
	lr =	simm.s32 $0x1  }
0x2: {  	[smem:$0x3F96] =	sst lr;
	_ =	strace $0xD0000000  }
0x3: {  	_ = 	snop  }
0x4: {  	_ = 	snop  }
0x5: {  	_ = 	snop  }
0x6: {  	_ = 	snop  }
0x7: {  	_ = 	snop  }
__scs_overlays_trampoline_lowered:
0x8: {  	[smem:$0x3FA5] =	sst s0  }
0x9: {  	[smem:$0x3FA6] =	sst s1  }
0xa: {  	[smem:$0x3FA7] =	sst s2  }
0xb: {  	[smem:$0x3FA8] =	sst s3  }
0xc: {  	[smem:$0x3FA9] =	sst s4  }
0xd: {  	[smem:$0x3FAA] =	sst s5  }
0xe: {  	[smem:$0x3FAB] =	sst s6  }
0xf: {  	[smem:$0x3FAC] =	sst s7  }
0x10: {  	[smem:$0x3FAD] =	sst s8  }
0x11: {  	[smem:$0x3FAE] =	sst s9;
	s0 =	simm.s32 @!p0 $0x0  }
0x12: {  	s1 =	sld [smem:$0x3F94];
	s0 =	simm.s32 @p0 $0x1  }
0x13: {  	[smem:$0x3FAF] =	sst s0;
	s0 =	simm.s32 @!p1 $0x0  }
0x14: {  	s2 =	sld [smem:$0x3F93];
	s0 =	simm.s32 @p1 $0x1  }
0x15: {  	[smem:$0x3FB0] =	sst s0;
	s0 =	simm.s32 @!p2 $0x0  }
0x16: {  	s3 =	sld [smem:$0x3FDB];
	s0 =	simm.s32 @p2 $0x1  }
0x17: {  	s4 =	simm.s32 $0x1BF5;
	[smem:$0x3FB2] =	sst s0  }
0x18: {  	s0 =	sld [smem:$0x3F95];
	_ =	swait.ge [sflag:s4], $0x0  }
0x19: {  	s7 =	sld [smem:$0x3F96]  }
0x1a: {  	s8 =	sadd.s32 $0xFFFFE003, lr  }
0x1b: {  	s9 =	sadd.s32 $0xFFFFFEF7, lr;
	s5 =	simm.s32 $0xFFFFFFFF;
	p2 =	slt.u32 s8, $0xFFFFF086  }
0x1c: {  	p1 =	slt.u32 s9, $0xF7A;
	s5 =	simm.s32 @!p2 $0x0  }
0x1d: {  	s5 =	simm.s32 @p1 $0x1;
	p0 =	seq.s32 s7, s2  }
0x1e: {  	s7 =	smul.u32 @!p0 $0xF7A, s2;
	p2 =	seq.s32 @!p0 s5, $0x0  }
0x1f: {  	s9 =	smul.u32 $0xF7A, s1;
	s8 =	simm.s32 @!p0 $0x1BF5;
	p2 =	por !p2, p0  }
0x20: {  	[sflag:s8] =	ssyncset.s32 @!p0 $0xFFFFF086;
	s6 =	sadd.s32 @!p0 s3, s7;
	s7 =	simm.s32 @!p0 $0x108  }
0x21: {  	s3 =	sadd.s32 s3, s9;
	s6 =	sadd.s32 @!p0 $0x88, s6;
	s7 =	simm.s32 @p2 $0x1082  }
0x22: {  	[simem:s7], [sflag:s8] =	dma.local @!p0 [hbm:s6], $0xF7A  }
0x23: {  	s9 =	sor.u32 $0xD0000000, s2;
	s6 =	simm.s32 $0x108;
	_ =	swait.ge @!p0 [sflag:s8], $0x0  }
0x24: {  	s3 =	sadd.s32 $0x88, s3;
	s6 =	simm.s32 @!p1 $0x1082;
	[sflag:s4] =	ssyncset.s32 $0xFFFFF086  }
0x25: {  	[simem:s6], [sflag:s4] =	dma.local [hbm:s3], $0xF7A  }
0x26: {  	[smem:$0x3F96] =	sst s1;
	(tag) =	ssettag s2;
	_ =	strace s9  }
0x27: {  	s1 =	sld [smem:$0x3FA6]  }
0x28: {  	s2 =	sld [smem:$0x3FA7]  }
0x29: {  	s4 =	sld [smem:$0x3FA9]  }
0x2a: {  	p0 =	seq.s32 s5, $0x0;
	s5 =	sld [smem:$0x3FAA]  }
0x2b: {  	s6 =	sld [smem:$0x3FAB]  }
0x2c: {  	s7 =	sld [smem:$0x3FAC]  }
0x2d: {  	s3 =	simm.s32 $0x108;
	s8 =	sld [smem:$0x3FAD]  }
0x2e: {  	s3 =	simm.s32 @!p0 $0x1082;
	s9 =	sld [smem:$0x3FAE]  }
0x2f: {  	lr =	sadd.s32 s0, s3;
	s0 =	sld [smem:$0x3FA5]  }
0x30: {  	s3 =	sld [smem:$0x3FA8]  }
0x31: {  	[smem:$0x3FB1] =	sst s10  }
0x32: {  	s10 =	sld [smem:$0x3FAF];
	_ =	sdelay $0x3  }
0x33: {  	p0 =	seq.s32 s10, $0x1;
	s10 =	sld [smem:$0x3FB1];
	_ =	sdelay $0x3  }
0x34: {  	[smem:$0x3FB1] =	sst s10  }
0x35: {  	s10 =	sld [smem:$0x3FB0];
	_ =	sdelay $0x3  }
0x36: {  	p1 =	seq.s32 s10, $0x1;
	s10 =	sld [smem:$0x3FB1];
	_ =	sdelay $0x3  }
0x37: {  	[smem:$0x3FB1] =	sst s10  }
0x38: {  	s10 =	sld [smem:$0x3FB2]  }
0x39: {  	_ = 	snop;
	(pc) =	sbr.ind lr, $3  }
0x3a: {  	_ = 	snop  }
0x3b: {  	_ = 	snop  }
0x3c: {  	p2 =	seq.s32 s10, $0x1;
	s10 =	sld [smem:$0x3FB1]  }
0x3d: {  	_ =	shalt  }
0x3e: {  	_ =	shalt  }
0x3f: {  	_ =	shalt  }
0x40: {  	_ =	shalt  }
0x41: {  	_ =	shalt  }
0x42: {  	_ =	shalt  }
0x43: {  	_ =	shalt  }
0x44: {  	_ =	shalt  }
0x45: {  	_ =	shalt  }
0x46: {  	_ =	shalt  }
0x47: {  	_ =	shalt  }
0x48: {  	_ =	shalt  }
0x49: {  	_ =	shalt  }
0x4a: {  	_ =	shalt  }
0x4b: {  	_ =	shalt  }
0x4c: {  	_ =	shalt  }
0x4d: {  	_ =	shalt  }
0x4e: {  	_ =	shalt  }
0x4f: {  	_ =	shalt  }
0x50: {  	_ =	shalt  }
0x51: {  	_ =	shalt  }
0x52: {  	_ =	shalt  }
0x53: {  	_ =	shalt  }
0x54: {  	_ =	shalt  }
0x55: {  	_ =	shalt  }
0x56: {  	_ =	shalt  }
0x57: {  	_ =	shalt  }
0x58: {  	_ =	shalt  }
0x59: {  	_ =	shalt  }
0x5a: {  	_ =	shalt  }
0x5b: {  	_ =	shalt  }
0x5c: {  	_ =	shalt  }
0x5d: {  	_ =	shalt  }
0x5e: {  	_ =	shalt  }
0x5f: {  	_ =	shalt  }
0x60: {  	_ =	shalt  }
0x61: {  	_ =	shalt  }
0x62: {  	_ =	shalt  }
0x63: {  	_ =	shalt  }
0x64: {  	_ =	shalt  }
0x65: {  	_ =	shalt  }
0x66: {  	_ =	shalt  }
0x67: {  	_ =	shalt  }
0x68: {  	_ =	shalt  }
0x69: {  	_ =	shalt  }
0x6a: {  	_ =	shalt  }
0x6b: {  	_ =	shalt  }
0x6c: {  	_ =	shalt  }
0x6d: {  	_ =	shalt  }
0x6e: {  	_ =	shalt  }
0x6f: {  	_ =	shalt  }
0x70: {  	_ =	shalt  }
0x71: {  	_ =	shalt  }
0x72: {  	_ =	shalt  }
0x73: {  	_ =	shalt  }
0x74: {  	_ =	shalt  }
0x75: {  	_ =	shalt  }
0x76: {  	_ =	shalt  }
0x77: {  	_ =	shalt  }
0x78: {  	_ =	shalt  }
0x79: {  	_ =	shalt  }
0x7a: {  	_ =	shalt  }
0x7b: {  	_ =	shalt  }
0x7c: {  	_ =	shalt  }
0x7d: {  	_ =	shalt  }
0x7e: {  	_ =	shalt  }
0x7f: {  	_ =	shalt  }
0x80: {  	_ =	shalt  }
0x81: {  	_ =	shalt  }
0x82: {  	_ =	shalt  }
0x83: {  	_ =	shalt  }
0x84: {  	_ =	shalt  }
0x85: {  	_ =	shalt  }
0x86: {  	_ =	shalt  }
0x87: {  	_ =	shalt  }
.Lfunc_end0:
.L_simem_size_0:
called_computation_lowered:
.L_overlay_start_0:
0x88: {  	s2 =	sld [smem:$0x3FD9]  }
0x89: {  	s3 =	sld [smem:$0x3FFE];
	_ =	sdelay $0x1  }
0x8a: {  	s1 =	srdreg.scid  }
0x8b: {  	s0 =	sand.u32 $0x1, s1  }
0x8c: {  	s15 =	sshll.u32 s0, $0xA;
	s2 =	sadd.s32 s3, s2  }
0x8d: {  	s2 =	sadd.s32 s2, s15  }
0x8e: {  	[smem:$0x3FBD] =	sst s2  }
0x8f: {  	_ = 	snop  }
0x90: {  	s2 =	sld [smem:$0x3FD0];
	_ =	sdelay $0x2  }
0x91: {  	s16 =	simm.s32 $0xB;
	s4 =	simm.s32 $0x10  }
0x92: {  	[smem:s4], [sflag:s16] =	dma.local [hbm:s2], $0x1  }
0x93: {  	_ =	swait.eq [sflag:s16], $0x1  }
0x94: {  	[sflag:s16] =	ssyncset.done $0x0  }
0x95: {  	[sflag:s16] =	ssyncadd.s32 $0xFFFFFFFF  }
0x96: {  	s17 =	sld [smem:$0x11];
	(tm) =	ssettm $0x1  }
0x97: {  	s18 =	sld [smem:$0x3FFB];
	_ =	sdelay $0x3  }
0x98: {  	_ =	strace s18  }
0x99: {  	s2 =	sld [smem:$0x3FFC];
	_ =	sdelay $0x3  }
0x9a: {  	_ =	strace s2  }
0x9b: {  	s2 =	sld [smem:$0x3FFD];
	_ =	sdelay $0x3  }
0x9c: {  	_ =	strace s2  }
0x9d: {  	_ =	strace $0x8FFFFFFF  }
0x9e: {  	s19 =	sld [smem:$0x3FDB];
	_ =	sdelay $0x1  }
0x9f: {  	s20 =	simm.s32 $_scs_section_size  }
0xa0: {  	s5 =	simm.s32 $_size__tile_overlayer_lowered;
	s6 =	simm.s32 $_tile_overlayer_lowered  }
0xa1: {  	s7 =	simm.s32 $0x1BFF;
	s21 =	sshll.u32 s6, $0x1;
	s4 =	sadd.s32 s20, s19  }
0xa2: {  	s22 =	simm.s32 $0x0;
	s5 =	sshll.u32 s5, $0x1;
	s6 =	sadd.s32 s21, s4  }
0xa3: {  	[timem:s22], [sflag:s7] =	dma.local [hbm:s6], s5  }
0xa4: {  	_ =	swait.ge [sflag:s7], s5  }
0xa5: {  	s5 =	ssub.s32 $0x0, s5;
	[sflag:s7] =	ssyncset.done $0x0  }
0xa6: {  	[sflag:s7] =	ssyncadd.s32 s5;
	_ =	sdelay $0x1  }
0xa7: {  	s23 =	simm.s32 $0x1B8B  }
0xa8: {  	_ =	swait.ge [sflag:s23], $0x1  }
0xa9: {  	[sflag:s23] =	ssyncset.done $0x0  }
0xaa: {  	[sflag:s23] =	ssyncadd.s32 $0xFFFFFFFF  }
0xab: {  	s5 =	sld [smem:$0x0]  }
0xac: {  	s6 =	sand.u32 $0xFFFFFFFE, s1  }
0xad: {  	p0 =	sne.s32 s1, s6  }
0xae: {  	s6 =	sshll.u32 @p0 s6, $0xE  }
0xaf: {  	s6 =	sadd.s32 @p0 $0x11B8D, s6;
	s7 =	sshll.u32 @p0 s5, $0x11  }
0xb0: {  	s6 =	sor.u32 @p0 s7, s6  }
0xb1: {  	[sflag:s6] =	ssyncadd.remote.s32 @p0 $0x1;
	_ =	sdelay $0x1  }
0xb2: {  	s6 =	simm.s32 @p0 $0x1B8D  }
0xb3: {  	_ =	swait.eq @p0 [sflag:s6], $0x1  }
0xb4: {  	[sflag:s6] =	ssyncadd.s32 @p0 $0xFFFFFFFF  }
0xb5: {  	s7 =	sshll.u32 @!p0 s1, $0xE  }
0xb6: {  	s7 =	sor.u32 @!p0 $0x4000, s7;
	s6 =	simm.s32 @!p0 $0x1B8D  }
0xb7: {  	s5 =	sshll.u32 @!p0 s5, $0x11;
	s7 =	sadd.s32 @!p0 $0x11B8D, s7;
	_ =	swait.eq @!p0 [sflag:s6], $0x1  }
0xb8: {  	s5 =	sor.u32 @!p0 s5, s7;
	[sflag:s6] =	ssyncadd.s32 @!p0 $0xFFFFFFFF  }
0xb9: {  	s25 =	simm.s32 $0x1B8E;
	s24 =	sld [smem:$0x3FFE];
	[sflag:s5] =	ssyncadd.remote.s32 @!p0 $0x1  }
0xba: {  	s26 =	simm.s32 $execute0_lowered;
	[smem:$0x3FD2] =	sst s25  }
0xbb: {  	s6 =	sshll.u32 s26, $0x1;
	_ =	strace $0x80000049;
	[dreg:$0x1] =	wrdreg $0xFFFFFFFF  }
0xbc: {  	s28 =	simm.s32 $_size_execute0_lowered;
	s4 =	sadd.s32 s4, s6;
	[dreg:$0x0] =	wrdreg $0x0  }
0xbd: {  	s6 =	sshll.u32 s28, $0x1;
	[dreg:$0x2] =	wrdreg s4  }
0xbe: {  	[dreg:$0x3] =	wrdreg s6  }
0xbf: {  	[dreg:$0x4] =	wrdreg $0xC0  }
0xc0: {  	_ =	task [dreg:s22], $0x5FFFF  }
0xc1: {  	[dreg:$0x1] =	wrdreg $0xFFFFFFFF  }
0xc2: {  	[dreg:$0x0] =	wrdreg $0x60  }
0xc3: {  	[dreg:$0x2] =	wrdreg s24  }
0xc4: {  	[dreg:$0x3] =	wrdreg s17  }
0xc5: {  	[dreg:$0x4] =	wrdreg $0x0  }
0xc6: {  	[dreg:$0x5] =	wrdreg $0x9  }
0xc7: {  	_ =	task.clear_ibuf [dreg:s22], $0x6FFFF;
	_ =	strace $0x90000049  }
0xc8: {  	s29 =	simm.s32 $0x9;
	_ =	strace $0x8000004B  }
0xc9: {  	_ =	swait.ge [sflag:s29], $0x1  }
0xca: {  	[sflag:s29] =	ssyncadd.s32 $0xFFFFFFFF  }
0xcb: {  	_ =	strace $0x9000004B  }
0xcc: {  	_ =	sfence  }
0xcd: {  	s30 =	sld [smem:$0x0];
	_ =	sdelay $0x2  }
0xce: {  	s31 =	sshll.u32 s1, $0xD;
	s1 =	sshrl.u32 s1, $0x2  }
0xcf: {  	s4 =	sand.u32 $0x4000, s31;
	s1 =	sadd.s32 s1, s30  }
0xd0: {  	s0 =	sor.u32 s4, s0;
	s1 =	sshll.u32 s1, $0x11  }
0xd1: {  	s0 =	sor.u32 s1, s0  }
0xd2: {  	s0 =	sadd.s32 $0x8F2B, s0  }
0xd3: {  	[sflag:s0] =	ssyncadd.remote.s32 $0x1  }
0xd4: {  	_ =	sfence.sel $0xFFFF  }
0xd5: {  	[dreg:$0x0] =	wrdreg $0xFFFFFFFF;
	(pc) =	sbr.abs _section_cstart, $3  }
0xd6: {  	[dreg:$0x1] =	wrdreg $0xFFFFFFFF  }
0xd7: {  	_ =	task.clear_ibuf [dreg:s22], $0x2FFFF;
	_ =	strace $0x9FFFFFFF  }
0xd8: {  	(tm) =	ssettm $0x7FFFFFFF  }
0xd9: {  	_ =	shalt  }
tec
execute0_lowered:
.L_overlay_start_1:
0x0: {  	(tag) =	ssettag $0x1  }
0x1: {  	s5 =	rddreg [dreg:$0x0]  }
0x2: {  	s0 =	srdreg.scid;
	s7 =	rddreg [dreg:$0x1]  }
0x3: {  	s2 =	rddreg [dreg:$0x2];
	s1 =	stileid.u32  }
0x4: {  	s3 =	simm.s32 $0x0;
	s13 =	simm.s32 $0x16800;
	s14 =	simm.s32 $0x7D  }
0x5: {  	s15 =	simm.s32 $0x1;
	s4 =	sand.u32 $0x1, s0;
	s0 =	rddreg [dreg:$0x3]  }
0x6: {  	s16 =	simm.s32 $0x0;
	[smem:$0x7FF] =	sst s3;
	s10 =	smul.u32 $0x14000, s1  }
0x7: {  	s12 =	smul.u32 $0x50000, s1;
	s31 =	sshll.u32 s1, $0x6;
	s6 =	sshll.u32 s4, $0x4  }
0x8: {  	_ =	strace $0x8000004A;
	s8 =	smul.u32 $0x140000, s4;
	s9 =	ssub.s32 $0x2, s4  }
0x9: {  	s4 =	sadd.s32 $0x3E000, s5;
	s6 =	sor.u32 s1, s6;
	s11 =	sshrl.u32 s9, $0x1  }
0xa: {  	s30 =	sshrl.u32 s12, $0x2;
	s6 =	smul.u32 $0x500, s6;
	s9 =	ssub.s32 s9, s11  }
0xb: {  	s8 =	sadd.s32 s10, s8;
	s12 =	sadd.s32 s30, s2;
	s10 =	simm.s32 $0x2  }
0xc: {  	s11 =	sor.u32 $0x1C02, s31;
	s8 =	sshrl.u32 s8, $0x3;
	s12 =	sshrl.u32 s12, $0x3  }
0xd: {  	s6 =	sadd.s32 s6, s5;
	s5 =	sadd.s32 $0x90800, s5;
	s7 =	sadd.s32 s7, s8  }
0xe: {  	s8 =	smax.u32 s9, $0x1;
	s9 =	simm.s32 $0x14000;
	s6 =	sadd.s32 $0x2E00, s6  }
.LBB2_1:
0xf: {  	[tilespmem:s9], [sflag:$0x2] =	stream.linear.gather [hbm4b:s6+s3], $0x2800, $0x38;
	[tilespmem:$0x1A800] =	vst v63  }
0x10: {  	_ =	swait.ge [sflag:s10], $0x2800  }
0x11: {  	[sflag:s10] =	ssyncset.done $0x0  }
0x12: {  	[sflag:s10] =	ssyncadd.s32 $0xFFFFD800  }
0x13: {  	[spmem:s12], [sflag:s11] =	dma.local [hbm:s4], $0x2800  }
0x14: {  	_ =	swait.ge [sflag:s10], $0x2800  }
0x15: {  	[sflag:s10] =	ssyncset.done $0x0  }
0x16: {  	[sflag:s10] =	ssyncadd.s32 $0xFFFFD800  }
0x17: {  	[tilespmem:s13], [sflag:$0x2] =	stream.linear.gather [hbm4b:s5+s3], $0x3E80, $0x38;
	[tilespmem:$0x1A800] =	vst v63  }
0x18: {  	_ =	swait.ge [sflag:s10], $0x3E80  }
0x19: {  	[sflag:s10] =	ssyncset.done $0x0  }
0x1a: {  	[sflag:s10] =	ssyncadd.s32 $0xFFFFC180  }
0x1b: {  	s17 =	simm.s32 $0x14000;
	[bflag:$0x0] =	sbarrier.arrive $0xFFFF  }
0x1c: {  	[spmem:s2] =	stream.indirect.scatter.add.f32 [tilespmem:s13], [sflag:$0x1], $0x80, s17, s14, $0xb8;
	[tilespmem:$0x1A800] =	vst v63  }
0x1d: {  	s30 =	simm.s32 $0x14080  }
0x1e: {  	[spmem:s2] =	stream.indirect.scatter.add.f32 [tilespmem:s13], [sflag:$0x1], $0x80, s30, s14, $0xb8;
	[tilespmem:$0x1A800] =	vst v63  }
0x1f: {  	s31 =	simm.s32 $0x14100  }
0x20: {  	[spmem:s2] =	stream.indirect.scatter.add.f32 [tilespmem:s13], [sflag:$0x1], $0x80, s31, s14, $0xb8;
	[tilespmem:$0x1A800] =	vst v63  }
0x21: {  	s18 =	simm.s32 $0x14180  }
0x22: {  	[spmem:s2] =	stream.indirect.scatter.add.f32 [tilespmem:s13], [sflag:$0x1], $0x80, s18, s14, $0xb8;
	[tilespmem:$0x1A800] =	vst v63  }
0x23: {  	s19 =	simm.s32 $0x14200  }
0x24: {  	[spmem:s2] =	stream.indirect.scatter.add.f32 [tilespmem:s13], [sflag:$0x1], $0x80, s19, s14, $0xb8;
	[tilespmem:$0x1A800] =	vst v63  }
0x25: {  	s20 =	simm.s32 $0x14280  }
0x26: {  	[spmem:s2] =	stream.indirect.scatter.add.f32 [tilespmem:s13], [sflag:$0x1], $0x80, s20, s14, $0xb8;
	[tilespmem:$0x1A800] =	vst v63  }
0x27: {  	s21 =	simm.s32 $0x14300  }
0x28: {  	[spmem:s2] =	stream.indirect.scatter.add.f32 [tilespmem:s13], [sflag:$0x1], $0x80, s21, s14, $0xb8;
	[tilespmem:$0x1A800] =	vst v63  }
0x29: {  	s22 =	simm.s32 $0x14380  }
0x2a: {  	[spmem:s2] =	stream.indirect.scatter.add.f32 [tilespmem:s13], [sflag:$0x1], $0x80, s22, s14, $0xb8;
	[tilespmem:$0x1A800] =	vst v63  }
0x2b: {  	s23 =	simm.s32 $0x14400  }
0x2c: {  	[spmem:s2] =	stream.indirect.scatter.add.f32 [tilespmem:s13], [sflag:$0x1], $0x80, s23, s14, $0xb8;
	[tilespmem:$0x1A800] =	vst v63  }
0x2d: {  	s24 =	simm.s32 $0x14480  }
0x2e: {  	[spmem:s2] =	stream.indirect.scatter.add.f32 [tilespmem:s13], [sflag:$0x1], $0x80, s24, s14, $0xb8;
	[tilespmem:$0x1A800] =	vst v63  }
0x2f: {  	s25 =	simm.s32 $0x14500  }
0x30: {  	[spmem:s2] =	stream.indirect.scatter.add.f32 [tilespmem:s13], [sflag:$0x1], $0x80, s25, s14, $0xb8;
	[tilespmem:$0x1A800] =	vst v63  }
0x31: {  	s26 =	simm.s32 $0x14580  }
0x32: {  	[spmem:s2] =	stream.indirect.scatter.add.f32 [tilespmem:s13], [sflag:$0x1], $0x80, s26, s14, $0xb8;
	[tilespmem:$0x1A800] =	vst v63  }
0x33: {  	s28 =	simm.s32 $0x14600  }
0x34: {  	[spmem:s2] =	stream.indirect.scatter.add.f32 [tilespmem:s13], [sflag:$0x1], $0x80, s28, s14, $0xb8;
	[tilespmem:$0x1A800] =	vst v63  }
0x35: {  	s29 =	simm.s32 $0x14680  }
0x36: {  	[spmem:s2] =	stream.indirect.scatter.add.f32 [tilespmem:s13], [sflag:$0x1], $0x80, s29, s14, $0xb8;
	[tilespmem:$0x1A800] =	vst v63  }
0x37: {  	s30 =	simm.s32 $0x14700  }
0x38: {  	[spmem:s2] =	stream.indirect.scatter.add.f32 [tilespmem:s13], [sflag:$0x1], $0x80, s30, s14, $0xb8;
	[tilespmem:$0x1A800] =	vst v63  }
0x39: {  	s31 =	simm.s32 $0x14780  }
0x3a: {  	[spmem:s2] =	stream.indirect.scatter.add.f32 [tilespmem:s13], [sflag:$0x1], $0x80, s31, s14, $0xb8;
	[tilespmem:$0x1A800] =	vst v63  }
0x3b: {  	_ =	swait.ge [sflag:s15], $0x3E80  }
0x3c: {  	[sflag:s15] =	ssyncset.done $0x0  }
0x3d: {  	[sflag:s15] =	ssyncadd.s32 $0xFFFFC180  }
0x3e: {  	_ =	swait.ge [sflag:s15], $0x3E80  }
0x3f: {  	[sflag:s15] =	ssyncset.done $0x0  }
0x40: {  	[sflag:s15] =	ssyncadd.s32 $0xFFFFC180  }
0x41: {  	_ =	swait.ge [sflag:s15], $0x3E80  }
0x42: {  	[sflag:s15] =	ssyncset.done $0x0  }
0x43: {  	[sflag:s15] =	ssyncadd.s32 $0xFFFFC180  }
0x44: {  	_ =	swait.ge [sflag:s15], $0x3E80  }
0x45: {  	[sflag:s15] =	ssyncset.done $0x0  }
0x46: {  	[sflag:s15] =	ssyncadd.s32 $0xFFFFC180  }
0x47: {  	_ =	swait.ge [sflag:s15], $0x3E80  }
0x48: {  	[sflag:s15] =	ssyncset.done $0x0  }
0x49: {  	[sflag:s15] =	ssyncadd.s32 $0xFFFFC180  }
0x4a: {  	_ =	swait.ge [sflag:s15], $0x3E80  }
0x4b: {  	[sflag:s15] =	ssyncset.done $0x0  }
0x4c: {  	[sflag:s15] =	ssyncadd.s32 $0xFFFFC180  }
0x4d: {  	_ =	swait.ge [sflag:s15], $0x3E80  }
0x4e: {  	[sflag:s15] =	ssyncset.done $0x0  }
0x4f: {  	[sflag:s15] =	ssyncadd.s32 $0xFFFFC180  }
0x50: {  	_ =	swait.ge [sflag:s15], $0x3E80  }
0x51: {  	[sflag:s15] =	ssyncset.done $0x0  }
0x52: {  	[sflag:s15] =	ssyncadd.s32 $0xFFFFC180  }
0x53: {  	_ =	swait.ge [sflag:s15], $0x3E80  }
0x54: {  	[sflag:s15] =	ssyncset.done $0x0  }
0x55: {  	[sflag:s15] =	ssyncadd.s32 $0xFFFFC180  }
0x56: {  	_ =	swait.ge [sflag:s15], $0x3E80  }
0x57: {  	[sflag:s15] =	ssyncset.done $0x0  }
0x58: {  	[sflag:s15] =	ssyncadd.s32 $0xFFFFC180  }
0x59: {  	_ =	swait.ge [sflag:s15], $0x3E80  }
0x5a: {  	[sflag:s15] =	ssyncset.done $0x0  }
0x5b: {  	[sflag:s15] =	ssyncadd.s32 $0xFFFFC180  }
0x5c: {  	_ =	swait.ge [sflag:s15], $0x3E80  }
0x5d: {  	[sflag:s15] =	ssyncset.done $0x0  }
0x5e: {  	[sflag:s15] =	ssyncadd.s32 $0xFFFFC180  }
0x5f: {  	_ =	swait.ge [sflag:s15], $0x3E80  }
0x60: {  	[sflag:s15] =	ssyncset.done $0x0  }
0x61: {  	[sflag:s15] =	ssyncadd.s32 $0xFFFFC180  }
0x62: {  	_ =	swait.ge [sflag:s15], $0x3E80  }
0x63: {  	[sflag:s15] =	ssyncset.done $0x0  }
0x64: {  	[sflag:s15] =	ssyncadd.s32 $0xFFFFC180  }
0x65: {  	_ =	swait.ge [sflag:s15], $0x3E80  }
0x66: {  	[sflag:s15] =	ssyncset.done $0x0  }
0x67: {  	[sflag:s15] =	ssyncadd.s32 $0xFFFFC180  }
0x68: {  	_ =	swait.ge [sflag:s15], $0x3E80  }
0x69: {  	s19 =	simm.s32 $0x800;
	s20 =	simm.s32 $0x4000;
	[sflag:s15] =	ssyncset.done $0x0  }
.LBB2_2:
0x6a: {  	s21 =	sadd.s32 $0x14000, s19  }
0x6b: {  	[sflag:s15] =	ssyncadd.s32 $0xFFFFC180;
	s18 =	smov.u32 s20;
	s17 =	sadd.s32 $0x2000, s20  }
0x6c: {  	[spmem:s2] =	stream.indirect.scatter.add.f32 [tilespmem:s13], [sflag:$0x1], $0x80, s21, s14, $0xb8;
	[tilespmem:$0x1A800] =	vst v63  }
0x6d: {  	p0 =	sne.s32 s20, $0x8000;
	s20 =	sadd.s32 $0x14080, s19  }
0x6e: {  	[spmem:s2] =	stream.indirect.scatter.add.f32 [tilespmem:s13], [sflag:$0x1], $0x80, s20, s14, $0xb8;
	[tilespmem:$0x1A800] =	vst v63  }
0x6f: {  	s20 =	sadd.s32 $0x14100, s19  }
0x70: {  	[spmem:s2] =	stream.indirect.scatter.add.f32 [tilespmem:s13], [sflag:$0x1], $0x80, s20, s14, $0xb8;
	[tilespmem:$0x1A800] =	vst v63  }
0x71: {  	s20 =	sadd.s32 $0x14180, s19  }
0x72: {  	[spmem:s2] =	stream.indirect.scatter.add.f32 [tilespmem:s13], [sflag:$0x1], $0x80, s20, s14, $0xb8;
	[tilespmem:$0x1A800] =	vst v63  }
0x73: {  	s20 =	sadd.s32 $0x14200, s19  }
0x74: {  	[spmem:s2] =	stream.indirect.scatter.add.f32 [tilespmem:s13], [sflag:$0x1], $0x80, s20, s14, $0xb8;
	[tilespmem:$0x1A800] =	vst v63  }
0x75: {  	s20 =	sadd.s32 $0x14280, s19  }
0x76: {  	[spmem:s2] =	stream.indirect.scatter.add.f32 [tilespmem:s13], [sflag:$0x1], $0x80, s20, s14, $0xb8;
	[tilespmem:$0x1A800] =	vst v63  }
0x77: {  	s20 =	sadd.s32 $0x14300, s19  }
0x78: {  	[spmem:s2] =	stream.indirect.scatter.add.f32 [tilespmem:s13], [sflag:$0x1], $0x80, s20, s14, $0xb8;
	[tilespmem:$0x1A800] =	vst v63  }
0x79: {  	s20 =	sadd.s32 $0x14380, s19  }
0x7a: {  	[spmem:s2] =	stream.indirect.scatter.add.f32 [tilespmem:s13], [sflag:$0x1], $0x80, s20, s14, $0xb8;
	[tilespmem:$0x1A800] =	vst v63  }
0x7b: {  	s20 =	sadd.s32 $0x14400, s19  }
0x7c: {  	[spmem:s2] =	stream.indirect.scatter.add.f32 [tilespmem:s13], [sflag:$0x1], $0x80, s20, s14, $0xb8;
	[tilespmem:$0x1A800] =	vst v63  }
0x7d: {  	s20 =	sadd.s32 $0x14480, s19  }
0x7e: {  	[spmem:s2] =	stream.indirect.scatter.add.f32 [tilespmem:s13], [sflag:$0x1], $0x80, s20, s14, $0xb8;
	[tilespmem:$0x1A800] =	vst v63  }
0x7f: {  	s20 =	sadd.s32 $0x14500, s19  }
0x80: {  	[spmem:s2] =	stream.indirect.scatter.add.f32 [tilespmem:s13], [sflag:$0x1], $0x80, s20, s14, $0xb8;
	[tilespmem:$0x1A800] =	vst v63  }
0x81: {  	s20 =	sadd.s32 $0x14580, s19  }
0x82: {  	[spmem:s2] =	stream.indirect.scatter.add.f32 [tilespmem:s13], [sflag:$0x1], $0x80, s20, s14, $0xb8;
	[tilespmem:$0x1A800] =	vst v63  }
0x83: {  	s20 =	sadd.s32 $0x14600, s19  }
0x84: {  	[spmem:s2] =	stream.indirect.scatter.add.f32 [tilespmem:s13], [sflag:$0x1], $0x80, s20, s14, $0xb8;
	[tilespmem:$0x1A800] =	vst v63  }
0x85: {  	s20 =	sadd.s32 $0x14680, s19  }
0x86: {  	[spmem:s2] =	stream.indirect.scatter.add.f32 [tilespmem:s13], [sflag:$0x1], $0x80, s20, s14, $0xb8;
	[tilespmem:$0x1A800] =	vst v63  }
0x87: {  	s20 =	sadd.s32 $0x14700, s19  }
0x88: {  	[spmem:s2] =	stream.indirect.scatter.add.f32 [tilespmem:s13], [sflag:$0x1], $0x80, s20, s14, $0xb8;
	[tilespmem:$0x1A800] =	vst v63  }
0x89: {  	s19 =	sadd.s32 $0x14780, s19  }
0x8a: {  	[spmem:s2] =	stream.indirect.scatter.add.f32 [tilespmem:s13], [sflag:$0x1], $0x80, s19, s14, $0xb8;
	[tilespmem:$0x1A800] =	vst v63  }
0x8b: {  	_ =	swait.ge [sflag:s15], $0x3E80  }
0x8c: {  	[sflag:s15] =	ssyncset.done $0x0  }
0x8d: {  	[sflag:s15] =	ssyncadd.s32 $0xFFFFC180  }
0x8e: {  	_ =	swait.ge [sflag:s15], $0x3E80  }
0x8f: {  	[sflag:s15] =	ssyncset.done $0x0  }
0x90: {  	[sflag:s15] =	ssyncadd.s32 $0xFFFFC180  }
0x91: {  	_ =	swait.ge [sflag:s15], $0x3E80  }
0x92: {  	[sflag:s15] =	ssyncset.done $0x0  }
0x93: {  	[sflag:s15] =	ssyncadd.s32 $0xFFFFC180  }
0x94: {  	_ =	swait.ge [sflag:s15], $0x3E80  }
0x95: {  	[sflag:s15] =	ssyncset.done $0x0  }
0x96: {  	[sflag:s15] =	ssyncadd.s32 $0xFFFFC180  }
0x97: {  	_ =	swait.ge [sflag:s15], $0x3E80  }
0x98: {  	[sflag:s15] =	ssyncset.done $0x0  }
0x99: {  	[sflag:s15] =	ssyncadd.s32 $0xFFFFC180  }
0x9a: {  	_ =	swait.ge [sflag:s15], $0x3E80  }
0x9b: {  	[sflag:s15] =	ssyncset.done $0x0  }
0x9c: {  	[sflag:s15] =	ssyncadd.s32 $0xFFFFC180  }
0x9d: {  	_ =	swait.ge [sflag:s15], $0x3E80  }
0x9e: {  	[sflag:s15] =	ssyncset.done $0x0  }
0x9f: {  	[sflag:s15] =	ssyncadd.s32 $0xFFFFC180  }
0xa0: {  	_ =	swait.ge [sflag:s15], $0x3E80  }
0xa1: {  	[sflag:s15] =	ssyncset.done $0x0  }
0xa2: {  	[sflag:s15] =	ssyncadd.s32 $0xFFFFC180  }
0xa3: {  	_ =	swait.ge [sflag:s15], $0x3E80  }
0xa4: {  	[sflag:s15] =	ssyncset.done $0x0  }
0xa5: {  	[sflag:s15] =	ssyncadd.s32 $0xFFFFC180  }
0xa6: {  	_ =	swait.ge [sflag:s15], $0x3E80  }
0xa7: {  	[sflag:s15] =	ssyncset.done $0x0  }
0xa8: {  	[sflag:s15] =	ssyncadd.s32 $0xFFFFC180  }
0xa9: {  	_ =	swait.ge [sflag:s15], $0x3E80  }
0xaa: {  	[sflag:s15] =	ssyncset.done $0x0  }
0xab: {  	[sflag:s15] =	ssyncadd.s32 $0xFFFFC180  }
0xac: {  	_ =	swait.ge [sflag:s15], $0x3E80  }
0xad: {  	[sflag:s15] =	ssyncset.done $0x0  }
0xae: {  	[sflag:s15] =	ssyncadd.s32 $0xFFFFC180  }
0xaf: {  	_ =	swait.ge [sflag:s15], $0x3E80  }
0xb0: {  	[sflag:s15] =	ssyncset.done $0x0  }
0xb1: {  	[sflag:s15] =	ssyncadd.s32 $0xFFFFC180  }
0xb2: {  	_ =	swait.ge [sflag:s15], $0x3E80  }
0xb3: {  	[sflag:s15] =	ssyncset.done $0x0  }
0xb4: {  	[sflag:s15] =	ssyncadd.s32 $0xFFFFC180  }
.Ltmp0:
0xb5: {  	_ =	swait.ge [sflag:s15], $0x3E80;
	(pc) =	sbr.rel @p0 .LBB2_2-.Ltmp0, $4  }
0xb6: {  	[sflag:s15] =	ssyncset.done $0x0  }
0xb7: {  	[sflag:s15] =	ssyncadd.s32 $0xFFFFC180  }
0xb8: {  	_ =	swait.ge [sflag:s15], $0x3E80  }
0xb9: {  	s20 =	smov.u32 s17;
	s19 =	sshra.s32 s18, $0x2;
	[sflag:s15] =	ssyncset.done $0x0  }
0xba: {  	s17 =	sadd.s32 $0x14000, s19;
	[sflag:s15] =	ssyncadd.s32 $0xFFFFC180  }
0xbb: {  	[spmem:s2] =	stream.indirect.scatter.add.f32 [tilespmem:s13], [sflag:$0x1], $0x80, s17, s14, $0xb8;
	[tilespmem:$0x1A800] =	vst v63  }
0xbc: {  	s29 =	sadd.s32 $0x14080, s19  }
0xbd: {  	[spmem:s2] =	stream.indirect.scatter.add.f32 [tilespmem:s13], [sflag:$0x1], $0x80, s29, s14, $0xb8;
	[tilespmem:$0x1A800] =	vst v63  }
0xbe: {  	s30 =	sadd.s32 $0x14100, s19  }
0xbf: {  	[spmem:s2] =	stream.indirect.scatter.add.f32 [tilespmem:s13], [sflag:$0x1], $0x80, s30, s14, $0xb8;
	[tilespmem:$0x1A800] =	vst v63  }
0xc0: {  	s31 =	sadd.s32 $0x14180, s19  }
0xc1: {  	[spmem:s2] =	stream.indirect.scatter.add.f32 [tilespmem:s13], [sflag:$0x1], $0x80, s31, s14, $0xb8;
	[tilespmem:$0x1A800] =	vst v63  }
0xc2: {  	s18 =	sadd.s32 $0x14200, s19  }
0xc3: {  	[spmem:s2] =	stream.indirect.scatter.add.f32 [tilespmem:s13], [sflag:$0x1], $0x80, s18, s14, $0xb8;
	[tilespmem:$0x1A800] =	vst v63  }
0xc4: {  	s20 =	sadd.s32 $0x14280, s19  }
0xc5: {  	[spmem:s2] =	stream.indirect.scatter.add.f32 [tilespmem:s13], [sflag:$0x1], $0x80, s20, s14, $0xb8;
	[tilespmem:$0x1A800] =	vst v63  }
0xc6: {  	s21 =	sadd.s32 $0x14300, s19  }
0xc7: {  	[spmem:s2] =	stream.indirect.scatter.add.f32 [tilespmem:s13], [sflag:$0x1], $0x80, s21, s14, $0xb8;
	[tilespmem:$0x1A800] =	vst v63  }
0xc8: {  	s22 =	sadd.s32 $0x14380, s19  }
0xc9: {  	[spmem:s2] =	stream.indirect.scatter.add.f32 [tilespmem:s13], [sflag:$0x1], $0x80, s22, s14, $0xb8;
	[tilespmem:$0x1A800] =	vst v63  }
0xca: {  	s23 =	sadd.s32 $0x14400, s19  }
0xcb: {  	[spmem:s2] =	stream.indirect.scatter.add.f32 [tilespmem:s13], [sflag:$0x1], $0x80, s23, s14, $0xb8;
	[tilespmem:$0x1A800] =	vst v63  }
0xcc: {  	s24 =	sadd.s32 $0x14480, s19  }
0xcd: {  	[spmem:s2] =	stream.indirect.scatter.add.f32 [tilespmem:s13], [sflag:$0x1], $0x80, s24, s14, $0xb8;
	[tilespmem:$0x1A800] =	vst v63  }
0xce: {  	s25 =	sadd.s32 $0x14500, s19  }
0xcf: {  	[spmem:s2] =	stream.indirect.scatter.add.f32 [tilespmem:s13], [sflag:$0x1], $0x80, s25, s14, $0xb8;
	[tilespmem:$0x1A800] =	vst v63  }
0xd0: {  	s26 =	sadd.s32 $0x14580, s19  }
0xd1: {  	[spmem:s2] =	stream.indirect.scatter.add.f32 [tilespmem:s13], [sflag:$0x1], $0x80, s26, s14, $0xb8;
	[tilespmem:$0x1A800] =	vst v63  }
0xd2: {  	s28 =	sadd.s32 $0x14600, s19  }
0xd3: {  	[spmem:s2] =	stream.indirect.scatter.add.f32 [tilespmem:s13], [sflag:$0x1], $0x80, s28, s14, $0xb8;
	[tilespmem:$0x1A800] =	vst v63  }
0xd4: {  	s29 =	sadd.s32 $0x14680, s19  }
0xd5: {  	[spmem:s2] =	stream.indirect.scatter.add.f32 [tilespmem:s13], [sflag:$0x1], $0x80, s29, s14, $0xb8;
	[tilespmem:$0x1A800] =	vst v63  }
0xd6: {  	s30 =	sadd.s32 $0x14700, s19  }
0xd7: {  	[spmem:s2] =	stream.indirect.scatter.add.f32 [tilespmem:s13], [sflag:$0x1], $0x80, s30, s14, $0xb8;
	[tilespmem:$0x1A800] =	vst v63  }
0xd8: {  	s31 =	sadd.s32 $0x14780, s19  }
0xd9: {  	[spmem:s2] =	stream.indirect.scatter.add.f32 [tilespmem:s13], [sflag:$0x1], $0x80, s31, s14, $0xb8;
	[tilespmem:$0x1A800] =	vst v63  }
0xda: {  	_ =	swait.ge [sflag:s15], $0x3E80  }
0xdb: {  	[sflag:s15] =	ssyncset.done $0x0  }
0xdc: {  	[sflag:s15] =	ssyncadd.s32 $0xFFFFC180  }
0xdd: {  	_ =	swait.ge [sflag:s15], $0x3E80  }
0xde: {  	[sflag:s15] =	ssyncset.done $0x0  }
0xdf: {  	[sflag:s15] =	ssyncadd.s32 $0xFFFFC180  }
0xe0: {  	_ =	swait.ge [sflag:s15], $0x3E80  }
0xe1: {  	[sflag:s15] =	ssyncset.done $0x0  }
0xe2: {  	[sflag:s15] =	ssyncadd.s32 $0xFFFFC180  }
0xe3: {  	_ =	swait.ge [sflag:s15], $0x3E80  }
0xe4: {  	[sflag:s15] =	ssyncset.done $0x0  }
0xe5: {  	[sflag:s15] =	ssyncadd.s32 $0xFFFFC180  }
0xe6: {  	_ =	swait.ge [sflag:s15], $0x3E80  }
0xe7: {  	[sflag:s15] =	ssyncset.done $0x0  }
0xe8: {  	[sflag:s15] =	ssyncadd.s32 $0xFFFFC180  }
0xe9: {  	_ =	swait.ge [sflag:s15], $0x3E80  }
0xea: {  	[sflag:s15] =	ssyncset.done $0x0  }
0xeb: {  	[sflag:s15] =	ssyncadd.s32 $0xFFFFC180  }
0xec: {  	_ =	swait.ge [sflag:s15], $0x3E80  }
0xed: {  	[sflag:s15] =	ssyncset.done $0x0  }
0xee: {  	[sflag:s15] =	ssyncadd.s32 $0xFFFFC180  }
0xef: {  	_ =	swait.ge [sflag:s15], $0x3E80  }
0xf0: {  	[sflag:s15] =	ssyncset.done $0x0  }
0xf1: {  	[sflag:s15] =	ssyncadd.s32 $0xFFFFC180  }
0xf2: {  	_ =	swait.ge [sflag:s15], $0x3E80  }
0xf3: {  	[sflag:s15] =	ssyncset.done $0x0  }
0xf4: {  	[sflag:s15] =	ssyncadd.s32 $0xFFFFC180  }
0xf5: {  	_ =	swait.ge [sflag:s15], $0x3E80  }
0xf6: {  	[sflag:s15] =	ssyncset.done $0x0  }
0xf7: {  	[sflag:s15] =	ssyncadd.s32 $0xFFFFC180  }
0xf8: {  	_ =	swait.ge [sflag:s15], $0x3E80  }
0xf9: {  	[sflag:s15] =	ssyncset.done $0x0  }
0xfa: {  	[sflag:s15] =	ssyncadd.s32 $0xFFFFC180  }
0xfb: {  	_ =	swait.ge [sflag:s15], $0x3E80  }
0xfc: {  	[sflag:s15] =	ssyncset.done $0x0  }
0xfd: {  	[sflag:s15] =	ssyncadd.s32 $0xFFFFC180  }
0xfe: {  	_ =	swait.ge [sflag:s15], $0x3E80  }
0xff: {  	[sflag:s15] =	ssyncset.done $0x0  }
0x100: {  	[sflag:s15] =	ssyncadd.s32 $0xFFFFC180  }
0x101: {  	_ =	swait.ge [sflag:s15], $0x3E80  }
0x102: {  	[sflag:s15] =	ssyncset.done $0x0  }
0x103: {  	[sflag:s15] =	ssyncadd.s32 $0xFFFFC180  }
0x104: {  	_ =	swait.ge [sflag:s15], $0x3E80  }
0x105: {  	[sflag:s15] =	ssyncset.done $0x0  }
0x106: {  	[sflag:s15] =	ssyncadd.s32 $0xFFFFC180  }
0x107: {  	_ =	swait.ge [sflag:s15], $0x3E80  }
0x108: {  	s16 =	sadd.s32 $0x1, s16;
	[sflag:s15] =	ssyncset.done $0x0  }
0x109: {  	p0 =	sne.s32 s16, s8;
	[sflag:s15] =	ssyncadd.s32 $0xFFFFC180  }
.Ltmp1:
0x10a: {  	[bflag:$0x0] =	sbarrier.arrive $0xFFFF;
	(pc) =	sbr.rel @p0 .LBB2_1-.Ltmp1, $4  }
0x10b: {  	[hbm:s7], [sflag:s11] =	dma.local [spmem:s12], $0x2800  }
0x10c: {  	_ =	swait.ge [sflag:s10], $0x2800  }
0x10d: {  	[sflag:s10] =	ssyncset.done $0x0  }
0x10e: {  	[sflag:s10] =	ssyncadd.s32 $0xFFFFD800  }
0x10f: {  	_ =	sfence.sel $0x180000  }
0x110: {  	[bflag:$0x0] =	sbarrier.arrive $0xFFFF  }
0x111: {  	p0 =	sne.s32 s1, $0x0;
	_ =	strace $0x9000004A  }
0x112: {  	s0 =	sadd.s32 @!p0 $0x100000, s0;
	[bflag:$0x2] =	sbarrier.arrive $0xFFFF  }
0x113: {  	[sflag:s0] =	ssyncadd.tile.s32 @!p0 $0x1;
	_ =	shalt  }
.Lfunc_end2:
_tile_overlayer_lowered:
.L_overlay_start_2:
0x114: {  	(tag) =	ssettag $0x2  }
0x115: {  	s0 =	rddreg [dreg:$0x0];
	s2 =	stileid.u32  }
0x116: {  	s1 =	rddreg [dreg:$0x1];
	p0 =	sne.s32 s2, $0x0  }
0x117: {  	s3 =	rddreg [dreg:$0x2];
	[bflag:$0x3] =	sbarrier.arrive $0xFFFF;
	s2 =	simm.s32 @!p0 $0x1C02  }
0x118: {  	[timem:s3], [sflag:s2] =	dma.local @!p0 [hbm:s0], s1  }
0x119: {  	s0 =	simm.s32 @!p0 $0x2  }
0x11a: {  	_ =	swait.ge @!p0 [sflag:s0], s1  }
0x11b: {  	s1 =	ssub.s32 @!p0 $0x0, s1;
	[sflag:s0] =	ssyncset.done @!p0 $0x0  }
0x11c: {  	[sflag:s0] =	ssyncadd.s32 @!p0 s1  }
0x11d: {  	[bflag:$0x3] =	sbarrier.arrive $0xFFFF  }
0x11e: {  	_ =	shalt  }

</sc_bundles>
